<compile_context>
chip_gen: v7x
topology: tpu7x:2x2x1
jax: 0.10.2.dev20260603
libtpu: 0.0.44.dev20260713+nightly
codegen_flags: <defaults>
</compile_context>

<pallas_src>
import functools

import jax
import jax.numpy as jnp
from jax import lax
from jax.experimental import pallas as pl
from jax.experimental.pallas import tpu as pltpu
from jax.experimental.pallas import tpu_sc as plsc

NC = 2
NS = 16
L = 16

N_PAD = 100352
ROW_W = 128
CHUNK_ROWS = 32


def _occupancy_call(idx2d):
    rows = idx2d.shape[0]
    nw = NC * NS
    total_chunks = (rows + CHUNK_ROWS - 1) // CHUNK_ROWS
    nloop = (total_chunks + nw - 1) // nw
    npair = (nloop + 1) // 2
    last_r0 = (max(rows - CHUNK_ROWS, 0) // 8) * 8
    tail_rows = rows - min(last_r0 + CHUNK_ROWS, rows)
    if tail_rows:
        tail_rows = rows - (rows // 8) * 8
        tail_r0 = (rows // 8) * 8
    slice_n = N_PAD // NS
    mesh = plsc.VectorSubcoreMesh(core_axis_name="c", subcore_axis_name="s")

    @functools.partial(
        pl.kernel,
        mesh=mesh,
        out_type=jax.ShapeDtypeStruct((NC, N_PAD), jnp.float32),
        scratch_types=[
            pltpu.VMEM((2, CHUNK_ROWS, ROW_W), jnp.int32),
            pltpu.VMEM((ROW_W,), jnp.float32),
            pltpu.VMEM((slice_n,), jnp.float32),
            pltpu.VMEM_SHARED((N_PAD,), jnp.float32),
            pltpu.SemaphoreType.DMA,
            pltpu.SemaphoreType.DMA,
            pltpu.SemaphoreType.DMA,
            pltpu.SemaphoreType.DMA,
        ],
    )
    def occ_kernel(idx_hbm, out_hbm, idx_v, ones_v, zero_v, acc_sh,
                   lsem0, lsem1, ssem0, ssem1):
        c = lax.axis_index("c")
        s = lax.axis_index("s")
        wid = s * NC + c
        lsems = (lsem0, lsem1)
        for k in range(ROW_W // L):
            ones_v[pl.ds(k * L, L)] = jnp.ones((L,), jnp.float32)

        def zbody(i, carry):
            zero_v[pl.ds(i * L, L)] = jnp.zeros((L,), jnp.float32)
            return carry

        lax.fori_loop(0, slice_n // L, zbody, 0)
        pltpu.sync_copy(zero_v, acc_sh.at[pl.ds(s * slice_n, slice_n)])
        plsc.subcore_barrier()

        if tail_rows:
            @pl.when(wid == 0)
            def _():
                pltpu.sync_copy(idx_hbm.at[pl.ds(tail_r0, tail_rows)],
                                idx_v.at[0, pl.ds(0, tail_rows)])
                for j in range(tail_rows):
                    pltpu.sync_copy(ones_v, acc_sh.at[idx_v.at[0, j]],
                                    add=True)

        def start_load(i, buf):
            cc = wid + i * nw

            @pl.when(cc < total_chunks)
            def _():
                r0 = pl.multiple_of(
                    jnp.minimum(cc * CHUNK_ROWS, last_r0), 8)
                pltpu.async_copy(idx_hbm.at[pl.ds(r0, CHUNK_ROWS)],
                                 idx_v.at[buf], lsems[buf])

        start_load(0, 0)
        start_load(1, 1)

        def wait_load(buf):
            pltpu.make_async_copy(
                idx_hbm.at[pl.ds(0, CHUNK_ROWS)],
                idx_v.at[buf], lsems[buf]).wait()

        def fire(buf, sem):
            return [pltpu.async_copy(
                        ones_v, acc_sh.at[idx_v.at[buf, j]], sem,
                        add=True)
                    for j in range(CHUNK_ROWS)]

        def pair_body(i2, carry):
            i = 2 * i2
            cc0 = wid + i * nw
            cc1 = wid + (i + 1) * nw

            @pl.when(cc0 < total_chunks)
            def _():
                wait_load(0)
                h0 = fire(0, ssem0)

                @pl.when(cc1 < total_chunks)
                def _():
                    wait_load(1)
                    h1 = fire(1, ssem1)
                    for h in h0:
                        h.wait()
                    start_load(i + 2, 0)
                    for h in h1:
                        h.wait()
                    start_load(i + 3, 1)

                @pl.when(jnp.logical_not(cc1 < total_chunks))
                def _():
                    for h in h0:
                        h.wait()

            return carry

        lax.fori_loop(0, npair, pair_body, 0)
        plsc.subcore_barrier()
        pltpu.sync_copy(acc_sh.at[pl.ds(s * slice_n, slice_n)],
                        out_hbm.at[c, pl.ds(s * slice_n, slice_n)])

    return occ_kernel(idx2d)


def _gdb_mask_body(xs_ref, xv_ref, occa_ref, occb_ref,
                   a1_ref, a2_ref, s3_ref, r8_ref,
                   ws1_ref, w2n_ref, w2z_ref, wg_ref, bg_ref,
                   outs_ref, outv_ref):
    f32 = jnp.float32
    dot = functools.partial(jnp.dot, preferred_element_type=f32)
    bn = xs_ref.shape[0]
    xs = xs_ref[...]
    xv = xv_ref[...]
    vi = dot(xv, a1_ref[...])
    vn = jnp.sqrt(dot(vi * vi, s3_ref[...]))
    z = dot(xs, ws1_ref[...])
    os_ = dot(vn, w2n_ref[...]) + dot(z, w2z_ref[...])
    gl = dot(os_, wg_ref[...]) + bg_ref[...]
    gate = 1.0 / (1.0 + jnp.exp(-gl))
    ov = dot(vi, a2_ref[...]) * dot(gate, r8_ref[...])
    mask = (occa_ref[...] + occb_ref[...]).reshape(bn, 1) > 0.0
    outs_ref[...] = jnp.where(mask, os_, 0.0)
    outv_ref[...] = jnp.where(mask, ov, 0.0)


def kernel(x_sca, x_vec, query_sca, query_vec, edge_index_i,
           Wk_vec1, Wk_vec2, Wk_s1, Wk_s2, Wk_gate, bk_gate,
           Wv_vec1, Wv_vec2, Wv_s1, Wv_s2, Wv_gate, bv_gate):
    n = x_sca.shape[0]
    e = edge_index_i.shape[0]

    if e % ROW_W:
        pad = ROW_W - e % ROW_W
        edge_index_i = jnp.concatenate(
            [edge_index_i, jnp.full((pad,), n, jnp.int32)])
    idx2d = edge_index_i.reshape(-1, ROW_W)
    occ2 = _occupancy_call(idx2d)
    occ_a = occ2[0, :n]
    occ_b = occ2[1, :n]

    eye3 = jnp.eye(3, dtype=jnp.float32)
    a1 = jnp.kron(Wv_vec1, eye3).T
    a2 = jnp.kron(Wv_vec2, eye3).T
    s3 = jnp.kron(jnp.eye(8, dtype=jnp.float32), jnp.ones((3, 1), jnp.float32))
    r8 = jnp.kron(jnp.eye(8, dtype=jnp.float32), jnp.ones((1, 3), jnp.float32))
    ws1 = Wv_s1.T
    w2n = Wv_s2.T[:8]
    w2z = Wv_s2.T[8:]
    wg = Wv_gate.T
    bg = bv_gate.reshape(1, 8)

    bn = 2048
    grid = ((n + bn - 1) // bn,)
    full = lambda i: (0, 0)
    row = lambda i: (i, 0)
    out_s, out_v = pl.pallas_call(
        _gdb_mask_body,
        grid=grid,
        in_specs=[
            pl.BlockSpec((bn, 32), row),
            pl.BlockSpec((bn, 24), row),
            pl.BlockSpec((bn,), lambda i: (i,)),
            pl.BlockSpec((bn,), lambda i: (i,)),
            pl.BlockSpec((24, 24), full),
            pl.BlockSpec((24, 24), full),
            pl.BlockSpec((24, 8), full),
            pl.BlockSpec((8, 24), full),
            pl.BlockSpec((32, 8), full),
            pl.BlockSpec((8, 16), full),
            pl.BlockSpec((8, 16), full),
            pl.BlockSpec((16, 8), full),
            pl.BlockSpec((1, 8), full),
        ],
        out_specs=[
            pl.BlockSpec((bn, 16), row),
            pl.BlockSpec((bn, 24), row),
        ],
        out_shape=[
            jax.ShapeDtypeStruct((n, 16), jnp.float32),
            jax.ShapeDtypeStruct((n, 24), jnp.float32),
        ],
    )(x_sca, x_vec.reshape(n, 24), occ_a, occ_b,
      a1, a2, s3, r8, ws1, w2n, w2z, wg, bg)

    return out_s, out_v.reshape(n, 8, 3)

# --- scband reference (transcript-rebuilt; emitter-appended) ---
"""Pipeline reference for scband-message-attention-88854283420025 (READ-ONLY COPY).

The authoritative reference and input builder live on the scoring server;
editing this copy changes nothing except your own understanding.
"""

import jax, jax.numpy as jnp
import numpy as np

N = 100000
E = 1600000
IN_SCA, IN_VEC = 32, 8
OUT_SCA, OUT_VEC = 16, 8
H = 4
HID = 8      # max(in_vec, out_vec) since bottleneck == 1
SHID = 8     # max(in_vec, out_vec) since sca bottleneck == 1


def setup_inputs(seed: int = 0):
    key = jax.random.key(seed)
    ks = jax.random.split(key, 20)
    w = lambda k, shape: (0.1 * jax.random.normal(k, shape, jnp.float32))
    inp = {}
    inp['x_sca'] = jax.random.normal(ks[0], (N, IN_SCA), jnp.float32)
    inp['x_vec'] = jax.random.normal(ks[1], (N, IN_VEC, 3), jnp.float32)
    inp['query_sca'] = jax.random.normal(ks[2], (E, OUT_SCA), jnp.float32)
    inp['query_vec'] = jax.random.normal(ks[3], (E, OUT_VEC, 3), jnp.float32)
    inp['edge_index_i'] = jax.random.randint(ks[4], (E,), 0, N, jnp.int32)
    # lin_k (GDBLinear) params
    inp['Wk_vec1'] = w(ks[5], (HID, IN_VEC))
    inp['Wk_vec2'] = w(ks[6], (OUT_VEC, HID))
    inp['Wk_s1'] = w(ks[7], (SHID, IN_SCA))
    inp['Wk_s2'] = w(ks[8], (OUT_SCA, HID + SHID))
    inp['Wk_gate'] = w(ks[9], (OUT_VEC, OUT_SCA))
    inp['bk_gate'] = w(ks[10], (OUT_VEC,))
    # lin_v (GDBLinear) params
    inp['Wv_vec1'] = w(ks[11], (HID, IN_VEC))
    inp['Wv_vec2'] = w(ks[12], (OUT_VEC, HID))
    inp['Wv_s1'] = w(ks[13], (SHID, IN_SCA))
    inp['Wv_s2'] = w(ks[14], (OUT_SCA, HID + SHID))
    inp['Wv_gate'] = w(ks[15], (OUT_VEC, OUT_SCA))
    inp['bv_gate'] = w(ks[16], (OUT_VEC,))
    return inp


def gdb_linear(s, v, Wvec1, Wvec2, Ws1, Ws2, Wgate, bgate):
    # VNLinear: linear over channel dim of (N, C, 3)
    v_inter = jnp.einsum('nci,hc->nhi', v, Wvec1)          # (N, HID, 3)
    v_norm = jnp.sqrt(jnp.sum(v_inter * v_inter, axis=-1))  # (N, HID)
    z_sca = s @ Ws1.T                                       # (N, SHID)
    cat = jnp.concatenate([v_norm, z_sca], axis=-1)         # (N, HID+SHID)
    out_s = cat @ Ws2.T                                     # (N, OUT_SCA)
    gate = jax.nn.sigmoid(out_s @ Wgate.T + bgate)[..., None]  # (N, OUT_VEC, 1)
    out_v = jnp.einsum('nhi,oh->noi', v_inter, Wvec2)       # (N, OUT_VEC, 3)
    out_v = gate * out_v
    return out_s, out_v


def segment_softmax(scores, seg, num_segments):
    smax = jax.ops.segment_max(scores, seg, num_segments)
    e = jnp.exp(scores - smax[seg])
    denom = jax.ops.segment_sum(e, seg, num_segments)
    return e / denom[seg]


def reference(x_sca, x_vec, query_sca, query_vec, edge_index_i,
              Wk_vec1, Wk_vec2, Wk_s1, Wk_s2, Wk_gate, bk_gate,
              Wv_vec1, Wv_vec2, Wv_s1, Wv_s2, Wv_gate, bv_gate):
    n = x_sca.shape[0]
    k_s, k_v = gdb_linear(x_sca, x_vec, Wk_vec1, Wk_vec2, Wk_s1, Wk_s2, Wk_gate, bk_gate)
    v_s, v_v = gdb_linear(x_sca, x_vec, Wv_vec1, Wv_vec2, Wv_s1, Wv_s2, Wv_gate, bv_gate)
    # scalar attention
    q_s = query_sca.reshape(-1, H, OUT_SCA // H)
    ks_m = jnp.take(k_s, edge_index_i, axis=0).reshape(-1, H, OUT_SCA // H)
    alpha_s = jnp.sum(q_s * ks_m, axis=-1)                      # (E, H)
    alpha_s = segment_softmax(alpha_s, edge_index_i, n)
    # vector attention
    q_v = query_vec.reshape(-1, H, OUT_VEC // H, 3)
    kv_m = jnp.take(k_v, edge_index_i, axis=0).reshape(-1, H, OUT_VEC // H, 3)
    alpha_v = jnp.sum(q_v * kv_m, axis=(-1, -2))                # (E, H)
    alpha_v = segment_softmax(alpha_v, edge_index_i, n)
    # weighted values, aggregated per destination node
    val_s = jnp.take(v_s, edge_index_i, axis=0).reshape(-1, H, OUT_SCA // H)
    val_v = jnp.take(v_v, edge_index_i, axis=0).reshape(-1, H, OUT_VEC // H, 3)
    out_s = jax.ops.segment_sum(alpha_s[..., None] * val_s, edge_index_i, n).reshape(n, -1)
    out_v = jax.ops.segment_sum(alpha_v[..., None, None] * val_v, edge_index_i, n).reshape(n, -1, 3)
    return out_s, out_v

if __name__ == "__main__":
    import jax
    _d = setup_inputs()
    print(jax.jit(kernel)(*tuple(_d.values())))

</pallas_src>

<mosaic_0001>
#map = affine_map<(d0, d1) -> (0, 0)>
module attributes {stable_mosaic.version = 14 : i64} {
  func.func @occ_kernel(%arg0: i32, %arg1: i32, %arg2: memref<12500x128xi32, #tpu.memory_space<hbm>>, %arg3: memref<2x100352xf32, #tpu.memory_space<hbm>>, %arg4: memref<2x32x128xi32, #tpu.memory_space<vmem>>, %arg5: memref<128xf32, #tpu.memory_space<vmem>>, %arg6: memref<6272xf32, #tpu.memory_space<vmem>>, %arg7: memref<100352xf32, #tpu.memory_space<vmem_shared>>, %arg8: memref<!tpu.dma_semaphore, #tpu.memory_space<semaphore_mem>>, %arg9: memref<!tpu.dma_semaphore, #tpu.memory_space<semaphore_mem>>, %arg10: memref<!tpu.dma_semaphore, #tpu.memory_space<semaphore_mem>>, %arg11: memref<!tpu.dma_semaphore, #tpu.memory_space<semaphore_mem>>) attributes {dimension_semantics = [#tpu.dimension_semantics<core_parallel>, #tpu.dimension_semantics<subcore_parallel>], iteration_bounds = array<i64: 2, 16>, scalar_prefetch = 0 : i64, scratch_operands = 8 : i64, tpu.core_type = #tpu.core_type<sc_vector_subcore>, window_params = [{transform_indices = #map}, {transform_indices = #map}]} {
    %mul3A = arith.constant 2 : i32
    %mul3A_0 = arith.muli %arg1, %mul3A : i32
    %add3A = arith.addi %mul3A_0, %arg0 : i32
    %broadcast_in_dim3A = arith.constant 1.000000e+00 : f32
    %broadcast_in_dim3A_1 = vector.broadcast %broadcast_in_dim3A : f32 to vector<16xf32>
    %swap3A = arith.constant 0 : index
    %swap3A_2 = tpu.vector_load %arg5[%swap3A] {strides = array<i32>} : memref<128xf32, #tpu.memory_space<vmem>>, vector<16xf32>,
    %swap3A_3 = vector.shape_cast %swap3A_2 : vector<16xf32> to vector<16xf32>
    %swap3A_4 = vector.shape_cast %broadcast_in_dim3A_1 : vector<16xf32> to vector<16xf32>
    tpu.vector_store %arg5[%swap3A], %swap3A_4 {strides = array<i32>} : memref<128xf32, #tpu.memory_space<vmem>>, vector<16xf32>,
    %broadcast_in_dim3A_5 = arith.constant 1.000000e+00 : f32
    %broadcast_in_dim3A_6 = vector.broadcast %broadcast_in_dim3A_5 : f32 to vector<16xf32>
    %swap3A_7 = arith.constant 16 : index
    %swap3A_8 = tpu.vector_load %arg5[%swap3A_7] {strides = array<i32>} : memref<128xf32, #tpu.memory_space<vmem>>, vector<16xf32>,
    %swap3A_9 = vector.shape_cast %swap3A_8 : vector<16xf32> to vector<16xf32>
    %swap3A_10 = vector.shape_cast %broadcast_in_dim3A_6 : vector<16xf32> to vector<16xf32>
    tpu.vector_store %arg5[%swap3A_7], %swap3A_10 {strides = array<i32>} : memref<128xf32, #tpu.memory_space<vmem>>, vector<16xf32>,
    %broadcast_in_dim3A_11 = arith.constant 1.000000e+00 : f32
    %broadcast_in_dim3A_12 = vector.broadcast %broadcast_in_dim3A_11 : f32 to vector<16xf32>
    %swap3A_13 = arith.constant 32 : index
    %swap3A_14 = tpu.vector_load %arg5[%swap3A_13] {strides = array<i32>} : memref<128xf32, #tpu.memory_space<vmem>>, vector<16xf32>,
    %swap3A_15 = vector.shape_cast %swap3A_14 : vector<16xf32> to vector<16xf32>
    %swap3A_16 = vector.shape_cast %broadcast_in_dim3A_12 : vector<16xf32> to vector<16xf32>
    tpu.vector_store %arg5[%swap3A_13], %swap3A_16 {strides = array<i32>} : memref<128xf32, #tpu.memory_space<vmem>>, vector<16xf32>,
    %broadcast_in_dim3A_17 = arith.constant 1.000000e+00 : f32
    %broadcast_in_dim3A_18 = vector.broadcast %broadcast_in_dim3A_17 : f32 to vector<16xf32>
    %swap3A_19 = arith.constant 48 : index
    %swap3A_20 = tpu.vector_load %arg5[%swap3A_19] {strides = array<i32>} : memref<128xf32, #tpu.memory_space<vmem>>, vector<16xf32>,
    %swap3A_21 = vector.shape_cast %swap3A_20 : vector<16xf32> to vector<16xf32>
    %swap3A_22 = vector.shape_cast %broadcast_in_dim3A_18 : vector<16xf32> to vector<16xf32>
    tpu.vector_store %arg5[%swap3A_19], %swap3A_22 {strides = array<i32>} : memref<128xf32, #tpu.memory_space<vmem>>, vector<16xf32>,
    %broadcast_in_dim3A_23 = arith.constant 1.000000e+00 : f32
    %broadcast_in_dim3A_24 = vector.broadcast %broadcast_in_dim3A_23 : f32 to vector<16xf32>
    %swap3A_25 = arith.constant 64 : index
    %swap3A_26 = tpu.vector_load %arg5[%swap3A_25] {strides = array<i32>} : memref<128xf32, #tpu.memory_space<vmem>>, vector<16xf32>,
    %swap3A_27 = vector.shape_cast %swap3A_26 : vector<16xf32> to vector<16xf32>
    %swap3A_28 = vector.shape_cast %broadcast_in_dim3A_24 : vector<16xf32> to vector<16xf32>
    tpu.vector_store %arg5[%swap3A_25], %swap3A_28 {strides = array<i32>} : memref<128xf32, #tpu.memory_space<vmem>>, vector<16xf32>,
    %broadcast_in_dim3A_29 = arith.constant 1.000000e+00 : f32
    %broadcast_in_dim3A_30 = vector.broadcast %broadcast_in_dim3A_29 : f32 to vector<16xf32>
    %swap3A_31 = arith.constant 80 : index
    %swap3A_32 = tpu.vector_load %arg5[%swap3A_31] {strides = array<i32>} : memref<128xf32, #tpu.memory_space<vmem>>, vector<16xf32>,
    %swap3A_33 = vector.shape_cast %swap3A_32 : vector<16xf32> to vector<16xf32>
    %swap3A_34 = vector.shape_cast %broadcast_in_dim3A_30 : vector<16xf32> to vector<16xf32>
    tpu.vector_store %arg5[%swap3A_31], %swap3A_34 {strides = array<i32>} : memref<128xf32, #tpu.memory_space<vmem>>, vector<16xf32>,
    %broadcast_in_dim3A_35 = arith.constant 1.000000e+00 : f32
    %broadcast_in_dim3A_36 = vector.broadcast %broadcast_in_dim3A_35 : f32 to vector<16xf32>
    %swap3A_37 = arith.constant 96 : index
    %swap3A_38 = tpu.vector_load %arg5[%swap3A_37] {strides = array<i32>} : memref<128xf32, #tpu.memory_space<vmem>>, vector<16xf32>,
    %swap3A_39 = vector.shape_cast %swap3A_38 : vector<16xf32> to vector<16xf32>
    %swap3A_40 = vector.shape_cast %broadcast_in_dim3A_36 : vector<16xf32> to vector<16xf32>
    tpu.vector_store %arg5[%swap3A_37], %swap3A_40 {strides = array<i32>} : memref<128xf32, #tpu.memory_space<vmem>>, vector<16xf32>,
    %broadcast_in_dim3A_41 = arith.constant 1.000000e+00 : f32
    %broadcast_in_dim3A_42 = vector.broadcast %broadcast_in_dim3A_41 : f32 to vector<16xf32>
    %swap3A_43 = arith.constant 112 : index
    %swap3A_44 = tpu.vector_load %arg5[%swap3A_43] {strides = array<i32>} : memref<128xf32, #tpu.memory_space<vmem>>, vector<16xf32>,
    %swap3A_45 = vector.shape_cast %swap3A_44 : vector<16xf32> to vector<16xf32>
    %swap3A_46 = vector.shape_cast %broadcast_in_dim3A_42 : vector<16xf32> to vector<16xf32>
    tpu.vector_store %arg5[%swap3A_43], %swap3A_46 {strides = array<i32>} : memref<128xf32, #tpu.memory_space<vmem>>, vector<16xf32>,
    %scan3A = arith.constant 0 : i32
    %scan3A_47 = arith.constant 0 : i32
    %scan3A_48 = arith.constant 392 : i32
    %scan3A_49 = arith.addi %scan3A_47, %scan3A_48 : i32
    %scan3A_50 = arith.constant 1 : i32
    scf.for %scan3A_80 = %scan3A_47 to %scan3A_49 step %scan3A_50  : i32 {
      %broadcast_in_dim3A_81 = arith.constant 0.000000e+00 : f32
      %broadcast_in_dim3A_82 = vector.broadcast %broadcast_in_dim3A_81 : f32 to vector<16xf32>
      %mul3A_83 = arith.constant 16 : i32
      %mul3A_84 = arith.muli %scan3A_80, %mul3A_83 : i32
      %swap3A_85 = arith.index_cast %mul3A_84 : i32 to index
      %swap3A_86 = tpu.vector_load %arg6[%swap3A_85] {strides = array<i32>} : memref<6272xf32, #tpu.memory_space<vmem>>, vector<16xf32>,
      %swap3A_87 = vector.shape_cast %swap3A_86 : vector<16xf32> to vector<16xf32>
      %swap3A_88 = vector.shape_cast %broadcast_in_dim3A_82 : vector<16xf32> to vector<16xf32>
      tpu.vector_store %arg6[%swap3A_85], %swap3A_88 {strides = array<i32>} : memref<6272xf32, #tpu.memory_space<vmem>>, vector<16xf32>,
    }
    %scan3A_51 = arith.constant 392 : i32
    %mul3A_52 = arith.constant 6272 : i32
    %mul3A_53 = arith.muli %arg1, %mul3A_52 : i32
    "tpu.region"() ({
      %run_scoped3A = tpu.sem_alloc : memref<!tpu.dma_semaphore, #tpu.memory_space<semaphore_mem>>
      %dma_start3A = tpu.memref_slice %arg7[%mul3A_53] : memref<100352xf32, #tpu.memory_space<vmem_shared>> -> memref<6272xf32, #tpu.memory_space<vmem_shared>>
      %dma_start3A_80 = tpu.memref_slice %arg7[%mul3A_53] : memref<100352xf32, #tpu.memory_space<vmem_shared>> -> memref<6272xf32, #tpu.memory_space<vmem_shared>>
      tpu.enqueue_dma source(%arg6 : memref<6272xf32, #tpu.memory_space<vmem>>) target(%dma_start3A_80 : memref<6272xf32, #tpu.memory_space<vmem_shared>>) target_semaphore(%run_scoped3A : memref<!tpu.dma_semaphore, #tpu.memory_space<semaphore_mem>>)
      %dma_wait3A = tpu.memref_slice %arg7[%mul3A_53] : memref<100352xf32, #tpu.memory_space<vmem_shared>> -> memref<6272xf32, #tpu.memory_space<vmem_shared>>
      %dma_wait3A_81 = tpu.memref_slice %arg7[%mul3A_53] : memref<100352xf32, #tpu.memory_space<vmem_shared>> -> memref<6272xf32, #tpu.memory_space<vmem_shared>>
      tpu.wait_dma2 semaphore(%run_scoped3A : memref<!tpu.dma_semaphore, #tpu.memory_space<semaphore_mem>>) src(%arg6 : memref<6272xf32, #tpu.memory_space<vmem>>) dst(%dma_wait3A_81 : memref<6272xf32, #tpu.memory_space<vmem_shared>>)
      tpu.yield
    }) : () -> ()
    %barrier3A = arith.constant 0 : index
    tpu.barrier barrier_id(%barrier3A)
    %eq3A = arith.constant 0 : i32
    %eq3A_54 = arith.cmpi eq, %add3A, %eq3A : i32
    %convert_element_type3A = arith.extui %eq3A_54 : i1 to i32
    %cond3A = arith.constant 0 : i32
    %cond3A_55 = arith.cmpi ne, %convert_element_type3A, %cond3A : i32
    scf.if %cond3A_55 {
      %run_scoped3A = arith.constant 0 : i32
      "tpu.region"() ({
        %run_scoped3A_88 = tpu.sem_alloc : memref<!tpu.dma_semaphore, #tpu.memory_space<semaphore_mem>>
        %dma_start3A = arith.constant 0 : i32
        %dma_start3A_89 = arith.constant 0 : i32
        %dma_start3A_90 = tpu.memref_slice %arg4[%run_scoped3A, %dma_start3A, %dma_start3A_89] : memref<2x32x128xi32, #tpu.memory_space<vmem>> -> memref<1x4x128xi32, #tpu.memory_space<vmem>>
        %dma_start3A_91 = tpu.memref_squeeze %dma_start3A_90 : memref<1x4x128xi32, #tpu.memory_space<vmem>> -> memref<4x128xi32, #tpu.memory_space<vmem>>
        %dma_start3A_92 = arith.constant 12496 : i32
        %dma_start3A_93 = arith.constant 0 : i32
        %dma_start3A_94 = tpu.memref_slice %arg2[%dma_start3A_92, %dma_start3A_93] : memref<12500x128xi32, #tpu.memory_space<hbm>> -> memref<4x128xi32, #tpu.memory_space<hbm>>
        %dma_start3A_95 = arith.constant 0 : i32
        %dma_start3A_96 = arith.constant 0 : i32
        %dma_start3A_97 = tpu.memref_slice %arg4[%run_scoped3A, %dma_start3A_95, %dma_start3A_96] : memref<2x32x128xi32, #tpu.memory_space<vmem>> -> memref<1x4x128xi32, #tpu.memory_space<vmem>>
        %dma_start3A_98 = tpu.memref_squeeze %dma_start3A_97 : memref<1x4x128xi32, #tpu.memory_space<vmem>> -> memref<4x128xi32, #tpu.memory_space<vmem>>
        %dma_start3A_99 = arith.constant 12496 : i32
        %dma_start3A_100 = arith.constant 0 : i32
        %dma_start3A_101 = tpu.memref_slice %arg2[%dma_start3A_99, %dma_start3A_100] : memref<12500x128xi32, #tpu.memory_space<hbm>> -> memref<4x128xi32, #tpu.memory_space<hbm>>
        tpu.enqueue_dma source(%dma_start3A_101 : memref<4x128xi32, #tpu.memory_space<hbm>>) target(%dma_start3A_98 : memref<4x128xi32, #tpu.memory_space<vmem>>) target_semaphore(%run_scoped3A_88 : memref<!tpu.dma_semaphore, #tpu.memory_space<semaphore_mem>>)
        %dma_wait3A = arith.constant 0 : i32
        %dma_wait3A_102 = arith.constant 0 : i32
        %dma_wait3A_103 = tpu.memref_slice %arg4[%run_scoped3A, %dma_wait3A, %dma_wait3A_102] : memref<2x32x128xi32, #tpu.memory_space<vmem>> -> memref<1x4x128xi32, #tpu.memory_space<vmem>>
        %dma_wait3A_104 = tpu.memref_squeeze %dma_wait3A_103 : memref<1x4x128xi32, #tpu.memory_space<vmem>> -> memref<4x128xi32, #tpu.memory_space<vmem>>
        %dma_wait3A_105 = arith.constant 12496 : i32
        %dma_wait3A_106 = arith.constant 0 : i32
        %dma_wait3A_107 = tpu.memref_slice %arg2[%dma_wait3A_105, %dma_wait3A_106] : memref<12500x128xi32, #tpu.memory_space<hbm>> -> memref<4x128xi32, #tpu.memory_space<hbm>>
        %dma_wait3A_108 = arith.constant 0 : i32
        %dma_wait3A_109 = arith.constant 0 : i32
        %dma_wait3A_110 = tpu.memref_slice %arg4[%run_scoped3A, %dma_wait3A_108, %dma_wait3A_109] : memref<2x32x128xi32, #tpu.memory_space<vmem>> -> memref<1x4x128xi32, #tpu.memory_space<vmem>>
        %dma_wait3A_111 = tpu.memref_squeeze %dma_wait3A_110 : memref<1x4x128xi32, #tpu.memory_space<vmem>> -> memref<4x128xi32, #tpu.memory_space<vmem>>
        %dma_wait3A_112 = arith.constant 12496 : i32
        %dma_wait3A_113 = arith.constant 0 : i32
        %dma_wait3A_114 = tpu.memref_slice %arg2[%dma_wait3A_112, %dma_wait3A_113] : memref<12500x128xi32, #tpu.memory_space<hbm>> -> memref<4x128xi32, #tpu.memory_space<hbm>>
        tpu.wait_dma2 semaphore(%run_scoped3A_88 : memref<!tpu.dma_semaphore, #tpu.memory_space<semaphore_mem>>) src(%dma_wait3A_114 : memref<4x128xi32, #tpu.memory_space<hbm>>) dst(%dma_wait3A_111 : memref<4x128xi32, #tpu.memory_space<vmem>>)
        tpu.yield
      }) : () -> ()
      %run_scoped3A_80 = arith.constant 0 : i32
      %run_scoped3A_81 = arith.constant 0 : i32
      "tpu.region"() ({
        %run_scoped3A_88 = tpu.sem_alloc : memref<!tpu.dma_semaphore, #tpu.memory_space<semaphore_mem>>
        %dma_start3A = arith.constant 0 : i32
        %dma_start3A_89 = tpu.memref_slice %arg4[%run_scoped3A_80, %run_scoped3A_81, %dma_start3A] : memref<2x32x128xi32, #tpu.memory_space<vmem>> -> memref<1x1x128xi32, #tpu.memory_space<vmem>>
        %dma_start3A_90 = tpu.memref_squeeze %dma_start3A_89 : memref<1x1x128xi32, #tpu.memory_space<vmem>> -> memref<128xi32, #tpu.memory_space<vmem>>
        %dma_start3A_91 = arith.constant 0 : i32
        %dma_start3A_92 = tpu.memref_slice %arg7[%dma_start3A_91] : memref<100352xf32, #tpu.memory_space<vmem_shared>> -> memref<100352xf32, #tpu.memory_space<vmem_shared>>
        tpu.enqueue_indirect_dma source(%arg5 : memref<128xf32, #tpu.memory_space<vmem>>) target(%dma_start3A_92 : memref<100352xf32, #tpu.memory_space<vmem_shared>>) offsets(%dma_start3A_90 : memref<128xi32, #tpu.memory_space<vmem>>) semaphore(%run_scoped3A_88 : memref<!tpu.dma_semaphore, #tpu.memory_space<semaphore_mem>>) {add = true}
        %dma_wait3A = arith.constant 0 : i32
        %dma_wait3A_93 = tpu.memref_slice %arg4[%run_scoped3A_80, %run_scoped3A_81, %dma_wait3A] : memref<2x32x128xi32, #tpu.memory_space<vmem>> -> memref<1x1x128xi32, #tpu.memory_space<vmem>>
        %dma_wait3A_94 = tpu.memref_squeeze %dma_wait3A_93 : memref<1x1x128xi32, #tpu.memory_space<vmem>> -> memref<128xi32, #tpu.memory_space<vmem>>
        %dma_wait3A_95 = arith.constant 0 : i32
        %dma_wait3A_96 = tpu.memref_slice %arg7[%dma_wait3A_95] : memref<100352xf32, #tpu.memory_space<vmem_shared>> -> memref<100352xf32, #tpu.memory_space<vmem_shared>>
        tpu.wait_indirect_dma semaphore(%run_scoped3A_88 : memref<!tpu.dma_semaphore, #tpu.memory_space<semaphore_mem>>) src(%arg5 : memref<128xf32, #tpu.memory_space<vmem>>) dst(%dma_wait3A_96 : memref<100352xf32, #tpu.memory_space<vmem_shared>>)
        tpu.yield
      }) : () -> ()
      %run_scoped3A_82 = arith.constant 0 : i32
      %run_scoped3A_83 = arith.constant 1 : i32
      "tpu.region"() ({
        %run_scoped3A_88 = tpu.sem_alloc : memref<!tpu.dma_semaphore, #tpu.memory_space<semaphore_mem>>
        %dma_start3A = arith.constant 0 : i32
        %dma_start3A_89 = tpu.memref_slice %arg4[%run_scoped3A_82, %run_scoped3A_83, %dma_start3A] : memref<2x32x128xi32, #tpu.memory_space<vmem>> -> memref<1x1x128xi32, #tpu.memory_space<vmem>>
        %dma_start3A_90 = tpu.memref_squeeze %dma_start3A_89 : memref<1x1x128xi32, #tpu.memory_space<vmem>> -> memref<128xi32, #tpu.memory_space<vmem>>
        %dma_start3A_91 = arith.constant 0 : i32
        %dma_start3A_92 = tpu.memref_slice %arg7[%dma_start3A_91] : memref<100352xf32, #tpu.memory_space<vmem_shared>> -> memref<100352xf32, #tpu.memory_space<vmem_shared>>
        tpu.enqueue_indirect_dma source(%arg5 : memref<128xf32, #tpu.memory_space<vmem>>) target(%dma_start3A_92 : memref<100352xf32, #tpu.memory_space<vmem_shared>>) offsets(%dma_start3A_90 : memref<128xi32, #tpu.memory_space<vmem>>) semaphore(%run_scoped3A_88 : memref<!tpu.dma_semaphore, #tpu.memory_space<semaphore_mem>>) {add = true}
        %dma_wait3A = arith.constant 0 : i32
        %dma_wait3A_93 = tpu.memref_slice %arg4[%run_scoped3A_82, %run_scoped3A_83, %dma_wait3A] : memref<2x32x128xi32, #tpu.memory_space<vmem>> -> memref<1x1x128xi32, #tpu.memory_space<vmem>>
        %dma_wait3A_94 = tpu.memref_squeeze %dma_wait3A_93 : memref<1x1x128xi32, #tpu.memory_space<vmem>> -> memref<128xi32, #tpu.memory_space<vmem>>
        %dma_wait3A_95 = arith.constant 0 : i32
        %dma_wait3A_96 = tpu.memref_slice %arg7[%dma_wait3A_95] : memref<100352xf32, #tpu.memory_space<vmem_shared>> -> memref<100352xf32, #tpu.memory_space<vmem_shared>>
        tpu.wait_indirect_dma semaphore(%run_scoped3A_88 : memref<!tpu.dma_semaphore, #tpu.memory_space<semaphore_mem>>) src(%arg5 : memref<128xf32, #tpu.memory_space<vmem>>) dst(%dma_wait3A_96 : memref<100352xf32, #tpu.memory_space<vmem_shared>>)
        tpu.yield
      }) : () -> ()
      %run_scoped3A_84 = arith.constant 0 : i32
      %run_scoped3A_85 = arith.constant 2 : i32
      "tpu.region"() ({
        %run_scoped3A_88 = tpu.sem_alloc : memref<!tpu.dma_semaphore, #tpu.memory_space<semaphore_mem>>
        %dma_start3A = arith.constant 0 : i32
        %dma_start3A_89 = tpu.memref_slice %arg4[%run_scoped3A_84, %run_scoped3A_85, %dma_start3A] : memref<2x32x128xi32, #tpu.memory_space<vmem>> -> memref<1x1x128xi32, #tpu.memory_space<vmem>>
        %dma_start3A_90 = tpu.memref_squeeze %dma_start3A_89 : memref<1x1x128xi32, #tpu.memory_space<vmem>> -> memref<128xi32, #tpu.memory_space<vmem>>
        %dma_start3A_91 = arith.constant 0 : i32
        %dma_start3A_92 = tpu.memref_slice %arg7[%dma_start3A_91] : memref<100352xf32, #tpu.memory_space<vmem_shared>> -> memref<100352xf32, #tpu.memory_space<vmem_shared>>
        tpu.enqueue_indirect_dma source(%arg5 : memref<128xf32, #tpu.memory_space<vmem>>) target(%dma_start3A_92 : memref<100352xf32, #tpu.memory_space<vmem_shared>>) offsets(%dma_start3A_90 : memref<128xi32, #tpu.memory_space<vmem>>) semaphore(%run_scoped3A_88 : memref<!tpu.dma_semaphore, #tpu.memory_space<semaphore_mem>>) {add = true}
        %dma_wait3A = arith.constant 0 : i32
        %dma_wait3A_93 = tpu.memref_slice %arg4[%run_scoped3A_84, %run_scoped3A_85, %dma_wait3A] : memref<2x32x128xi32, #tpu.memory_space<vmem>> -> memref<1x1x128xi32, #tpu.memory_space<vmem>>
        %dma_wait3A_94 = tpu.memref_squeeze %dma_wait3A_93 : memref<1x1x128xi32, #tpu.memory_space<vmem>> -> memref<128xi32, #tpu.memory_space<vmem>>
        %dma_wait3A_95 = arith.constant 0 : i32
        %dma_wait3A_96 = tpu.memref_slice %arg7[%dma_wait3A_95] : memref<100352xf32, #tpu.memory_space<vmem_shared>> -> memref<100352xf32, #tpu.memory_space<vmem_shared>>
        tpu.wait_indirect_dma semaphore(%run_scoped3A_88 : memref<!tpu.dma_semaphore, #tpu.memory_space<semaphore_mem>>) src(%arg5 : memref<128xf32, #tpu.memory_space<vmem>>) dst(%dma_wait3A_96 : memref<100352xf32, #tpu.memory_space<vmem_shared>>)
        tpu.yield
      }) : () -> ()
      %run_scoped3A_86 = arith.constant 0 : i32
      %run_scoped3A_87 = arith.constant 3 : i32
      "tpu.region"() ({
        %run_scoped3A_88 = tpu.sem_alloc : memref<!tpu.dma_semaphore, #tpu.memory_space<semaphore_mem>>
        %dma_start3A = arith.constant 0 : i32
        %dma_start3A_89 = tpu.memref_slice %arg4[%run_scoped3A_86, %run_scoped3A_87, %dma_start3A] : memref<2x32x128xi32, #tpu.memory_space<vmem>> -> memref<1x1x128xi32, #tpu.memory_space<vmem>>
        %dma_start3A_90 = tpu.memref_squeeze %dma_start3A_89 : memref<1x1x128xi32, #tpu.memory_space<vmem>> -> memref<128xi32, #tpu.memory_space<vmem>>
        %dma_start3A_91 = arith.constant 0 : i32
        %dma_start3A_92 = tpu.memref_slice %arg7[%dma_start3A_91] : memref<100352xf32, #tpu.memory_space<vmem_shared>> -> memref<100352xf32, #tpu.memory_space<vmem_shared>>
        tpu.enqueue_indirect_dma source(%arg5 : memref<128xf32, #tpu.memory_space<vmem>>) target(%dma_start3A_92 : memref<100352xf32, #tpu.memory_space<vmem_shared>>) offsets(%dma_start3A_90 : memref<128xi32, #tpu.memory_space<vmem>>) semaphore(%run_scoped3A_88 : memref<!tpu.dma_semaphore, #tpu.memory_space<semaphore_mem>>) {add = true}
        %dma_wait3A = arith.constant 0 : i32
        %dma_wait3A_93 = tpu.memref_slice %arg4[%run_scoped3A_86, %run_scoped3A_87, %dma_wait3A] : memref<2x32x128xi32, #tpu.memory_space<vmem>> -> memref<1x1x128xi32, #tpu.memory_space<vmem>>
        %dma_wait3A_94 = tpu.memref_squeeze %dma_wait3A_93 : memref<1x1x128xi32, #tpu.memory_space<vmem>> -> memref<128xi32, #tpu.memory_space<vmem>>
        %dma_wait3A_95 = arith.constant 0 : i32
        %dma_wait3A_96 = tpu.memref_slice %arg7[%dma_wait3A_95] : memref<100352xf32, #tpu.memory_space<vmem_shared>> -> memref<100352xf32, #tpu.memory_space<vmem_shared>>
        tpu.wait_indirect_dma semaphore(%run_scoped3A_88 : memref<!tpu.dma_semaphore, #tpu.memory_space<semaphore_mem>>) src(%arg5 : memref<128xf32, #tpu.memory_space<vmem>>) dst(%dma_wait3A_96 : memref<100352xf32, #tpu.memory_space<vmem_shared>>)
        tpu.yield
      }) : () -> ()
    } else {
    }
    %add3A_56 = arith.constant 0 : i32
    %add3A_57 = arith.addi %add3A, %add3A_56 : i32
    %lt3A = arith.constant 391 : i32
    %lt3A_58 = arith.cmpi slt, %add3A_57, %lt3A : i32
    %convert_element_type3A_59 = arith.extui %lt3A_58 : i1 to i32
    %cond3A_60 = arith.constant 0 : i32
    %cond3A_61 = arith.cmpi ne, %convert_element_type3A_59, %cond3A_60 : i32
    scf.if %cond3A_61 {
      %mul3A_80 = arith.constant 32 : i32
      %mul3A_81 = arith.muli %add3A_57, %mul3A_80 : i32
      %min3A = arith.constant 12464 : i32
      %min3A_82 = arith.minsi %mul3A_81, %min3A : i32
      %multiple_of3A = tpu.assume_multiple %min3A_82, 8 : i32
      %dma_start3A = arith.constant 0 : i32
      %dma_start3A_83 = arith.constant 0 : i32
      %dma_start3A_84 = arith.constant 0 : i32
      %dma_start3A_85 = tpu.memref_slice %arg4[%dma_start3A, %dma_start3A_83, %dma_start3A_84] : memref<2x32x128xi32, #tpu.memory_space<vmem>> -> memref<1x32x128xi32, #tpu.memory_space<vmem>>
      %dma_start3A_86 = tpu.memref_squeeze %dma_start3A_85 : memref<1x32x128xi32, #tpu.memory_space<vmem>> -> memref<32x128xi32, #tpu.memory_space<vmem>>
      %dma_start3A_87 = arith.constant 0 : i32
      %dma_start3A_88 = tpu.memref_slice %arg2[%multiple_of3A, %dma_start3A_87] : memref<12500x128xi32, #tpu.memory_space<hbm>> -> memref<32x128xi32, #tpu.memory_space<hbm>>
      %dma_start3A_89 = arith.constant 0 : i32
      %dma_start3A_90 = arith.constant 0 : i32
      %dma_start3A_91 = tpu.memref_slice %arg4[%dma_start3A, %dma_start3A_89, %dma_start3A_90] : memref<2x32x128xi32, #tpu.memory_space<vmem>> -> memref<1x32x128xi32, #tpu.memory_space<vmem>>
      %dma_start3A_92 = tpu.memref_squeeze %dma_start3A_91 : memref<1x32x128xi32, #tpu.memory_space<vmem>> -> memref<32x128xi32, #tpu.memory_space<vmem>>
      %dma_start3A_93 = arith.constant 0 : i32
      %dma_start3A_94 = tpu.memref_slice %arg2[%multiple_of3A, %dma_start3A_93] : memref<12500x128xi32, #tpu.memory_space<hbm>> -> memref<32x128xi32, #tpu.memory_space<hbm>>
      tpu.enqueue_dma source(%dma_start3A_94 : memref<32x128xi32, #tpu.memory_space<hbm>>) target(%dma_start3A_92 : memref<32x128xi32, #tpu.memory_space<vmem>>) target_semaphore(%arg8 : memref<!tpu.dma_semaphore, #tpu.memory_space<semaphore_mem>>)
    } else {
    }
    %add3A_62 = arith.constant 32 : i32
    %add3A_63 = arith.addi %add3A, %add3A_62 : i32
    %lt3A_64 = arith.constant 391 : i32
    %lt3A_65 = arith.cmpi slt, %add3A_63, %lt3A_64 : i32
    %convert_element_type3A_66 = arith.extui %lt3A_65 : i1 to i32
    %cond3A_67 = arith.constant 0 : i32
    %cond3A_68 = arith.cmpi ne, %convert_element_type3A_66, %cond3A_67 : i32
    scf.if %cond3A_68 {
      %mul3A_80 = arith.constant 32 : i32
      %mul3A_81 = arith.muli %add3A_63, %mul3A_80 : i32
      %min3A = arith.constant 12464 : i32
      %min3A_82 = arith.minsi %mul3A_81, %min3A : i32
      %multiple_of3A = tpu.assume_multiple %min3A_82, 8 : i32
      %dma_start3A = arith.constant 1 : i32
      %dma_start3A_83 = arith.constant 0 : i32
      %dma_start3A_84 = arith.constant 0 : i32
      %dma_start3A_85 = tpu.memref_slice %arg4[%dma_start3A, %dma_start3A_83, %dma_start3A_84] : memref<2x32x128xi32, #tpu.memory_space<vmem>> -> memref<1x32x128xi32, #tpu.memory_space<vmem>>
      %dma_start3A_86 = tpu.memref_squeeze %dma_start3A_85 : memref<1x32x128xi32, #tpu.memory_space<vmem>> -> memref<32x128xi32, #tpu.memory_space<vmem>>
      %dma_start3A_87 = arith.constant 0 : i32
      %dma_start3A_88 = tpu.memref_slice %arg2[%multiple_of3A, %dma_start3A_87] : memref<12500x128xi32, #tpu.memory_space<hbm>> -> memref<32x128xi32, #tpu.memory_space<hbm>>
      %dma_start3A_89 = arith.constant 0 : i32
      %dma_start3A_90 = arith.constant 0 : i32
      %dma_start3A_91 = tpu.memref_slice %arg4[%dma_start3A, %dma_start3A_89, %dma_start3A_90] : memref<2x32x128xi32, #tpu.memory_space<vmem>> -> memref<1x32x128xi32, #tpu.memory_space<vmem>>
      %dma_start3A_92 = tpu.memref_squeeze %dma_start3A_91 : memref<1x32x128xi32, #tpu.memory_space<vmem>> -> memref<32x128xi32, #tpu.memory_space<vmem>>
      %dma_start3A_93 = arith.constant 0 : i32
      %dma_start3A_94 = tpu.memref_slice %arg2[%multiple_of3A, %dma_start3A_93] : memref<12500x128xi32, #tpu.memory_space<hbm>> -> memref<32x128xi32, #tpu.memory_space<hbm>>
      tpu.enqueue_dma source(%dma_start3A_94 : memref<32x128xi32, #tpu.memory_space<hbm>>) target(%dma_start3A_92 : memref<32x128xi32, #tpu.memory_space<vmem>>) target_semaphore(%arg9 : memref<!tpu.dma_semaphore, #tpu.memory_space<semaphore_mem>>)
    } else {
    }
    %scan3A_69 = arith.constant 0 : i32
    %scan3A_70 = arith.constant 0 : i32
    %scan3A_71 = arith.constant 7 : i32
    %scan3A_72 = arith.addi %scan3A_70, %scan3A_71 : i32
    %scan3A_73 = arith.constant 1 : i32
    scf.for %scan3A_80 = %scan3A_70 to %scan3A_72 step %scan3A_73  : i32 {
      %mul3A_81 = arith.constant 2 : i32
      %mul3A_82 = arith.muli %mul3A_81, %scan3A_80 : i32
      %mul3A_83 = arith.constant 32 : i32
      %mul3A_84 = arith.muli %mul3A_82, %mul3A_83 : i32
      %add3A_85 = arith.addi %add3A, %mul3A_84 : i32
      %add3A_86 = arith.constant 1 : i32
      %add3A_87 = arith.addi %mul3A_82, %add3A_86 : i32
      %mul3A_88 = arith.constant 32 : i32
      %mul3A_89 = arith.muli %add3A_87, %mul3A_88 : i32
      %add3A_90 = arith.addi %add3A, %mul3A_89 : i32
      %lt3A_91 = arith.constant 391 : i32
      %lt3A_92 = arith.cmpi slt, %add3A_85, %lt3A_91 : i32
      %convert_element_type3A_93 = arith.extui %lt3A_92 : i1 to i32
      %cond3A_94 = arith.constant 0 : i32
      %cond3A_95 = arith.cmpi ne, %convert_element_type3A_93, %cond3A_94 : i32
      scf.if %cond3A_95 {
        %dma_wait3A = arith.constant 0 : i32
        %dma_wait3A_96 = arith.constant 0 : i32
        %dma_wait3A_97 = arith.constant 0 : i32
        %dma_wait3A_98 = tpu.memref_slice %arg4[%dma_wait3A, %dma_wait3A_96, %dma_wait3A_97] : memref<2x32x128xi32, #tpu.memory_space<vmem>> -> memref<1x32x128xi32, #tpu.memory_space<vmem>>
        %dma_wait3A_99 = tpu.memref_squeeze %dma_wait3A_98 : memref<1x32x128xi32, #tpu.memory_space<vmem>> -> memref<32x128xi32, #tpu.memory_space<vmem>>
        %dma_wait3A_100 = arith.constant 0 : i32
        %dma_wait3A_101 = arith.constant 0 : i32
        %dma_wait3A_102 = tpu.memref_slice %arg2[%dma_wait3A_100, %dma_wait3A_101] : memref<12500x128xi32, #tpu.memory_space<hbm>> -> memref<32x128xi32, #tpu.memory_space<hbm>>
        %dma_wait3A_103 = arith.constant 0 : i32
        %dma_wait3A_104 = arith.constant 0 : i32
        %dma_wait3A_105 = tpu.memref_slice %arg4[%dma_wait3A, %dma_wait3A_103, %dma_wait3A_104] : memref<2x32x128xi32, #tpu.memory_space<vmem>> -> memref<1x32x128xi32, #tpu.memory_space<vmem>>
        %dma_wait3A_106 = tpu.memref_squeeze %dma_wait3A_105 : memref<1x32x128xi32, #tpu.memory_space<vmem>> -> memref<32x128xi32, #tpu.memory_space<vmem>>
        %dma_wait3A_107 = arith.constant 0 : i32
        %dma_wait3A_108 = arith.constant 0 : i32
        %dma_wait3A_109 = tpu.memref_slice %arg2[%dma_wait3A_107, %dma_wait3A_108] : memref<12500x128xi32, #tpu.memory_space<hbm>> -> memref<32x128xi32, #tpu.memory_space<hbm>>
        tpu.wait_dma2 semaphore(%arg8 : memref<!tpu.dma_semaphore, #tpu.memory_space<semaphore_mem>>) src(%dma_wait3A_109 : memref<32x128xi32, #tpu.memory_space<hbm>>) dst(%dma_wait3A_106 : memref<32x128xi32, #tpu.memory_space<vmem>>)
        %dma_start3A = arith.constant 0 : i32
        %dma_start3A_110 = arith.constant 0 : i32
        %dma_start3A_111 = arith.constant 0 : i32
        %dma_start3A_112 = tpu.memref_slice %arg4[%dma_start3A, %dma_start3A_110, %dma_start3A_111] : memref<2x32x128xi32, #tpu.memory_space<vmem>> -> memref<1x1x128xi32, #tpu.memory_space<vmem>>
        %dma_start3A_113 = tpu.memref_squeeze %dma_start3A_112 : memref<1x1x128xi32, #tpu.memory_space<vmem>> -> memref<128xi32, #tpu.memory_space<vmem>>
        %dma_start3A_114 = arith.constant 0 : i32
        %dma_start3A_115 = tpu.memref_slice %arg7[%dma_start3A_114] : memref<100352xf32, #tpu.memory_space<vmem_shared>> -> memref<100352xf32, #tpu.memory_space<vmem_shared>>
        tpu.enqueue_indirect_dma source(%arg5 : memref<128xf32, #tpu.memory_space<vmem>>) target(%dma_start3A_115 : memref<100352xf32, #tpu.memory_space<vmem_shared>>) offsets(%dma_start3A_113 : memref<128xi32, #tpu.memory_space<vmem>>) semaphore(%arg10 : memref<!tpu.dma_semaphore, #tpu.memory_space<semaphore_mem>>) {add = true}
        %dma_start3A_116 = arith.constant 0 : i32
        %dma_start3A_117 = arith.constant 1 : i32
        %dma_start3A_118 = arith.constant 0 : i32
        %dma_start3A_119 = tpu.memref_slice %arg4[%dma_start3A_116, %dma_start3A_117, %dma_start3A_118] : memref<2x32x128xi32, #tpu.memory_space<vmem>> -> memref<1x1x128xi32, #tpu.memory_space<vmem>>
        %dma_start3A_120 = tpu.memref_squeeze %dma_start3A_119 : memref<1x1x128xi32, #tpu.memory_space<vmem>> -> memref<128xi32, #tpu.memory_space<vmem>>
        %dma_start3A_121 = arith.constant 0 : i32
        %dma_start3A_122 = tpu.memref_slice %arg7[%dma_start3A_121] : memref<100352xf32, #tpu.memory_space<vmem_shared>> -> memref<100352xf32, #tpu.memory_space<vmem_shared>>
        tpu.enqueue_indirect_dma source(%arg5 : memref<128xf32, #tpu.memory_space<vmem>>) target(%dma_start3A_122 : memref<100352xf32, #tpu.memory_space<vmem_shared>>) offsets(%dma_start3A_120 : memref<128xi32, #tpu.memory_space<vmem>>) semaphore(%arg10 : memref<!tpu.dma_semaphore, #tpu.memory_space<semaphore_mem>>) {add = true}
        %dma_start3A_123 = arith.constant 0 : i32
        %dma_start3A_124 = arith.constant 2 : i32
        %dma_start3A_125 = arith.constant 0 : i32
        %dma_start3A_126 = tpu.memref_slice %arg4[%dma_start3A_123, %dma_start3A_124, %dma_start3A_125] : memref<2x32x128xi32, #tpu.memory_space<vmem>> -> memref<1x1x128xi32, #tpu.memory_space<vmem>>
        %dma_start3A_127 = tpu.memref_squeeze %dma_start3A_126 : memref<1x1x128xi32, #tpu.memory_space<vmem>> -> memref<128xi32, #tpu.memory_space<vmem>>
        %dma_start3A_128 = arith.constant 0 : i32
        %dma_start3A_129 = tpu.memref_slice %arg7[%dma_start3A_128] : memref<100352xf32, #tpu.memory_space<vmem_shared>> -> memref<100352xf32, #tpu.memory_space<vmem_shared>>
        tpu.enqueue_indirect_dma source(%arg5 : memref<128xf32, #tpu.memory_space<vmem>>) target(%dma_start3A_129 : memref<100352xf32, #tpu.memory_space<vmem_shared>>) offsets(%dma_start3A_127 : memref<128xi32, #tpu.memory_space<vmem>>) semaphore(%arg10 : memref<!tpu.dma_semaphore, #tpu.memory_space<semaphore_mem>>) {add = true}
        %dma_start3A_130 = arith.constant 0 : i32
        %dma_start3A_131 = arith.constant 3 : i32
        %dma_start3A_132 = arith.constant 0 : i32
        %dma_start3A_133 = tpu.memref_slice %arg4[%dma_start3A_130, %dma_start3A_131, %dma_start3A_132] : memref<2x32x128xi32, #tpu.memory_space<vmem>> -> memref<1x1x128xi32, #tpu.memory_space<vmem>>
        %dma_start3A_134 = tpu.memref_squeeze %dma_start3A_133 : memref<1x1x128xi32, #tpu.memory_space<vmem>> -> memref<128xi32, #tpu.memory_space<vmem>>
        %dma_start3A_135 = arith.constant 0 : i32
        %dma_start3A_136 = tpu.memref_slice %arg7[%dma_start3A_135] : memref<100352xf32, #tpu.memory_space<vmem_shared>> -> memref<100352xf32, #tpu.memory_space<vmem_shared>>
        tpu.enqueue_indirect_dma source(%arg5 : memref<128xf32, #tpu.memory_space<vmem>>) target(%dma_start3A_136 : memref<100352xf32, #tpu.memory_space<vmem_shared>>) offsets(%dma_start3A_134 : memref<128xi32, #tpu.memory_space<vmem>>) semaphore(%arg10 : memref<!tpu.dma_semaphore, #tpu.memory_space<semaphore_mem>>) {add = true}
        %dma_start3A_137 = arith.constant 0 : i32
        %dma_start3A_138 = arith.constant 4 : i32
        %dma_start3A_139 = arith.constant 0 : i32
        %dma_start3A_140 = tpu.memref_slice %arg4[%dma_start3A_137, %dma_start3A_138, %dma_start3A_139] : memref<2x32x128xi32, #tpu.memory_space<vmem>> -> memref<1x1x128xi32, #tpu.memory_space<vmem>>
        %dma_start3A_141 = tpu.memref_squeeze %dma_start3A_140 : memref<1x1x128xi32, #tpu.memory_space<vmem>> -> memref<128xi32, #tpu.memory_space<vmem>>
        %dma_start3A_142 = arith.constant 0 : i32
        %dma_start3A_143 = tpu.memref_slice %arg7[%dma_start3A_142] : memref<100352xf32, #tpu.memory_space<vmem_shared>> -> memref<100352xf32, #tpu.memory_space<vmem_shared>>
        tpu.enqueue_indirect_dma source(%arg5 : memref<128xf32, #tpu.memory_space<vmem>>) target(%dma_start3A_143 : memref<100352xf32, #tpu.memory_space<vmem_shared>>) offsets(%dma_start3A_141 : memref<128xi32, #tpu.memory_space<vmem>>) semaphore(%arg10 : memref<!tpu.dma_semaphore, #tpu.memory_space<semaphore_mem>>) {add = true}
        %dma_start3A_144 = arith.constant 0 : i32
        %dma_start3A_145 = arith.constant 5 : i32
        %dma_start3A_146 = arith.constant 0 : i32
        %dma_start3A_147 = tpu.memref_slice %arg4[%dma_start3A_144, %dma_start3A_145, %dma_start3A_146] : memref<2x32x128xi32, #tpu.memory_space<vmem>> -> memref<1x1x128xi32, #tpu.memory_space<vmem>>
        %dma_start3A_148 = tpu.memref_squeeze %dma_start3A_147 : memref<1x1x128xi32, #tpu.memory_space<vmem>> -> memref<128xi32, #tpu.memory_space<vmem>>
        %dma_start3A_149 = arith.constant 0 : i32
        %dma_start3A_150 = tpu.memref_slice %arg7[%dma_start3A_149] : memref<100352xf32, #tpu.memory_space<vmem_shared>> -> memref<100352xf32, #tpu.memory_space<vmem_shared>>
        tpu.enqueue_indirect_dma source(%arg5 : memref<128xf32, #tpu.memory_space<vmem>>) target(%dma_start3A_150 : memref<100352xf32, #tpu.memory_space<vmem_shared>>) offsets(%dma_start3A_148 : memref<128xi32, #tpu.memory_space<vmem>>) semaphore(%arg10 : memref<!tpu.dma_semaphore, #tpu.memory_space<semaphore_mem>>) {add = true}
        %dma_start3A_151 = arith.constant 0 : i32
        %dma_start3A_152 = arith.constant 6 : i32
        %dma_start3A_153 = arith.constant 0 : i32
        %dma_start3A_154 = tpu.memref_slice %arg4[%dma_start3A_151, %dma_start3A_152, %dma_start3A_153] : memref<2x32x128xi32, #tpu.memory_space<vmem>> -> memref<1x1x128xi32, #tpu.memory_space<vmem>>
        %dma_start3A_155 = tpu.memref_squeeze %dma_start3A_154 : memref<1x1x128xi32, #tpu.memory_space<vmem>> -> memref<128xi32, #tpu.memory_space<vmem>>
        %dma_start3A_156 = arith.constant 0 : i32
        %dma_start3A_157 = tpu.memref_slice %arg7[%dma_start3A_156] : memref<100352xf32, #tpu.memory_space<vmem_shared>> -> memref<100352xf32, #tpu.memory_space<vmem_shared>>
        tpu.enqueue_indirect_dma source(%arg5 : memref<128xf32, #tpu.memory_space<vmem>>) target(%dma_start3A_157 : memref<100352xf32, #tpu.memory_space<vmem_shared>>) offsets(%dma_start3A_155 : memref<128xi32, #tpu.memory_space<vmem>>) semaphore(%arg10 : memref<!tpu.dma_semaphore, #tpu.memory_space<semaphore_mem>>) {add = true}
        %dma_start3A_158 = arith.constant 0 : i32
        %dma_start3A_159 = arith.constant 7 : i32
        %dma_start3A_160 = arith.constant 0 : i32
        %dma_start3A_161 = tpu.memref_slice %arg4[%dma_start3A_158, %dma_start3A_159, %dma_start3A_160] : memref<2x32x128xi32, #tpu.memory_space<vmem>> -> memref<1x1x128xi32, #tpu.memory_space<vmem>>
        %dma_start3A_162 = tpu.memref_squeeze %dma_start3A_161 : memref<1x1x128xi32, #tpu.memory_space<vmem>> -> memref<128xi32, #tpu.memory_space<vmem>>
        %dma_start3A_163 = arith.constant 0 : i32
        %dma_start3A_164 = tpu.memref_slice %arg7[%dma_start3A_163] : memref<100352xf32, #tpu.memory_space<vmem_shared>> -> memref<100352xf32, #tpu.memory_space<vmem_shared>>
        tpu.enqueue_indirect_dma source(%arg5 : memref<128xf32, #tpu.memory_space<vmem>>) target(%dma_start3A_164 : memref<100352xf32, #tpu.memory_space<vmem_shared>>) offsets(%dma_start3A_162 : memref<128xi32, #tpu.memory_space<vmem>>) semaphore(%arg10 : memref<!tpu.dma_semaphore, #tpu.memory_space<semaphore_mem>>) {add = true}
        %dma_start3A_165 = arith.constant 0 : i32
        %dma_start3A_166 = arith.constant 8 : i32
        %dma_start3A_167 = arith.constant 0 : i32
        %dma_start3A_168 = tpu.memref_slice %arg4[%dma_start3A_165, %dma_start3A_166, %dma_start3A_167] : memref<2x32x128xi32, #tpu.memory_space<vmem>> -> memref<1x1x128xi32, #tpu.memory_space<vmem>>
        %dma_start3A_169 = tpu.memref_squeeze %dma_start3A_168 : memref<1x1x128xi32, #tpu.memory_space<vmem>> -> memref<128xi32, #tpu.memory_space<vmem>>
        %dma_start3A_170 = arith.constant 0 : i32
        %dma_start3A_171 = tpu.memref_slice %arg7[%dma_start3A_170] : memref<100352xf32, #tpu.memory_space<vmem_shared>> -> memref<100352xf32, #tpu.memory_space<vmem_shared>>
        tpu.enqueue_indirect_dma source(%arg5 : memref<128xf32, #tpu.memory_space<vmem>>) target(%dma_start3A_171 : memref<100352xf32, #tpu.memory_space<vmem_shared>>) offsets(%dma_start3A_169 : memref<128xi32, #tpu.memory_space<vmem>>) semaphore(%arg10 : memref<!tpu.dma_semaphore, #tpu.memory_space<semaphore_mem>>) {add = true}
        %dma_start3A_172 = arith.constant 0 : i32
        %dma_start3A_173 = arith.constant 9 : i32
        %dma_start3A_174 = arith.constant 0 : i32
        %dma_start3A_175 = tpu.memref_slice %arg4[%dma_start3A_172, %dma_start3A_173, %dma_start3A_174] : memref<2x32x128xi32, #tpu.memory_space<vmem>> -> memref<1x1x128xi32, #tpu.memory_space<vmem>>
        %dma_start3A_176 = tpu.memref_squeeze %dma_start3A_175 : memref<1x1x128xi32, #tpu.memory_space<vmem>> -> memref<128xi32, #tpu.memory_space<vmem>>
        %dma_start3A_177 = arith.constant 0 : i32
        %dma_start3A_178 = tpu.memref_slice %arg7[%dma_start3A_177] : memref<100352xf32, #tpu.memory_space<vmem_shared>> -> memref<100352xf32, #tpu.memory_space<vmem_shared>>
        tpu.enqueue_indirect_dma source(%arg5 : memref<128xf32, #tpu.memory_space<vmem>>) target(%dma_start3A_178 : memref<100352xf32, #tpu.memory_space<vmem_shared>>) offsets(%dma_start3A_176 : memref<128xi32, #tpu.memory_space<vmem>>) semaphore(%arg10 : memref<!tpu.dma_semaphore, #tpu.memory_space<semaphore_mem>>) {add = true}
        %dma_start3A_179 = arith.constant 0 : i32
        %dma_start3A_180 = arith.constant 10 : i32
        %dma_start3A_181 = arith.constant 0 : i32
        %dma_start3A_182 = tpu.memref_slice %arg4[%dma_start3A_179, %dma_start3A_180, %dma_start3A_181] : memref<2x32x128xi32, #tpu.memory_space<vmem>> -> memref<1x1x128xi32, #tpu.memory_space<vmem>>
        %dma_start3A_183 = tpu.memref_squeeze %dma_start3A_182 : memref<1x1x128xi32, #tpu.memory_space<vmem>> -> memref<128xi32, #tpu.memory_space<vmem>>
        %dma_start3A_184 = arith.constant 0 : i32
        %dma_start3A_185 = tpu.memref_slice %arg7[%dma_start3A_184] : memref<100352xf32, #tpu.memory_space<vmem_shared>> -> memref<100352xf32, #tpu.memory_space<vmem_shared>>
        tpu.enqueue_indirect_dma source(%arg5 : memref<128xf32, #tpu.memory_space<vmem>>) target(%dma_start3A_185 : memref<100352xf32, #tpu.memory_space<vmem_shared>>) offsets(%dma_start3A_183 : memref<128xi32, #tpu.memory_space<vmem>>) semaphore(%arg10 : memref<!tpu.dma_semaphore, #tpu.memory_space<semaphore_mem>>) {add = true}
        %dma_start3A_186 = arith.constant 0 : i32
        %dma_start3A_187 = arith.constant 11 : i32
        %dma_start3A_188 = arith.constant 0 : i32
        %dma_start3A_189 = tpu.memref_slice %arg4[%dma_start3A_186, %dma_start3A_187, %dma_start3A_188] : memref<2x32x128xi32, #tpu.memory_space<vmem>> -> memref<1x1x128xi32, #tpu.memory_space<vmem>>
        %dma_start3A_190 = tpu.memref_squeeze %dma_start3A_189 : memref<1x1x128xi32, #tpu.memory_space<vmem>> -> memref<128xi32, #tpu.memory_space<vmem>>
        %dma_start3A_191 = arith.constant 0 : i32
        %dma_start3A_192 = tpu.memref_slice %arg7[%dma_start3A_191] : memref<100352xf32, #tpu.memory_space<vmem_shared>> -> memref<100352xf32, #tpu.memory_space<vmem_shared>>
        tpu.enqueue_indirect_dma source(%arg5 : memref<128xf32, #tpu.memory_space<vmem>>) target(%dma_start3A_192 : memref<100352xf32, #tpu.memory_space<vmem_shared>>) offsets(%dma_start3A_190 : memref<128xi32, #tpu.memory_space<vmem>>) semaphore(%arg10 : memref<!tpu.dma_semaphore, #tpu.memory_space<semaphore_mem>>) {add = true}
        %dma_start3A_193 = arith.constant 0 : i32
        %dma_start3A_194 = arith.constant 12 : i32
        %dma_start3A_195 = arith.constant 0 : i32
        %dma_start3A_196 = tpu.memref_slice %arg4[%dma_start3A_193, %dma_start3A_194, %dma_start3A_195] : memref<2x32x128xi32, #tpu.memory_space<vmem>> -> memref<1x1x128xi32, #tpu.memory_space<vmem>>
        %dma_start3A_197 = tpu.memref_squeeze %dma_start3A_196 : memref<1x1x128xi32, #tpu.memory_space<vmem>> -> memref<128xi32, #tpu.memory_space<vmem>>
        %dma_start3A_198 = arith.constant 0 : i32
        %dma_start3A_199 = tpu.memref_slice %arg7[%dma_start3A_198] : memref<100352xf32, #tpu.memory_space<vmem_shared>> -> memref<100352xf32, #tpu.memory_space<vmem_shared>>
        tpu.enqueue_indirect_dma source(%arg5 : memref<128xf32, #tpu.memory_space<vmem>>) target(%dma_start3A_199 : memref<100352xf32, #tpu.memory_space<vmem_shared>>) offsets(%dma_start3A_197 : memref<128xi32, #tpu.memory_space<vmem>>) semaphore(%arg10 : memref<!tpu.dma_semaphore, #tpu.memory_space<semaphore_mem>>) {add = true}
        %dma_start3A_200 = arith.constant 0 : i32
        %dma_start3A_201 = arith.constant 13 : i32
        %dma_start3A_202 = arith.constant 0 : i32
        %dma_start3A_203 = tpu.memref_slice %arg4[%dma_start3A_200, %dma_start3A_201, %dma_start3A_202] : memref<2x32x128xi32, #tpu.memory_space<vmem>> -> memref<1x1x128xi32, #tpu.memory_space<vmem>>
        %dma_start3A_204 = tpu.memref_squeeze %dma_start3A_203 : memref<1x1x128xi32, #tpu.memory_space<vmem>> -> memref<128xi32, #tpu.memory_space<vmem>>
        %dma_start3A_205 = arith.constant 0 : i32
        %dma_start3A_206 = tpu.memref_slice %arg7[%dma_start3A_205] : memref<100352xf32, #tpu.memory_space<vmem_shared>> -> memref<100352xf32, #tpu.memory_space<vmem_shared>>
        tpu.enqueue_indirect_dma source(%arg5 : memref<128xf32, #tpu.memory_space<vmem>>) target(%dma_start3A_206 : memref<100352xf32, #tpu.memory_space<vmem_shared>>) offsets(%dma_start3A_204 : memref<128xi32, #tpu.memory_space<vmem>>) semaphore(%arg10 : memref<!tpu.dma_semaphore, #tpu.memory_space<semaphore_mem>>) {add = true}
        %dma_start3A_207 = arith.constant 0 : i32
        %dma_start3A_208 = arith.constant 14 : i32
        %dma_start3A_209 = arith.constant 0 : i32
        %dma_start3A_210 = tpu.memref_slice %arg4[%dma_start3A_207, %dma_start3A_208, %dma_start3A_209] : memref<2x32x128xi32, #tpu.memory_space<vmem>> -> memref<1x1x128xi32, #tpu.memory_space<vmem>>
        %dma_start3A_211 = tpu.memref_squeeze %dma_start3A_210 : memref<1x1x128xi32, #tpu.memory_space<vmem>> -> memref<128xi32, #tpu.memory_space<vmem>>
        %dma_start3A_212 = arith.constant 0 : i32
        %dma_start3A_213 = tpu.memref_slice %arg7[%dma_start3A_212] : memref<100352xf32, #tpu.memory_space<vmem_shared>> -> memref<100352xf32, #tpu.memory_space<vmem_shared>>
        tpu.enqueue_indirect_dma source(%arg5 : memref<128xf32, #tpu.memory_space<vmem>>) target(%dma_start3A_213 : memref<100352xf32, #tpu.memory_space<vmem_shared>>) offsets(%dma_start3A_211 : memref<128xi32, #tpu.memory_space<vmem>>) semaphore(%arg10 : memref<!tpu.dma_semaphore, #tpu.memory_space<semaphore_mem>>) {add = true}
        %dma_start3A_214 = arith.constant 0 : i32
        %dma_start3A_215 = arith.constant 15 : i32
        %dma_start3A_216 = arith.constant 0 : i32
        %dma_start3A_217 = tpu.memref_slice %arg4[%dma_start3A_214, %dma_start3A_215, %dma_start3A_216] : memref<2x32x128xi32, #tpu.memory_space<vmem>> -> memref<1x1x128xi32, #tpu.memory_space<vmem>>
        %dma_start3A_218 = tpu.memref_squeeze %dma_start3A_217 : memref<1x1x128xi32, #tpu.memory_space<vmem>> -> memref<128xi32, #tpu.memory_space<vmem>>
        %dma_start3A_219 = arith.constant 0 : i32
        %dma_start3A_220 = tpu.memref_slice %arg7[%dma_start3A_219] : memref<100352xf32, #tpu.memory_space<vmem_shared>> -> memref<100352xf32, #tpu.memory_space<vmem_shared>>
        tpu.enqueue_indirect_dma source(%arg5 : memref<128xf32, #tpu.memory_space<vmem>>) target(%dma_start3A_220 : memref<100352xf32, #tpu.memory_space<vmem_shared>>) offsets(%dma_start3A_218 : memref<128xi32, #tpu.memory_space<vmem>>) semaphore(%arg10 : memref<!tpu.dma_semaphore, #tpu.memory_space<semaphore_mem>>) {add = true}
        %dma_start3A_221 = arith.constant 0 : i32
        %dma_start3A_222 = arith.constant 16 : i32
        %dma_start3A_223 = arith.constant 0 : i32
        %dma_start3A_224 = tpu.memref_slice %arg4[%dma_start3A_221, %dma_start3A_222, %dma_start3A_223] : memref<2x32x128xi32, #tpu.memory_space<vmem>> -> memref<1x1x128xi32, #tpu.memory_space<vmem>>
        %dma_start3A_225 = tpu.memref_squeeze %dma_start3A_224 : memref<1x1x128xi32, #tpu.memory_space<vmem>> -> memref<128xi32, #tpu.memory_space<vmem>>
        %dma_start3A_226 = arith.constant 0 : i32
        %dma_start3A_227 = tpu.memref_slice %arg7[%dma_start3A_226] : memref<100352xf32, #tpu.memory_space<vmem_shared>> -> memref<100352xf32, #tpu.memory_space<vmem_shared>>
        tpu.enqueue_indirect_dma source(%arg5 : memref<128xf32, #tpu.memory_space<vmem>>) target(%dma_start3A_227 : memref<100352xf32, #tpu.memory_space<vmem_shared>>) offsets(%dma_start3A_225 : memref<128xi32, #tpu.memory_space<vmem>>) semaphore(%arg10 : memref<!tpu.dma_semaphore, #tpu.memory_space<semaphore_mem>>) {add = true}
        %dma_start3A_228 = arith.constant 0 : i32
        %dma_start3A_229 = arith.constant 17 : i32
        %dma_start3A_230 = arith.constant 0 : i32
        %dma_start3A_231 = tpu.memref_slice %arg4[%dma_start3A_228, %dma_start3A_229, %dma_start3A_230] : memref<2x32x128xi32, #tpu.memory_space<vmem>> -> memref<1x1x128xi32, #tpu.memory_space<vmem>>
        %dma_start3A_232 = tpu.memref_squeeze %dma_start3A_231 : memref<1x1x128xi32, #tpu.memory_space<vmem>> -> memref<128xi32, #tpu.memory_space<vmem>>
        %dma_start3A_233 = arith.constant 0 : i32
        %dma_start3A_234 = tpu.memref_slice %arg7[%dma_start3A_233] : memref<100352xf32, #tpu.memory_space<vmem_shared>> -> memref<100352xf32, #tpu.memory_space<vmem_shared>>
        tpu.enqueue_indirect_dma source(%arg5 : memref<128xf32, #tpu.memory_space<vmem>>) target(%dma_start3A_234 : memref<100352xf32, #tpu.memory_space<vmem_shared>>) offsets(%dma_start3A_232 : memref<128xi32, #tpu.memory_space<vmem>>) semaphore(%arg10 : memref<!tpu.dma_semaphore, #tpu.memory_space<semaphore_mem>>) {add = true}
        %dma_start3A_235 = arith.constant 0 : i32
        %dma_start3A_236 = arith.constant 18 : i32
        %dma_start3A_237 = arith.constant 0 : i32
        %dma_start3A_238 = tpu.memref_slice %arg4[%dma_start3A_235, %dma_start3A_236, %dma_start3A_237] : memref<2x32x128xi32, #tpu.memory_space<vmem>> -> memref<1x1x128xi32, #tpu.memory_space<vmem>>
        %dma_start3A_239 = tpu.memref_squeeze %dma_start3A_238 : memref<1x1x128xi32, #tpu.memory_space<vmem>> -> memref<128xi32, #tpu.memory_space<vmem>>
        %dma_start3A_240 = arith.constant 0 : i32
        %dma_start3A_241 = tpu.memref_slice %arg7[%dma_start3A_240] : memref<100352xf32, #tpu.memory_space<vmem_shared>> -> memref<100352xf32, #tpu.memory_space<vmem_shared>>
        tpu.enqueue_indirect_dma source(%arg5 : memref<128xf32, #tpu.memory_space<vmem>>) target(%dma_start3A_241 : memref<100352xf32, #tpu.memory_space<vmem_shared>>) offsets(%dma_start3A_239 : memref<128xi32, #tpu.memory_space<vmem>>) semaphore(%arg10 : memref<!tpu.dma_semaphore, #tpu.memory_space<semaphore_mem>>) {add = true}
        %dma_start3A_242 = arith.constant 0 : i32
        %dma_start3A_243 = arith.constant 19 : i32
        %dma_start3A_244 = arith.constant 0 : i32
        %dma_start3A_245 = tpu.memref_slice %arg4[%dma_start3A_242, %dma_start3A_243, %dma_start3A_244] : memref<2x32x128xi32, #tpu.memory_space<vmem>> -> memref<1x1x128xi32, #tpu.memory_space<vmem>>
        %dma_start3A_246 = tpu.memref_squeeze %dma_start3A_245 : memref<1x1x128xi32, #tpu.memory_space<vmem>> -> memref<128xi32, #tpu.memory_space<vmem>>
        %dma_start3A_247 = arith.constant 0 : i32
        %dma_start3A_248 = tpu.memref_slice %arg7[%dma_start3A_247] : memref<100352xf32, #tpu.memory_space<vmem_shared>> -> memref<100352xf32, #tpu.memory_space<vmem_shared>>
        tpu.enqueue_indirect_dma source(%arg5 : memref<128xf32, #tpu.memory_space<vmem>>) target(%dma_start3A_248 : memref<100352xf32, #tpu.memory_space<vmem_shared>>) offsets(%dma_start3A_246 : memref<128xi32, #tpu.memory_space<vmem>>) semaphore(%arg10 : memref<!tpu.dma_semaphore, #tpu.memory_space<semaphore_mem>>) {add = true}
        %dma_start3A_249 = arith.constant 0 : i32
        %dma_start3A_250 = arith.constant 20 : i32
        %dma_start3A_251 = arith.constant 0 : i32
        %dma_start3A_252 = tpu.memref_slice %arg4[%dma_start3A_249, %dma_start3A_250, %dma_start3A_251] : memref<2x32x128xi32, #tpu.memory_space<vmem>> -> memref<1x1x128xi32, #tpu.memory_space<vmem>>
        %dma_start3A_253 = tpu.memref_squeeze %dma_start3A_252 : memref<1x1x128xi32, #tpu.memory_space<vmem>> -> memref<128xi32, #tpu.memory_space<vmem>>
        %dma_start3A_254 = arith.constant 0 : i32
        %dma_start3A_255 = tpu.memref_slice %arg7[%dma_start3A_254] : memref<100352xf32, #tpu.memory_space<vmem_shared>> -> memref<100352xf32, #tpu.memory_space<vmem_shared>>
        tpu.enqueue_indirect_dma source(%arg5 : memref<128xf32, #tpu.memory_space<vmem>>) target(%dma_start3A_255 : memref<100352xf32, #tpu.memory_space<vmem_shared>>) offsets(%dma_start3A_253 : memref<128xi32, #tpu.memory_space<vmem>>) semaphore(%arg10 : memref<!tpu.dma_semaphore, #tpu.memory_space<semaphore_mem>>) {add = true}
        %dma_start3A_256 = arith.constant 0 : i32
        %dma_start3A_257 = arith.constant 21 : i32
        %dma_start3A_258 = arith.constant 0 : i32
        %dma_start3A_259 = tpu.memref_slice %arg4[%dma_start3A_256, %dma_start3A_257, %dma_start3A_258] : memref<2x32x128xi32, #tpu.memory_space<vmem>> -> memref<1x1x128xi32, #tpu.memory_space<vmem>>
        %dma_start3A_260 = tpu.memref_squeeze %dma_start3A_259 : memref<1x1x128xi32, #tpu.memory_space<vmem>> -> memref<128xi32, #tpu.memory_space<vmem>>
        %dma_start3A_261 = arith.constant 0 : i32
        %dma_start3A_262 = tpu.memref_slice %arg7[%dma_start3A_261] : memref<100352xf32, #tpu.memory_space<vmem_shared>> -> memref<100352xf32, #tpu.memory_space<vmem_shared>>
        tpu.enqueue_indirect_dma source(%arg5 : memref<128xf32, #tpu.memory_space<vmem>>) target(%dma_start3A_262 : memref<100352xf32, #tpu.memory_space<vmem_shared>>) offsets(%dma_start3A_260 : memref<128xi32, #tpu.memory_space<vmem>>) semaphore(%arg10 : memref<!tpu.dma_semaphore, #tpu.memory_space<semaphore_mem>>) {add = true}
        %dma_start3A_263 = arith.constant 0 : i32
        %dma_start3A_264 = arith.constant 22 : i32
        %dma_start3A_265 = arith.constant 0 : i32
        %dma_start3A_266 = tpu.memref_slice %arg4[%dma_start3A_263, %dma_start3A_264, %dma_start3A_265] : memref<2x32x128xi32, #tpu.memory_space<vmem>> -> memref<1x1x128xi32, #tpu.memory_space<vmem>>
        %dma_start3A_267 = tpu.memref_squeeze %dma_start3A_266 : memref<1x1x128xi32, #tpu.memory_space<vmem>> -> memref<128xi32, #tpu.memory_space<vmem>>
        %dma_start3A_268 = arith.constant 0 : i32
        %dma_start3A_269 = tpu.memref_slice %arg7[%dma_start3A_268] : memref<100352xf32, #tpu.memory_space<vmem_shared>> -> memref<100352xf32, #tpu.memory_space<vmem_shared>>
        tpu.enqueue_indirect_dma source(%arg5 : memref<128xf32, #tpu.memory_space<vmem>>) target(%dma_start3A_269 : memref<100352xf32, #tpu.memory_space<vmem_shared>>) offsets(%dma_start3A_267 : memref<128xi32, #tpu.memory_space<vmem>>) semaphore(%arg10 : memref<!tpu.dma_semaphore, #tpu.memory_space<semaphore_mem>>) {add = true}
        %dma_start3A_270 = arith.constant 0 : i32
        %dma_start3A_271 = arith.constant 23 : i32
        %dma_start3A_272 = arith.constant 0 : i32
        %dma_start3A_273 = tpu.memref_slice %arg4[%dma_start3A_270, %dma_start3A_271, %dma_start3A_272] : memref<2x32x128xi32, #tpu.memory_space<vmem>> -> memref<1x1x128xi32, #tpu.memory_space<vmem>>
        %dma_start3A_274 = tpu.memref_squeeze %dma_start3A_273 : memref<1x1x128xi32, #tpu.memory_space<vmem>> -> memref<128xi32, #tpu.memory_space<vmem>>
        %dma_start3A_275 = arith.constant 0 : i32
        %dma_start3A_276 = tpu.memref_slice %arg7[%dma_start3A_275] : memref<100352xf32, #tpu.memory_space<vmem_shared>> -> memref<100352xf32, #tpu.memory_space<vmem_shared>>
        tpu.enqueue_indirect_dma source(%arg5 : memref<128xf32, #tpu.memory_space<vmem>>) target(%dma_start3A_276 : memref<100352xf32, #tpu.memory_space<vmem_shared>>) offsets(%dma_start3A_274 : memref<128xi32, #tpu.memory_space<vmem>>) semaphore(%arg10 : memref<!tpu.dma_semaphore, #tpu.memory_space<semaphore_mem>>) {add = true}
        %dma_start3A_277 = arith.constant 0 : i32
        %dma_start3A_278 = arith.constant 24 : i32
        %dma_start3A_279 = arith.constant 0 : i32
        %dma_start3A_280 = tpu.memref_slice %arg4[%dma_start3A_277, %dma_start3A_278, %dma_start3A_279] : memref<2x32x128xi32, #tpu.memory_space<vmem>> -> memref<1x1x128xi32, #tpu.memory_space<vmem>>
        %dma_start3A_281 = tpu.memref_squeeze %dma_start3A_280 : memref<1x1x128xi32, #tpu.memory_space<vmem>> -> memref<128xi32, #tpu.memory_space<vmem>>
        %dma_start3A_282 = arith.constant 0 : i32
        %dma_start3A_283 = tpu.memref_slice %arg7[%dma_start3A_282] : memref<100352xf32, #tpu.memory_space<vmem_shared>> -> memref<100352xf32, #tpu.memory_space<vmem_shared>>
        tpu.enqueue_indirect_dma source(%arg5 : memref<128xf32, #tpu.memory_space<vmem>>) target(%dma_start3A_283 : memref<100352xf32, #tpu.memory_space<vmem_shared>>) offsets(%dma_start3A_281 : memref<128xi32, #tpu.memory_space<vmem>>) semaphore(%arg10 : memref<!tpu.dma_semaphore, #tpu.memory_space<semaphore_mem>>) {add = true}
        %dma_start3A_284 = arith.constant 0 : i32
        %dma_start3A_285 = arith.constant 25 : i32
        %dma_start3A_286 = arith.constant 0 : i32
        %dma_start3A_287 = tpu.memref_slice %arg4[%dma_start3A_284, %dma_start3A_285, %dma_start3A_286] : memref<2x32x128xi32, #tpu.memory_space<vmem>> -> memref<1x1x128xi32, #tpu.memory_space<vmem>>
        %dma_start3A_288 = tpu.memref_squeeze %dma_start3A_287 : memref<1x1x128xi32, #tpu.memory_space<vmem>> -> memref<128xi32, #tpu.memory_space<vmem>>
        %dma_start3A_289 = arith.constant 0 : i32
        %dma_start3A_290 = tpu.memref_slice %arg7[%dma_start3A_289] : memref<100352xf32, #tpu.memory_space<vmem_shared>> -> memref<100352xf32, #tpu.memory_space<vmem_shared>>
        tpu.enqueue_indirect_dma source(%arg5 : memref<128xf32, #tpu.memory_space<vmem>>) target(%dma_start3A_290 : memref<100352xf32, #tpu.memory_space<vmem_shared>>) offsets(%dma_start3A_288 : memref<128xi32, #tpu.memory_space<vmem>>) semaphore(%arg10 : memref<!tpu.dma_semaphore, #tpu.memory_space<semaphore_mem>>) {add = true}
        %dma_start3A_291 = arith.constant 0 : i32
        %dma_start3A_292 = arith.constant 26 : i32
        %dma_start3A_293 = arith.constant 0 : i32
        %dma_start3A_294 = tpu.memref_slice %arg4[%dma_start3A_291, %dma_start3A_292, %dma_start3A_293] : memref<2x32x128xi32, #tpu.memory_space<vmem>> -> memref<1x1x128xi32, #tpu.memory_space<vmem>>
        %dma_start3A_295 = tpu.memref_squeeze %dma_start3A_294 : memref<1x1x128xi32, #tpu.memory_space<vmem>> -> memref<128xi32, #tpu.memory_space<vmem>>
        %dma_start3A_296 = arith.constant 0 : i32
        %dma_start3A_297 = tpu.memref_slice %arg7[%dma_start3A_296] : memref<100352xf32, #tpu.memory_space<vmem_shared>> -> memref<100352xf32, #tpu.memory_space<vmem_shared>>
        tpu.enqueue_indirect_dma source(%arg5 : memref<128xf32, #tpu.memory_space<vmem>>) target(%dma_start3A_297 : memref<100352xf32, #tpu.memory_space<vmem_shared>>) offsets(%dma_start3A_295 : memref<128xi32, #tpu.memory_space<vmem>>) semaphore(%arg10 : memref<!tpu.dma_semaphore, #tpu.memory_space<semaphore_mem>>) {add = true}
        %dma_start3A_298 = arith.constant 0 : i32
        %dma_start3A_299 = arith.constant 27 : i32
        %dma_start3A_300 = arith.constant 0 : i32
        %dma_start3A_301 = tpu.memref_slice %arg4[%dma_start3A_298, %dma_start3A_299, %dma_start3A_300] : memref<2x32x128xi32, #tpu.memory_space<vmem>> -> memref<1x1x128xi32, #tpu.memory_space<vmem>>
        %dma_start3A_302 = tpu.memref_squeeze %dma_start3A_301 : memref<1x1x128xi32, #tpu.memory_space<vmem>> -> memref<128xi32, #tpu.memory_space<vmem>>
        %dma_start3A_303 = arith.constant 0 : i32
        %dma_start3A_304 = tpu.memref_slice %arg7[%dma_start3A_303] : memref<100352xf32, #tpu.memory_space<vmem_shared>> -> memref<100352xf32, #tpu.memory_space<vmem_shared>>
        tpu.enqueue_indirect_dma source(%arg5 : memref<128xf32, #tpu.memory_space<vmem>>) target(%dma_start3A_304 : memref<100352xf32, #tpu.memory_space<vmem_shared>>) offsets(%dma_start3A_302 : memref<128xi32, #tpu.memory_space<vmem>>) semaphore(%arg10 : memref<!tpu.dma_semaphore, #tpu.memory_space<semaphore_mem>>) {add = true}
        %dma_start3A_305 = arith.constant 0 : i32
        %dma_start3A_306 = arith.constant 28 : i32
        %dma_start3A_307 = arith.constant 0 : i32
        %dma_start3A_308 = tpu.memref_slice %arg4[%dma_start3A_305, %dma_start3A_306, %dma_start3A_307] : memref<2x32x128xi32, #tpu.memory_space<vmem>> -> memref<1x1x128xi32, #tpu.memory_space<vmem>>
        %dma_start3A_309 = tpu.memref_squeeze %dma_start3A_308 : memref<1x1x128xi32, #tpu.memory_space<vmem>> -> memref<128xi32, #tpu.memory_space<vmem>>
        %dma_start3A_310 = arith.constant 0 : i32
        %dma_start3A_311 = tpu.memref_slice %arg7[%dma_start3A_310] : memref<100352xf32, #tpu.memory_space<vmem_shared>> -> memref<100352xf32, #tpu.memory_space<vmem_shared>>
        tpu.enqueue_indirect_dma source(%arg5 : memref<128xf32, #tpu.memory_space<vmem>>) target(%dma_start3A_311 : memref<100352xf32, #tpu.memory_space<vmem_shared>>) offsets(%dma_start3A_309 : memref<128xi32, #tpu.memory_space<vmem>>) semaphore(%arg10 : memref<!tpu.dma_semaphore, #tpu.memory_space<semaphore_mem>>) {add = true}
        %dma_start3A_312 = arith.constant 0 : i32
        %dma_start3A_313 = arith.constant 29 : i32
        %dma_start3A_314 = arith.constant 0 : i32
        %dma_start3A_315 = tpu.memref_slice %arg4[%dma_start3A_312, %dma_start3A_313, %dma_start3A_314] : memref<2x32x128xi32, #tpu.memory_space<vmem>> -> memref<1x1x128xi32, #tpu.memory_space<vmem>>
        %dma_start3A_316 = tpu.memref_squeeze %dma_start3A_315 : memref<1x1x128xi32, #tpu.memory_space<vmem>> -> memref<128xi32, #tpu.memory_space<vmem>>
        %dma_start3A_317 = arith.constant 0 : i32
        %dma_start3A_318 = tpu.memref_slice %arg7[%dma_start3A_317] : memref<100352xf32, #tpu.memory_space<vmem_shared>> -> memref<100352xf32, #tpu.memory_space<vmem_shared>>
        tpu.enqueue_indirect_dma source(%arg5 : memref<128xf32, #tpu.memory_space<vmem>>) target(%dma_start3A_318 : memref<100352xf32, #tpu.memory_space<vmem_shared>>) offsets(%dma_start3A_316 : memref<128xi32, #tpu.memory_space<vmem>>) semaphore(%arg10 : memref<!tpu.dma_semaphore, #tpu.memory_space<semaphore_mem>>) {add = true}
        %dma_start3A_319 = arith.constant 0 : i32
        %dma_start3A_320 = arith.constant 30 : i32
        %dma_start3A_321 = arith.constant 0 : i32
        %dma_start3A_322 = tpu.memref_slice %arg4[%dma_start3A_319, %dma_start3A_320, %dma_start3A_321] : memref<2x32x128xi32, #tpu.memory_space<vmem>> -> memref<1x1x128xi32, #tpu.memory_space<vmem>>
        %dma_start3A_323 = tpu.memref_squeeze %dma_start3A_322 : memref<1x1x128xi32, #tpu.memory_space<vmem>> -> memref<128xi32, #tpu.memory_space<vmem>>
        %dma_start3A_324 = arith.constant 0 : i32
        %dma_start3A_325 = tpu.memref_slice %arg7[%dma_start3A_324] : memref<100352xf32, #tpu.memory_space<vmem_shared>> -> memref<100352xf32, #tpu.memory_space<vmem_shared>>
        tpu.enqueue_indirect_dma source(%arg5 : memref<128xf32, #tpu.memory_space<vmem>>) target(%dma_start3A_325 : memref<100352xf32, #tpu.memory_space<vmem_shared>>) offsets(%dma_start3A_323 : memref<128xi32, #tpu.memory_space<vmem>>) semaphore(%arg10 : memref<!tpu.dma_semaphore, #tpu.memory_space<semaphore_mem>>) {add = true}
        %dma_start3A_326 = arith.constant 0 : i32
        %dma_start3A_327 = arith.constant 31 : i32
        %dma_start3A_328 = arith.constant 0 : i32
        %dma_start3A_329 = tpu.memref_slice %arg4[%dma_start3A_326, %dma_start3A_327, %dma_start3A_328] : memref<2x32x128xi32, #tpu.memory_space<vmem>> -> memref<1x1x128xi32, #tpu.memory_space<vmem>>
        %dma_start3A_330 = tpu.memref_squeeze %dma_start3A_329 : memref<1x1x128xi32, #tpu.memory_space<vmem>> -> memref<128xi32, #tpu.memory_space<vmem>>
        %dma_start3A_331 = arith.constant 0 : i32
        %dma_start3A_332 = tpu.memref_slice %arg7[%dma_start3A_331] : memref<100352xf32, #tpu.memory_space<vmem_shared>> -> memref<100352xf32, #tpu.memory_space<vmem_shared>>
        tpu.enqueue_indirect_dma source(%arg5 : memref<128xf32, #tpu.memory_space<vmem>>) target(%dma_start3A_332 : memref<100352xf32, #tpu.memory_space<vmem_shared>>) offsets(%dma_start3A_330 : memref<128xi32, #tpu.memory_space<vmem>>) semaphore(%arg10 : memref<!tpu.dma_semaphore, #tpu.memory_space<semaphore_mem>>) {add = true}
        %lt3A_333 = arith.constant 391 : i32
        %lt3A_334 = arith.cmpi slt, %add3A_90, %lt3A_333 : i32
        %convert_element_type3A_335 = arith.extui %lt3A_334 : i1 to i32
        %cond3A_336 = arith.constant 0 : i32
        %cond3A_337 = arith.constant 0 : i32
        %cond3A_338 = arith.constant 0 : i32
        %cond3A_339 = arith.constant 1 : i32
        %cond3A_340 = arith.constant 0 : i32
        %cond3A_341 = arith.constant 2 : i32
        %cond3A_342 = arith.constant 0 : i32
        %cond3A_343 = arith.constant 3 : i32
        %cond3A_344 = arith.constant 0 : i32
        %cond3A_345 = arith.constant 4 : i32
        %cond3A_346 = arith.constant 0 : i32
        %cond3A_347 = arith.constant 5 : i32
        %cond3A_348 = arith.constant 0 : i32
        %cond3A_349 = arith.constant 6 : i32
        %cond3A_350 = arith.constant 0 : i32
        %cond3A_351 = arith.constant 7 : i32
        %cond3A_352 = arith.constant 0 : i32
        %cond3A_353 = arith.constant 8 : i32
        %cond3A_354 = arith.constant 0 : i32
        %cond3A_355 = arith.constant 9 : i32
        %cond3A_356 = arith.constant 0 : i32
        %cond3A_357 = arith.constant 10 : i32
        %cond3A_358 = arith.constant 0 : i32
        %cond3A_359 = arith.constant 11 : i32
        %cond3A_360 = arith.constant 0 : i32
        %cond3A_361 = arith.constant 12 : i32
        %cond3A_362 = arith.constant 0 : i32
        %cond3A_363 = arith.constant 13 : i32
        %cond3A_364 = arith.constant 0 : i32
        %cond3A_365 = arith.constant 14 : i32
        %cond3A_366 = arith.constant 0 : i32
        %cond3A_367 = arith.constant 15 : i32
        %cond3A_368 = arith.constant 0 : i32
        %cond3A_369 = arith.constant 16 : i32
        %cond3A_370 = arith.constant 0 : i32
        %cond3A_371 = arith.constant 17 : i32
        %cond3A_372 = arith.constant 0 : i32
        %cond3A_373 = arith.constant 18 : i32
        %cond3A_374 = arith.constant 0 : i32
        %cond3A_375 = arith.constant 19 : i32
        %cond3A_376 = arith.constant 0 : i32
        %cond3A_377 = arith.constant 20 : i32
        %cond3A_378 = arith.constant 0 : i32
        %cond3A_379 = arith.constant 21 : i32
        %cond3A_380 = arith.constant 0 : i32
        %cond3A_381 = arith.constant 22 : i32
        %cond3A_382 = arith.constant 0 : i32
        %cond3A_383 = arith.constant 23 : i32
        %cond3A_384 = arith.constant 0 : i32
        %cond3A_385 = arith.constant 24 : i32
        %cond3A_386 = arith.constant 0 : i32
        %cond3A_387 = arith.constant 25 : i32
        %cond3A_388 = arith.constant 0 : i32
        %cond3A_389 = arith.constant 26 : i32
        %cond3A_390 = arith.constant 0 : i32
        %cond3A_391 = arith.constant 27 : i32
        %cond3A_392 = arith.constant 0 : i32
        %cond3A_393 = arith.constant 28 : i32
        %cond3A_394 = arith.constant 0 : i32
        %cond3A_395 = arith.constant 29 : i32
        %cond3A_396 = arith.constant 0 : i32
        %cond3A_397 = arith.constant 30 : i32
        %cond3A_398 = arith.constant 0 : i32
        %cond3A_399 = arith.constant 31 : i32
        %cond3A_400 = arith.constant 0 : i32
        %cond3A_401 = arith.cmpi ne, %convert_element_type3A_335, %cond3A_400 : i32
        scf.if %cond3A_401 {
          %dma_wait3A_472 = arith.constant 1 : i32
          %dma_wait3A_473 = arith.constant 0 : i32
          %dma_wait3A_474 = arith.constant 0 : i32
          %dma_wait3A_475 = tpu.memref_slice %arg4[%dma_wait3A_472, %dma_wait3A_473, %dma_wait3A_474] : memref<2x32x128xi32, #tpu.memory_space<vmem>> -> memref<1x32x128xi32, #tpu.memory_space<vmem>>
          %dma_wait3A_476 = tpu.memref_squeeze %dma_wait3A_475 : memref<1x32x128xi32, #tpu.memory_space<vmem>> -> memref<32x128xi32, #tpu.memory_space<vmem>>
          %dma_wait3A_477 = arith.constant 0 : i32
          %dma_wait3A_478 = arith.constant 0 : i32
          %dma_wait3A_479 = tpu.memref_slice %arg2[%dma_wait3A_477, %dma_wait3A_478] : memref<12500x128xi32, #tpu.memory_space<hbm>> -> memref<32x128xi32, #tpu.memory_space<hbm>>
          %dma_wait3A_480 = arith.constant 0 : i32
          %dma_wait3A_481 = arith.constant 0 : i32
          %dma_wait3A_482 = tpu.memref_slice %arg4[%dma_wait3A_472, %dma_wait3A_480, %dma_wait3A_481] : memref<2x32x128xi32, #tpu.memory_space<vmem>> -> memref<1x32x128xi32, #tpu.memory_space<vmem>>
          %dma_wait3A_483 = tpu.memref_squeeze %dma_wait3A_482 : memref<1x32x128xi32, #tpu.memory_space<vmem>> -> memref<32x128xi32, #tpu.memory_space<vmem>>
          %dma_wait3A_484 = arith.constant 0 : i32
          %dma_wait3A_485 = arith.constant 0 : i32
          %dma_wait3A_486 = tpu.memref_slice %arg2[%dma_wait3A_484, %dma_wait3A_485] : memref<12500x128xi32, #tpu.memory_space<hbm>> -> memref<32x128xi32, #tpu.memory_space<hbm>>
          tpu.wait_dma2 semaphore(%arg9 : memref<!tpu.dma_semaphore, #tpu.memory_space<semaphore_mem>>) src(%dma_wait3A_486 : memref<32x128xi32, #tpu.memory_space<hbm>>) dst(%dma_wait3A_483 : memref<32x128xi32, #tpu.memory_space<vmem>>)
          %dma_start3A_487 = arith.constant 1 : i32
          %dma_start3A_488 = arith.constant 0 : i32
          %dma_start3A_489 = arith.constant 0 : i32
          %dma_start3A_490 = tpu.memref_slice %arg4[%dma_start3A_487, %dma_start3A_488, %dma_start3A_489] : memref<2x32x128xi32, #tpu.memory_space<vmem>> -> memref<1x1x128xi32, #tpu.memory_space<vmem>>
          %dma_start3A_491 = tpu.memref_squeeze %dma_start3A_490 : memref<1x1x128xi32, #tpu.memory_space<vmem>> -> memref<128xi32, #tpu.memory_space<vmem>>
          %dma_start3A_492 = arith.constant 0 : i32
          %dma_start3A_493 = tpu.memref_slice %arg7[%dma_start3A_492] : memref<100352xf32, #tpu.memory_space<vmem_shared>> -> memref<100352xf32, #tpu.memory_space<vmem_shared>>
          tpu.enqueue_indirect_dma source(%arg5 : memref<128xf32, #tpu.memory_space<vmem>>) target(%dma_start3A_493 : memref<100352xf32, #tpu.memory_space<vmem_shared>>) offsets(%dma_start3A_491 : memref<128xi32, #tpu.memory_space<vmem>>) semaphore(%arg11 : memref<!tpu.dma_semaphore, #tpu.memory_space<semaphore_mem>>) {add = true}
          %dma_start3A_494 = arith.constant 1 : i32
          %dma_start3A_495 = arith.constant 1 : i32
          %dma_start3A_496 = arith.constant 0 : i32
          %dma_start3A_497 = tpu.memref_slice %arg4[%dma_start3A_494, %dma_start3A_495, %dma_start3A_496] : memref<2x32x128xi32, #tpu.memory_space<vmem>> -> memref<1x1x128xi32, #tpu.memory_space<vmem>>
          %dma_start3A_498 = tpu.memref_squeeze %dma_start3A_497 : memref<1x1x128xi32, #tpu.memory_space<vmem>> -> memref<128xi32, #tpu.memory_space<vmem>>
          %dma_start3A_499 = arith.constant 0 : i32
          %dma_start3A_500 = tpu.memref_slice %arg7[%dma_start3A_499] : memref<100352xf32, #tpu.memory_space<vmem_shared>> -> memref<100352xf32, #tpu.memory_space<vmem_shared>>
          tpu.enqueue_indirect_dma source(%arg5 : memref<128xf32, #tpu.memory_space<vmem>>) target(%dma_start3A_500 : memref<100352xf32, #tpu.memory_space<vmem_shared>>) offsets(%dma_start3A_498 : memref<128xi32, #tpu.memory_space<vmem>>) semaphore(%arg11 : memref<!tpu.dma_semaphore, #tpu.memory_space<semaphore_mem>>) {add = true}
          %dma_start3A_501 = arith.constant 1 : i32
          %dma_start3A_502 = arith.constant 2 : i32
          %dma_start3A_503 = arith.constant 0 : i32
          %dma_start3A_504 = tpu.memref_slice %arg4[%dma_start3A_501, %dma_start3A_502, %dma_start3A_503] : memref<2x32x128xi32, #tpu.memory_space<vmem>> -> memref<1x1x128xi32, #tpu.memory_space<vmem>>
          %dma_start3A_505 = tpu.memref_squeeze %dma_start3A_504 : memref<1x1x128xi32, #tpu.memory_space<vmem>> -> memref<128xi32, #tpu.memory_space<vmem>>
          %dma_start3A_506 = arith.constant 0 : i32
          %dma_start3A_507 = tpu.memref_slice %arg7[%dma_start3A_506] : memref<100352xf32, #tpu.memory_space<vmem_shared>> -> memref<100352xf32, #tpu.memory_space<vmem_shared>>
          tpu.enqueue_indirect_dma source(%arg5 : memref<128xf32, #tpu.memory_space<vmem>>) target(%dma_start3A_507 : memref<100352xf32, #tpu.memory_space<vmem_shared>>) offsets(%dma_start3A_505 : memref<128xi32, #tpu.memory_space<vmem>>) semaphore(%arg11 : memref<!tpu.dma_semaphore, #tpu.memory_space<semaphore_mem>>) {add = true}
          %dma_start3A_508 = arith.constant 1 : i32
          %dma_start3A_509 = arith.constant 3 : i32
          %dma_start3A_510 = arith.constant 0 : i32
          %dma_start3A_511 = tpu.memref_slice %arg4[%dma_start3A_508, %dma_start3A_509, %dma_start3A_510] : memref<2x32x128xi32, #tpu.memory_space<vmem>> -> memref<1x1x128xi32, #tpu.memory_space<vmem>>
          %dma_start3A_512 = tpu.memref_squeeze %dma_start3A_511 : memref<1x1x128xi32, #tpu.memory_space<vmem>> -> memref<128xi32, #tpu.memory_space<vmem>>
          %dma_start3A_513 = arith.constant 0 : i32
          %dma_start3A_514 = tpu.memref_slice %arg7[%dma_start3A_513] : memref<100352xf32, #tpu.memory_space<vmem_shared>> -> memref<100352xf32, #tpu.memory_space<vmem_shared>>
          tpu.enqueue_indirect_dma source(%arg5 : memref<128xf32, #tpu.memory_space<vmem>>) target(%dma_start3A_514 : memref<100352xf32, #tpu.memory_space<vmem_shared>>) offsets(%dma_start3A_512 : memref<128xi32, #tpu.memory_space<vmem>>) semaphore(%arg11 : memref<!tpu.dma_semaphore, #tpu.memory_space<semaphore_mem>>) {add = true}
          %dma_start3A_515 = arith.constant 1 : i32
          %dma_start3A_516 = arith.constant 4 : i32
          %dma_start3A_517 = arith.constant 0 : i32
          %dma_start3A_518 = tpu.memref_slice %arg4[%dma_start3A_515, %dma_start3A_516, %dma_start3A_517] : memref<2x32x128xi32, #tpu.memory_space<vmem>> -> memref<1x1x128xi32, #tpu.memory_space<vmem>>
          %dma_start3A_519 = tpu.memref_squeeze %dma_start3A_518 : memref<1x1x128xi32, #tpu.memory_space<vmem>> -> memref<128xi32, #tpu.memory_space<vmem>>
          %dma_start3A_520 = arith.constant 0 : i32
          %dma_start3A_521 = tpu.memref_slice %arg7[%dma_start3A_520] : memref<100352xf32, #tpu.memory_space<vmem_shared>> -> memref<100352xf32, #tpu.memory_space<vmem_shared>>
          tpu.enqueue_indirect_dma source(%arg5 : memref<128xf32, #tpu.memory_space<vmem>>) target(%dma_start3A_521 : memref<100352xf32, #tpu.memory_space<vmem_shared>>) offsets(%dma_start3A_519 : memref<128xi32, #tpu.memory_space<vmem>>) semaphore(%arg11 : memref<!tpu.dma_semaphore, #tpu.memory_space<semaphore_mem>>) {add = true}
          %dma_start3A_522 = arith.constant 1 : i32
          %dma_start3A_523 = arith.constant 5 : i32
          %dma_start3A_524 = arith.constant 0 : i32
          %dma_start3A_525 = tpu.memref_slice %arg4[%dma_start3A_522, %dma_start3A_523, %dma_start3A_524] : memref<2x32x128xi32, #tpu.memory_space<vmem>> -> memref<1x1x128xi32, #tpu.memory_space<vmem>>
          %dma_start3A_526 = tpu.memref_squeeze %dma_start3A_525 : memref<1x1x128xi32, #tpu.memory_space<vmem>> -> memref<128xi32, #tpu.memory_space<vmem>>
          %dma_start3A_527 = arith.constant 0 : i32
          %dma_start3A_528 = tpu.memref_slice %arg7[%dma_start3A_527] : memref<100352xf32, #tpu.memory_space<vmem_shared>> -> memref<100352xf32, #tpu.memory_space<vmem_shared>>
          tpu.enqueue_indirect_dma source(%arg5 : memref<128xf32, #tpu.memory_space<vmem>>) target(%dma_start3A_528 : memref<100352xf32, #tpu.memory_space<vmem_shared>>) offsets(%dma_start3A_526 : memref<128xi32, #tpu.memory_space<vmem>>) semaphore(%arg11 : memref<!tpu.dma_semaphore, #tpu.memory_space<semaphore_mem>>) {add = true}
          %dma_start3A_529 = arith.constant 1 : i32
          %dma_start3A_530 = arith.constant 6 : i32
          %dma_start3A_531 = arith.constant 0 : i32
          %dma_start3A_532 = tpu.memref_slice %arg4[%dma_start3A_529, %dma_start3A_530, %dma_start3A_531] : memref<2x32x128xi32, #tpu.memory_space<vmem>> -> memref<1x1x128xi32, #tpu.memory_space<vmem>>
          %dma_start3A_533 = tpu.memref_squeeze %dma_start3A_532 : memref<1x1x128xi32, #tpu.memory_space<vmem>> -> memref<128xi32, #tpu.memory_space<vmem>>
          %dma_start3A_534 = arith.constant 0 : i32
          %dma_start3A_535 = tpu.memref_slice %arg7[%dma_start3A_534] : memref<100352xf32, #tpu.memory_space<vmem_shared>> -> memref<100352xf32, #tpu.memory_space<vmem_shared>>
          tpu.enqueue_indirect_dma source(%arg5 : memref<128xf32, #tpu.memory_space<vmem>>) target(%dma_start3A_535 : memref<100352xf32, #tpu.memory_space<vmem_shared>>) offsets(%dma_start3A_533 : memref<128xi32, #tpu.memory_space<vmem>>) semaphore(%arg11 : memref<!tpu.dma_semaphore, #tpu.memory_space<semaphore_mem>>) {add = true}
          %dma_start3A_536 = arith.constant 1 : i32
          %dma_start3A_537 = arith.constant 7 : i32
          %dma_start3A_538 = arith.constant 0 : i32
          %dma_start3A_539 = tpu.memref_slice %arg4[%dma_start3A_536, %dma_start3A_537, %dma_start3A_538] : memref<2x32x128xi32, #tpu.memory_space<vmem>> -> memref<1x1x128xi32, #tpu.memory_space<vmem>>
          %dma_start3A_540 = tpu.memref_squeeze %dma_start3A_539 : memref<1x1x128xi32, #tpu.memory_space<vmem>> -> memref<128xi32, #tpu.memory_space<vmem>>
          %dma_start3A_541 = arith.constant 0 : i32
          %dma_start3A_542 = tpu.memref_slice %arg7[%dma_start3A_541] : memref<100352xf32, #tpu.memory_space<vmem_shared>> -> memref<100352xf32, #tpu.memory_space<vmem_shared>>
          tpu.enqueue_indirect_dma source(%arg5 : memref<128xf32, #tpu.memory_space<vmem>>) target(%dma_start3A_542 : memref<100352xf32, #tpu.memory_space<vmem_shared>>) offsets(%dma_start3A_540 : memref<128xi32, #tpu.memory_space<vmem>>) semaphore(%arg11 : memref<!tpu.dma_semaphore, #tpu.memory_space<semaphore_mem>>) {add = true}
          %dma_start3A_543 = arith.constant 1 : i32
          %dma_start3A_544 = arith.constant 8 : i32
          %dma_start3A_545 = arith.constant 0 : i32
          %dma_start3A_546 = tpu.memref_slice %arg4[%dma_start3A_543, %dma_start3A_544, %dma_start3A_545] : memref<2x32x128xi32, #tpu.memory_space<vmem>> -> memref<1x1x128xi32, #tpu.memory_space<vmem>>
          %dma_start3A_547 = tpu.memref_squeeze %dma_start3A_546 : memref<1x1x128xi32, #tpu.memory_space<vmem>> -> memref<128xi32, #tpu.memory_space<vmem>>
          %dma_start3A_548 = arith.constant 0 : i32
          %dma_start3A_549 = tpu.memref_slice %arg7[%dma_start3A_548] : memref<100352xf32, #tpu.memory_space<vmem_shared>> -> memref<100352xf32, #tpu.memory_space<vmem_shared>>
          tpu.enqueue_indirect_dma source(%arg5 : memref<128xf32, #tpu.memory_space<vmem>>) target(%dma_start3A_549 : memref<100352xf32, #tpu.memory_space<vmem_shared>>) offsets(%dma_start3A_547 : memref<128xi32, #tpu.memory_space<vmem>>) semaphore(%arg11 : memref<!tpu.dma_semaphore, #tpu.memory_space<semaphore_mem>>) {add = true}
          %dma_start3A_550 = arith.constant 1 : i32
          %dma_start3A_551 = arith.constant 9 : i32
          %dma_start3A_552 = arith.constant 0 : i32
          %dma_start3A_553 = tpu.memref_slice %arg4[%dma_start3A_550, %dma_start3A_551, %dma_start3A_552] : memref<2x32x128xi32, #tpu.memory_space<vmem>> -> memref<1x1x128xi32, #tpu.memory_space<vmem>>
          %dma_start3A_554 = tpu.memref_squeeze %dma_start3A_553 : memref<1x1x128xi32, #tpu.memory_space<vmem>> -> memref<128xi32, #tpu.memory_space<vmem>>
          %dma_start3A_555 = arith.constant 0 : i32
          %dma_start3A_556 = tpu.memref_slice %arg7[%dma_start3A_555] : memref<100352xf32, #tpu.memory_space<vmem_shared>> -> memref<100352xf32, #tpu.memory_space<vmem_shared>>
          tpu.enqueue_indirect_dma source(%arg5 : memref<128xf32, #tpu.memory_space<vmem>>) target(%dma_start3A_556 : memref<100352xf32, #tpu.memory_space<vmem_shared>>) offsets(%dma_start3A_554 : memref<128xi32, #tpu.memory_space<vmem>>) semaphore(%arg11 : memref<!tpu.dma_semaphore, #tpu.memory_space<semaphore_mem>>) {add = true}
          %dma_start3A_557 = arith.constant 1 : i32
          %dma_start3A_558 = arith.constant 10 : i32
          %dma_start3A_559 = arith.constant 0 : i32
          %dma_start3A_560 = tpu.memref_slice %arg4[%dma_start3A_557, %dma_start3A_558, %dma_start3A_559] : memref<2x32x128xi32, #tpu.memory_space<vmem>> -> memref<1x1x128xi32, #tpu.memory_space<vmem>>
          %dma_start3A_561 = tpu.memref_squeeze %dma_start3A_560 : memref<1x1x128xi32, #tpu.memory_space<vmem>> -> memref<128xi32, #tpu.memory_space<vmem>>
          %dma_start3A_562 = arith.constant 0 : i32
          %dma_start3A_563 = tpu.memref_slice %arg7[%dma_start3A_562] : memref<100352xf32, #tpu.memory_space<vmem_shared>> -> memref<100352xf32, #tpu.memory_space<vmem_shared>>
          tpu.enqueue_indirect_dma source(%arg5 : memref<128xf32, #tpu.memory_space<vmem>>) target(%dma_start3A_563 : memref<100352xf32, #tpu.memory_space<vmem_shared>>) offsets(%dma_start3A_561 : memref<128xi32, #tpu.memory_space<vmem>>) semaphore(%arg11 : memref<!tpu.dma_semaphore, #tpu.memory_space<semaphore_mem>>) {add = true}
          %dma_start3A_564 = arith.constant 1 : i32
          %dma_start3A_565 = arith.constant 11 : i32
          %dma_start3A_566 = arith.constant 0 : i32
          %dma_start3A_567 = tpu.memref_slice %arg4[%dma_start3A_564, %dma_start3A_565, %dma_start3A_566] : memref<2x32x128xi32, #tpu.memory_space<vmem>> -> memref<1x1x128xi32, #tpu.memory_space<vmem>>
          %dma_start3A_568 = tpu.memref_squeeze %dma_start3A_567 : memref<1x1x128xi32, #tpu.memory_space<vmem>> -> memref<128xi32, #tpu.memory_space<vmem>>
          %dma_start3A_569 = arith.constant 0 : i32
          %dma_start3A_570 = tpu.memref_slice %arg7[%dma_start3A_569] : memref<100352xf32, #tpu.memory_space<vmem_shared>> -> memref<100352xf32, #tpu.memory_space<vmem_shared>>
          tpu.enqueue_indirect_dma source(%arg5 : memref<128xf32, #tpu.memory_space<vmem>>) target(%dma_start3A_570 : memref<100352xf32, #tpu.memory_space<vmem_shared>>) offsets(%dma_start3A_568 : memref<128xi32, #tpu.memory_space<vmem>>) semaphore(%arg11 : memref<!tpu.dma_semaphore, #tpu.memory_space<semaphore_mem>>) {add = true}
          %dma_start3A_571 = arith.constant 1 : i32
          %dma_start3A_572 = arith.constant 12 : i32
          %dma_start3A_573 = arith.constant 0 : i32
          %dma_start3A_574 = tpu.memref_slice %arg4[%dma_start3A_571, %dma_start3A_572, %dma_start3A_573] : memref<2x32x128xi32, #tpu.memory_space<vmem>> -> memref<1x1x128xi32, #tpu.memory_space<vmem>>
          %dma_start3A_575 = tpu.memref_squeeze %dma_start3A_574 : memref<1x1x128xi32, #tpu.memory_space<vmem>> -> memref<128xi32, #tpu.memory_space<vmem>>
          %dma_start3A_576 = arith.constant 0 : i32
          %dma_start3A_577 = tpu.memref_slice %arg7[%dma_start3A_576] : memref<100352xf32, #tpu.memory_space<vmem_shared>> -> memref<100352xf32, #tpu.memory_space<vmem_shared>>
          tpu.enqueue_indirect_dma source(%arg5 : memref<128xf32, #tpu.memory_space<vmem>>) target(%dma_start3A_577 : memref<100352xf32, #tpu.memory_space<vmem_shared>>) offsets(%dma_start3A_575 : memref<128xi32, #tpu.memory_space<vmem>>) semaphore(%arg11 : memref<!tpu.dma_semaphore, #tpu.memory_space<semaphore_mem>>) {add = true}
          %dma_start3A_578 = arith.constant 1 : i32
          %dma_start3A_579 = arith.constant 13 : i32
          %dma_start3A_580 = arith.constant 0 : i32
          %dma_start3A_581 = tpu.memref_slice %arg4[%dma_start3A_578, %dma_start3A_579, %dma_start3A_580] : memref<2x32x128xi32, #tpu.memory_space<vmem>> -> memref<1x1x128xi32, #tpu.memory_space<vmem>>
          %dma_start3A_582 = tpu.memref_squeeze %dma_start3A_581 : memref<1x1x128xi32, #tpu.memory_space<vmem>> -> memref<128xi32, #tpu.memory_space<vmem>>
          %dma_start3A_583 = arith.constant 0 : i32
          %dma_start3A_584 = tpu.memref_slice %arg7[%dma_start3A_583] : memref<100352xf32, #tpu.memory_space<vmem_shared>> -> memref<100352xf32, #tpu.memory_space<vmem_shared>>
          tpu.enqueue_indirect_dma source(%arg5 : memref<128xf32, #tpu.memory_space<vmem>>) target(%dma_start3A_584 : memref<100352xf32, #tpu.memory_space<vmem_shared>>) offsets(%dma_start3A_582 : memref<128xi32, #tpu.memory_space<vmem>>) semaphore(%arg11 : memref<!tpu.dma_semaphore, #tpu.memory_space<semaphore_mem>>) {add = true}
          %dma_start3A_585 = arith.constant 1 : i32
          %dma_start3A_586 = arith.constant 14 : i32
          %dma_start3A_587 = arith.constant 0 : i32
          %dma_start3A_588 = tpu.memref_slice %arg4[%dma_start3A_585, %dma_start3A_586, %dma_start3A_587] : memref<2x32x128xi32, #tpu.memory_space<vmem>> -> memref<1x1x128xi32, #tpu.memory_space<vmem>>
          %dma_start3A_589 = tpu.memref_squeeze %dma_start3A_588 : memref<1x1x128xi32, #tpu.memory_space<vmem>> -> memref<128xi32, #tpu.memory_space<vmem>>
          %dma_start3A_590 = arith.constant 0 : i32
          %dma_start3A_591 = tpu.memref_slice %arg7[%dma_start3A_590] : memref<100352xf32, #tpu.memory_space<vmem_shared>> -> memref<100352xf32, #tpu.memory_space<vmem_shared>>
          tpu.enqueue_indirect_dma source(%arg5 : memref<128xf32, #tpu.memory_space<vmem>>) target(%dma_start3A_591 : memref<100352xf32, #tpu.memory_space<vmem_shared>>) offsets(%dma_start3A_589 : memref<128xi32, #tpu.memory_space<vmem>>) semaphore(%arg11 : memref<!tpu.dma_semaphore, #tpu.memory_space<semaphore_mem>>) {add = true}
          %dma_start3A_592 = arith.constant 1 : i32
          %dma_start3A_593 = arith.constant 15 : i32
          %dma_start3A_594 = arith.constant 0 : i32
          %dma_start3A_595 = tpu.memref_slice %arg4[%dma_start3A_592, %dma_start3A_593, %dma_start3A_594] : memref<2x32x128xi32, #tpu.memory_space<vmem>> -> memref<1x1x128xi32, #tpu.memory_space<vmem>>
          %dma_start3A_596 = tpu.memref_squeeze %dma_start3A_595 : memref<1x1x128xi32, #tpu.memory_space<vmem>> -> memref<128xi32, #tpu.memory_space<vmem>>
          %dma_start3A_597 = arith.constant 0 : i32
          %dma_start3A_598 = tpu.memref_slice %arg7[%dma_start3A_597] : memref<100352xf32, #tpu.memory_space<vmem_shared>> -> memref<100352xf32, #tpu.memory_space<vmem_shared>>
          tpu.enqueue_indirect_dma source(%arg5 : memref<128xf32, #tpu.memory_space<vmem>>) target(%dma_start3A_598 : memref<100352xf32, #tpu.memory_space<vmem_shared>>) offsets(%dma_start3A_596 : memref<128xi32, #tpu.memory_space<vmem>>) semaphore(%arg11 : memref<!tpu.dma_semaphore, #tpu.memory_space<semaphore_mem>>) {add = true}
          %dma_start3A_599 = arith.constant 1 : i32
          %dma_start3A_600 = arith.constant 16 : i32
          %dma_start3A_601 = arith.constant 0 : i32
          %dma_start3A_602 = tpu.memref_slice %arg4[%dma_start3A_599, %dma_start3A_600, %dma_start3A_601] : memref<2x32x128xi32, #tpu.memory_space<vmem>> -> memref<1x1x128xi32, #tpu.memory_space<vmem>>
          %dma_start3A_603 = tpu.memref_squeeze %dma_start3A_602 : memref<1x1x128xi32, #tpu.memory_space<vmem>> -> memref<128xi32, #tpu.memory_space<vmem>>
          %dma_start3A_604 = arith.constant 0 : i32
          %dma_start3A_605 = tpu.memref_slice %arg7[%dma_start3A_604] : memref<100352xf32, #tpu.memory_space<vmem_shared>> -> memref<100352xf32, #tpu.memory_space<vmem_shared>>
          tpu.enqueue_indirect_dma source(%arg5 : memref<128xf32, #tpu.memory_space<vmem>>) target(%dma_start3A_605 : memref<100352xf32, #tpu.memory_space<vmem_shared>>) offsets(%dma_start3A_603 : memref<128xi32, #tpu.memory_space<vmem>>) semaphore(%arg11 : memref<!tpu.dma_semaphore, #tpu.memory_space<semaphore_mem>>) {add = true}
          %dma_start3A_606 = arith.constant 1 : i32
          %dma_start3A_607 = arith.constant 17 : i32
          %dma_start3A_608 = arith.constant 0 : i32
          %dma_start3A_609 = tpu.memref_slice %arg4[%dma_start3A_606, %dma_start3A_607, %dma_start3A_608] : memref<2x32x128xi32, #tpu.memory_space<vmem>> -> memref<1x1x128xi32, #tpu.memory_space<vmem>>
          %dma_start3A_610 = tpu.memref_squeeze %dma_start3A_609 : memref<1x1x128xi32, #tpu.memory_space<vmem>> -> memref<128xi32, #tpu.memory_space<vmem>>
          %dma_start3A_611 = arith.constant 0 : i32
          %dma_start3A_612 = tpu.memref_slice %arg7[%dma_start3A_611] : memref<100352xf32, #tpu.memory_space<vmem_shared>> -> memref<100352xf32, #tpu.memory_space<vmem_shared>>
          tpu.enqueue_indirect_dma source(%arg5 : memref<128xf32, #tpu.memory_space<vmem>>) target(%dma_start3A_612 : memref<100352xf32, #tpu.memory_space<vmem_shared>>) offsets(%dma_start3A_610 : memref<128xi32, #tpu.memory_space<vmem>>) semaphore(%arg11 : memref<!tpu.dma_semaphore, #tpu.memory_space<semaphore_mem>>) {add = true}
          %dma_start3A_613 = arith.constant 1 : i32
          %dma_start3A_614 = arith.constant 18 : i32
          %dma_start3A_615 = arith.constant 0 : i32
          %dma_start3A_616 = tpu.memref_slice %arg4[%dma_start3A_613, %dma_start3A_614, %dma_start3A_615] : memref<2x32x128xi32, #tpu.memory_space<vmem>> -> memref<1x1x128xi32, #tpu.memory_space<vmem>>
          %dma_start3A_617 = tpu.memref_squeeze %dma_start3A_616 : memref<1x1x128xi32, #tpu.memory_space<vmem>> -> memref<128xi32, #tpu.memory_space<vmem>>
          %dma_start3A_618 = arith.constant 0 : i32
          %dma_start3A_619 = tpu.memref_slice %arg7[%dma_start3A_618] : memref<100352xf32, #tpu.memory_space<vmem_shared>> -> memref<100352xf32, #tpu.memory_space<vmem_shared>>
          tpu.enqueue_indirect_dma source(%arg5 : memref<128xf32, #tpu.memory_space<vmem>>) target(%dma_start3A_619 : memref<100352xf32, #tpu.memory_space<vmem_shared>>) offsets(%dma_start3A_617 : memref<128xi32, #tpu.memory_space<vmem>>) semaphore(%arg11 : memref<!tpu.dma_semaphore, #tpu.memory_space<semaphore_mem>>) {add = true}
          %dma_start3A_620 = arith.constant 1 : i32
          %dma_start3A_621 = arith.constant 19 : i32
          %dma_start3A_622 = arith.constant 0 : i32
          %dma_start3A_623 = tpu.memref_slice %arg4[%dma_start3A_620, %dma_start3A_621, %dma_start3A_622] : memref<2x32x128xi32, #tpu.memory_space<vmem>> -> memref<1x1x128xi32, #tpu.memory_space<vmem>>
          %dma_start3A_624 = tpu.memref_squeeze %dma_start3A_623 : memref<1x1x128xi32, #tpu.memory_space<vmem>> -> memref<128xi32, #tpu.memory_space<vmem>>
          %dma_start3A_625 = arith.constant 0 : i32
          %dma_start3A_626 = tpu.memref_slice %arg7[%dma_start3A_625] : memref<100352xf32, #tpu.memory_space<vmem_shared>> -> memref<100352xf32, #tpu.memory_space<vmem_shared>>
          tpu.enqueue_indirect_dma source(%arg5 : memref<128xf32, #tpu.memory_space<vmem>>) target(%dma_start3A_626 : memref<100352xf32, #tpu.memory_space<vmem_shared>>) offsets(%dma_start3A_624 : memref<128xi32, #tpu.memory_space<vmem>>) semaphore(%arg11 : memref<!tpu.dma_semaphore, #tpu.memory_space<semaphore_mem>>) {add = true}
          %dma_start3A_627 = arith.constant 1 : i32
          %dma_start3A_628 = arith.constant 20 : i32
          %dma_start3A_629 = arith.constant 0 : i32
          %dma_start3A_630 = tpu.memref_slice %arg4[%dma_start3A_627, %dma_start3A_628, %dma_start3A_629] : memref<2x32x128xi32, #tpu.memory_space<vmem>> -> memref<1x1x128xi32, #tpu.memory_space<vmem>>
          %dma_start3A_631 = tpu.memref_squeeze %dma_start3A_630 : memref<1x1x128xi32, #tpu.memory_space<vmem>> -> memref<128xi32, #tpu.memory_space<vmem>>
          %dma_start3A_632 = arith.constant 0 : i32
          %dma_start3A_633 = tpu.memref_slice %arg7[%dma_start3A_632] : memref<100352xf32, #tpu.memory_space<vmem_shared>> -> memref<100352xf32, #tpu.memory_space<vmem_shared>>
          tpu.enqueue_indirect_dma source(%arg5 : memref<128xf32, #tpu.memory_space<vmem>>) target(%dma_start3A_633 : memref<100352xf32, #tpu.memory_space<vmem_shared>>) offsets(%dma_start3A_631 : memref<128xi32, #tpu.memory_space<vmem>>) semaphore(%arg11 : memref<!tpu.dma_semaphore, #tpu.memory_space<semaphore_mem>>) {add = true}
          %dma_start3A_634 = arith.constant 1 : i32
          %dma_start3A_635 = arith.constant 21 : i32
          %dma_start3A_636 = arith.constant 0 : i32
          %dma_start3A_637 = tpu.memref_slice %arg4[%dma_start3A_634, %dma_start3A_635, %dma_start3A_636] : memref<2x32x128xi32, #tpu.memory_space<vmem>> -> memref<1x1x128xi32, #tpu.memory_space<vmem>>
          %dma_start3A_638 = tpu.memref_squeeze %dma_start3A_637 : memref<1x1x128xi32, #tpu.memory_space<vmem>> -> memref<128xi32, #tpu.memory_space<vmem>>
          %dma_start3A_639 = arith.constant 0 : i32
          %dma_start3A_640 = tpu.memref_slice %arg7[%dma_start3A_639] : memref<100352xf32, #tpu.memory_space<vmem_shared>> -> memref<100352xf32, #tpu.memory_space<vmem_shared>>
          tpu.enqueue_indirect_dma source(%arg5 : memref<128xf32, #tpu.memory_space<vmem>>) target(%dma_start3A_640 : memref<100352xf32, #tpu.memory_space<vmem_shared>>) offsets(%dma_start3A_638 : memref<128xi32, #tpu.memory_space<vmem>>) semaphore(%arg11 : memref<!tpu.dma_semaphore, #tpu.memory_space<semaphore_mem>>) {add = true}
          %dma_start3A_641 = arith.constant 1 : i32
          %dma_start3A_642 = arith.constant 22 : i32
          %dma_start3A_643 = arith.constant 0 : i32
          %dma_start3A_644 = tpu.memref_slice %arg4[%dma_start3A_641, %dma_start3A_642, %dma_start3A_643] : memref<2x32x128xi32, #tpu.memory_space<vmem>> -> memref<1x1x128xi32, #tpu.memory_space<vmem>>
          %dma_start3A_645 = tpu.memref_squeeze %dma_start3A_644 : memref<1x1x128xi32, #tpu.memory_space<vmem>> -> memref<128xi32, #tpu.memory_space<vmem>>
          %dma_start3A_646 = arith.constant 0 : i32
          %dma_start3A_647 = tpu.memref_slice %arg7[%dma_start3A_646] : memref<100352xf32, #tpu.memory_space<vmem_shared>> -> memref<100352xf32, #tpu.memory_space<vmem_shared>>
          tpu.enqueue_indirect_dma source(%arg5 : memref<128xf32, #tpu.memory_space<vmem>>) target(%dma_start3A_647 : memref<100352xf32, #tpu.memory_space<vmem_shared>>) offsets(%dma_start3A_645 : memref<128xi32, #tpu.memory_space<vmem>>) semaphore(%arg11 : memref<!tpu.dma_semaphore, #tpu.memory_space<semaphore_mem>>) {add = true}
          %dma_start3A_648 = arith.constant 1 : i32
          %dma_start3A_649 = arith.constant 23 : i32
          %dma_start3A_650 = arith.constant 0 : i32
          %dma_start3A_651 = tpu.memref_slice %arg4[%dma_start3A_648, %dma_start3A_649, %dma_start3A_650] : memref<2x32x128xi32, #tpu.memory_space<vmem>> -> memref<1x1x128xi32, #tpu.memory_space<vmem>>
          %dma_start3A_652 = tpu.memref_squeeze %dma_start3A_651 : memref<1x1x128xi32, #tpu.memory_space<vmem>> -> memref<128xi32, #tpu.memory_space<vmem>>
          %dma_start3A_653 = arith.constant 0 : i32
          %dma_start3A_654 = tpu.memref_slice %arg7[%dma_start3A_653] : memref<100352xf32, #tpu.memory_space<vmem_shared>> -> memref<100352xf32, #tpu.memory_space<vmem_shared>>
          tpu.enqueue_indirect_dma source(%arg5 : memref<128xf32, #tpu.memory_space<vmem>>) target(%dma_start3A_654 : memref<100352xf32, #tpu.memory_space<vmem_shared>>) offsets(%dma_start3A_652 : memref<128xi32, #tpu.memory_space<vmem>>) semaphore(%arg11 : memref<!tpu.dma_semaphore, #tpu.memory_space<semaphore_mem>>) {add = true}
          %dma_start3A_655 = arith.constant 1 : i32
          %dma_start3A_656 = arith.constant 24 : i32
          %dma_start3A_657 = arith.constant 0 : i32
          %dma_start3A_658 = tpu.memref_slice %arg4[%dma_start3A_655, %dma_start3A_656, %dma_start3A_657] : memref<2x32x128xi32, #tpu.memory_space<vmem>> -> memref<1x1x128xi32, #tpu.memory_space<vmem>>
          %dma_start3A_659 = tpu.memref_squeeze %dma_start3A_658 : memref<1x1x128xi32, #tpu.memory_space<vmem>> -> memref<128xi32, #tpu.memory_space<vmem>>
          %dma_start3A_660 = arith.constant 0 : i32
          %dma_start3A_661 = tpu.memref_slice %arg7[%dma_start3A_660] : memref<100352xf32, #tpu.memory_space<vmem_shared>> -> memref<100352xf32, #tpu.memory_space<vmem_shared>>
          tpu.enqueue_indirect_dma source(%arg5 : memref<128xf32, #tpu.memory_space<vmem>>) target(%dma_start3A_661 : memref<100352xf32, #tpu.memory_space<vmem_shared>>) offsets(%dma_start3A_659 : memref<128xi32, #tpu.memory_space<vmem>>) semaphore(%arg11 : memref<!tpu.dma_semaphore, #tpu.memory_space<semaphore_mem>>) {add = true}
          %dma_start3A_662 = arith.constant 1 : i32
          %dma_start3A_663 = arith.constant 25 : i32
          %dma_start3A_664 = arith.constant 0 : i32
          %dma_start3A_665 = tpu.memref_slice %arg4[%dma_start3A_662, %dma_start3A_663, %dma_start3A_664] : memref<2x32x128xi32, #tpu.memory_space<vmem>> -> memref<1x1x128xi32, #tpu.memory_space<vmem>>
          %dma_start3A_666 = tpu.memref_squeeze %dma_start3A_665 : memref<1x1x128xi32, #tpu.memory_space<vmem>> -> memref<128xi32, #tpu.memory_space<vmem>>
          %dma_start3A_667 = arith.constant 0 : i32
          %dma_start3A_668 = tpu.memref_slice %arg7[%dma_start3A_667] : memref<100352xf32, #tpu.memory_space<vmem_shared>> -> memref<100352xf32, #tpu.memory_space<vmem_shared>>
          tpu.enqueue_indirect_dma source(%arg5 : memref<128xf32, #tpu.memory_space<vmem>>) target(%dma_start3A_668 : memref<100352xf32, #tpu.memory_space<vmem_shared>>) offsets(%dma_start3A_666 : memref<128xi32, #tpu.memory_space<vmem>>) semaphore(%arg11 : memref<!tpu.dma_semaphore, #tpu.memory_space<semaphore_mem>>) {add = true}
          %dma_start3A_669 = arith.constant 1 : i32
          %dma_start3A_670 = arith.constant 26 : i32
          %dma_start3A_671 = arith.constant 0 : i32
          %dma_start3A_672 = tpu.memref_slice %arg4[%dma_start3A_669, %dma_start3A_670, %dma_start3A_671] : memref<2x32x128xi32, #tpu.memory_space<vmem>> -> memref<1x1x128xi32, #tpu.memory_space<vmem>>
          %dma_start3A_673 = tpu.memref_squeeze %dma_start3A_672 : memref<1x1x128xi32, #tpu.memory_space<vmem>> -> memref<128xi32, #tpu.memory_space<vmem>>
          %dma_start3A_674 = arith.constant 0 : i32
          %dma_start3A_675 = tpu.memref_slice %arg7[%dma_start3A_674] : memref<100352xf32, #tpu.memory_space<vmem_shared>> -> memref<100352xf32, #tpu.memory_space<vmem_shared>>
          tpu.enqueue_indirect_dma source(%arg5 : memref<128xf32, #tpu.memory_space<vmem>>) target(%dma_start3A_675 : memref<100352xf32, #tpu.memory_space<vmem_shared>>) offsets(%dma_start3A_673 : memref<128xi32, #tpu.memory_space<vmem>>) semaphore(%arg11 : memref<!tpu.dma_semaphore, #tpu.memory_space<semaphore_mem>>) {add = true}
          %dma_start3A_676 = arith.constant 1 : i32
          %dma_start3A_677 = arith.constant 27 : i32
          %dma_start3A_678 = arith.constant 0 : i32
          %dma_start3A_679 = tpu.memref_slice %arg4[%dma_start3A_676, %dma_start3A_677, %dma_start3A_678] : memref<2x32x128xi32, #tpu.memory_space<vmem>> -> memref<1x1x128xi32, #tpu.memory_space<vmem>>
          %dma_start3A_680 = tpu.memref_squeeze %dma_start3A_679 : memref<1x1x128xi32, #tpu.memory_space<vmem>> -> memref<128xi32, #tpu.memory_space<vmem>>
          %dma_start3A_681 = arith.constant 0 : i32
          %dma_start3A_682 = tpu.memref_slice %arg7[%dma_start3A_681] : memref<100352xf32, #tpu.memory_space<vmem_shared>> -> memref<100352xf32, #tpu.memory_space<vmem_shared>>
          tpu.enqueue_indirect_dma source(%arg5 : memref<128xf32, #tpu.memory_space<vmem>>) target(%dma_start3A_682 : memref<100352xf32, #tpu.memory_space<vmem_shared>>) offsets(%dma_start3A_680 : memref<128xi32, #tpu.memory_space<vmem>>) semaphore(%arg11 : memref<!tpu.dma_semaphore, #tpu.memory_space<semaphore_mem>>) {add = true}
          %dma_start3A_683 = arith.constant 1 : i32
          %dma_start3A_684 = arith.constant 28 : i32
          %dma_start3A_685 = arith.constant 0 : i32
          %dma_start3A_686 = tpu.memref_slice %arg4[%dma_start3A_683, %dma_start3A_684, %dma_start3A_685] : memref<2x32x128xi32, #tpu.memory_space<vmem>> -> memref<1x1x128xi32, #tpu.memory_space<vmem>>
          %dma_start3A_687 = tpu.memref_squeeze %dma_start3A_686 : memref<1x1x128xi32, #tpu.memory_space<vmem>> -> memref<128xi32, #tpu.memory_space<vmem>>
          %dma_start3A_688 = arith.constant 0 : i32
          %dma_start3A_689 = tpu.memref_slice %arg7[%dma_start3A_688] : memref<100352xf32, #tpu.memory_space<vmem_shared>> -> memref<100352xf32, #tpu.memory_space<vmem_shared>>
          tpu.enqueue_indirect_dma source(%arg5 : memref<128xf32, #tpu.memory_space<vmem>>) target(%dma_start3A_689 : memref<100352xf32, #tpu.memory_space<vmem_shared>>) offsets(%dma_start3A_687 : memref<128xi32, #tpu.memory_space<vmem>>) semaphore(%arg11 : memref<!tpu.dma_semaphore, #tpu.memory_space<semaphore_mem>>) {add = true}
          %dma_start3A_690 = arith.constant 1 : i32
          %dma_start3A_691 = arith.constant 29 : i32
          %dma_start3A_692 = arith.constant 0 : i32
          %dma_start3A_693 = tpu.memref_slice %arg4[%dma_start3A_690, %dma_start3A_691, %dma_start3A_692] : memref<2x32x128xi32, #tpu.memory_space<vmem>> -> memref<1x1x128xi32, #tpu.memory_space<vmem>>
          %dma_start3A_694 = tpu.memref_squeeze %dma_start3A_693 : memref<1x1x128xi32, #tpu.memory_space<vmem>> -> memref<128xi32, #tpu.memory_space<vmem>>
          %dma_start3A_695 = arith.constant 0 : i32
          %dma_start3A_696 = tpu.memref_slice %arg7[%dma_start3A_695] : memref<100352xf32, #tpu.memory_space<vmem_shared>> -> memref<100352xf32, #tpu.memory_space<vmem_shared>>
          tpu.enqueue_indirect_dma source(%arg5 : memref<128xf32, #tpu.memory_space<vmem>>) target(%dma_start3A_696 : memref<100352xf32, #tpu.memory_space<vmem_shared>>) offsets(%dma_start3A_694 : memref<128xi32, #tpu.memory_space<vmem>>) semaphore(%arg11 : memref<!tpu.dma_semaphore, #tpu.memory_space<semaphore_mem>>) {add = true}
          %dma_start3A_697 = arith.constant 1 : i32
          %dma_start3A_698 = arith.constant 30 : i32
          %dma_start3A_699 = arith.constant 0 : i32
          %dma_start3A_700 = tpu.memref_slice %arg4[%dma_start3A_697, %dma_start3A_698, %dma_start3A_699] : memref<2x32x128xi32, #tpu.memory_space<vmem>> -> memref<1x1x128xi32, #tpu.memory_space<vmem>>
          %dma_start3A_701 = tpu.memref_squeeze %dma_start3A_700 : memref<1x1x128xi32, #tpu.memory_space<vmem>> -> memref<128xi32, #tpu.memory_space<vmem>>
          %dma_start3A_702 = arith.constant 0 : i32
          %dma_start3A_703 = tpu.memref_slice %arg7[%dma_start3A_702] : memref<100352xf32, #tpu.memory_space<vmem_shared>> -> memref<100352xf32, #tpu.memory_space<vmem_shared>>
          tpu.enqueue_indirect_dma source(%arg5 : memref<128xf32, #tpu.memory_space<vmem>>) target(%dma_start3A_703 : memref<100352xf32, #tpu.memory_space<vmem_shared>>) offsets(%dma_start3A_701 : memref<128xi32, #tpu.memory_space<vmem>>) semaphore(%arg11 : memref<!tpu.dma_semaphore, #tpu.memory_space<semaphore_mem>>) {add = true}
          %dma_start3A_704 = arith.constant 1 : i32
          %dma_start3A_705 = arith.constant 31 : i32
          %dma_start3A_706 = arith.constant 0 : i32
          %dma_start3A_707 = tpu.memref_slice %arg4[%dma_start3A_704, %dma_start3A_705, %dma_start3A_706] : memref<2x32x128xi32, #tpu.memory_space<vmem>> -> memref<1x1x128xi32, #tpu.memory_space<vmem>>
          %dma_start3A_708 = tpu.memref_squeeze %dma_start3A_707 : memref<1x1x128xi32, #tpu.memory_space<vmem>> -> memref<128xi32, #tpu.memory_space<vmem>>
          %dma_start3A_709 = arith.constant 0 : i32
          %dma_start3A_710 = tpu.memref_slice %arg7[%dma_start3A_709] : memref<100352xf32, #tpu.memory_space<vmem_shared>> -> memref<100352xf32, #tpu.memory_space<vmem_shared>>
          tpu.enqueue_indirect_dma source(%arg5 : memref<128xf32, #tpu.memory_space<vmem>>) target(%dma_start3A_710 : memref<100352xf32, #tpu.memory_space<vmem_shared>>) offsets(%dma_start3A_708 : memref<128xi32, #tpu.memory_space<vmem>>) semaphore(%arg11 : memref<!tpu.dma_semaphore, #tpu.memory_space<semaphore_mem>>) {add = true}
          %dma_wait3A_711 = arith.constant 0 : i32
          %dma_wait3A_712 = tpu.memref_slice %arg4[%cond3A_336, %cond3A_337, %dma_wait3A_711] : memref<2x32x128xi32, #tpu.memory_space<vmem>> -> memref<1x1x128xi32, #tpu.memory_space<vmem>>
          %dma_wait3A_713 = tpu.memref_squeeze %dma_wait3A_712 : memref<1x1x128xi32, #tpu.memory_space<vmem>> -> memref<128xi32, #tpu.memory_space<vmem>>
          %dma_wait3A_714 = arith.constant 0 : i32
          %dma_wait3A_715 = tpu.memref_slice %arg7[%dma_wait3A_714] : memref<100352xf32, #tpu.memory_space<vmem_shared>> -> memref<100352xf32, #tpu.memory_space<vmem_shared>>
          tpu.wait_indirect_dma semaphore(%arg10 : memref<!tpu.dma_semaphore, #tpu.memory_space<semaphore_mem>>) src(%arg5 : memref<128xf32, #tpu.memory_space<vmem>>) dst(%dma_wait3A_715 : memref<100352xf32, #tpu.memory_space<vmem_shared>>)
          %dma_wait3A_716 = arith.constant 0 : i32
          %dma_wait3A_717 = tpu.memref_slice %arg4[%cond3A_338, %cond3A_339, %dma_wait3A_716] : memref<2x32x128xi32, #tpu.memory_space<vmem>> -> memref<1x1x128xi32, #tpu.memory_space<vmem>>
          %dma_wait3A_718 = tpu.memref_squeeze %dma_wait3A_717 : memref<1x1x128xi32, #tpu.memory_space<vmem>> -> memref<128xi32, #tpu.memory_space<vmem>>
          %dma_wait3A_719 = arith.constant 0 : i32
          %dma_wait3A_720 = tpu.memref_slice %arg7[%dma_wait3A_719] : memref<100352xf32, #tpu.memory_space<vmem_shared>> -> memref<100352xf32, #tpu.memory_space<vmem_shared>>
          tpu.wait_indirect_dma semaphore(%arg10 : memref<!tpu.dma_semaphore, #tpu.memory_space<semaphore_mem>>) src(%arg5 : memref<128xf32, #tpu.memory_space<vmem>>) dst(%dma_wait3A_720 : memref<100352xf32, #tpu.memory_space<vmem_shared>>)
          %dma_wait3A_721 = arith.constant 0 : i32
          %dma_wait3A_722 = tpu.memref_slice %arg4[%cond3A_340, %cond3A_341, %dma_wait3A_721] : memref<2x32x128xi32, #tpu.memory_space<vmem>> -> memref<1x1x128xi32, #tpu.memory_space<vmem>>
          %dma_wait3A_723 = tpu.memref_squeeze %dma_wait3A_722 : memref<1x1x128xi32, #tpu.memory_space<vmem>> -> memref<128xi32, #tpu.memory_space<vmem>>
          %dma_wait3A_724 = arith.constant 0 : i32
          %dma_wait3A_725 = tpu.memref_slice %arg7[%dma_wait3A_724] : memref<100352xf32, #tpu.memory_space<vmem_shared>> -> memref<100352xf32, #tpu.memory_space<vmem_shared>>
          tpu.wait_indirect_dma semaphore(%arg10 : memref<!tpu.dma_semaphore, #tpu.memory_space<semaphore_mem>>) src(%arg5 : memref<128xf32, #tpu.memory_space<vmem>>) dst(%dma_wait3A_725 : memref<100352xf32, #tpu.memory_space<vmem_shared>>)
          %dma_wait3A_726 = arith.constant 0 : i32
          %dma_wait3A_727 = tpu.memref_slice %arg4[%cond3A_342, %cond3A_343, %dma_wait3A_726] : memref<2x32x128xi32, #tpu.memory_space<vmem>> -> memref<1x1x128xi32, #tpu.memory_space<vmem>>
          %dma_wait3A_728 = tpu.memref_squeeze %dma_wait3A_727 : memref<1x1x128xi32, #tpu.memory_space<vmem>> -> memref<128xi32, #tpu.memory_space<vmem>>
          %dma_wait3A_729 = arith.constant 0 : i32
          %dma_wait3A_730 = tpu.memref_slice %arg7[%dma_wait3A_729] : memref<100352xf32, #tpu.memory_space<vmem_shared>> -> memref<100352xf32, #tpu.memory_space<vmem_shared>>
          tpu.wait_indirect_dma semaphore(%arg10 : memref<!tpu.dma_semaphore, #tpu.memory_space<semaphore_mem>>) src(%arg5 : memref<128xf32, #tpu.memory_space<vmem>>) dst(%dma_wait3A_730 : memref<100352xf32, #tpu.memory_space<vmem_shared>>)
          %dma_wait3A_731 = arith.constant 0 : i32
          %dma_wait3A_732 = tpu.memref_slice %arg4[%cond3A_344, %cond3A_345, %dma_wait3A_731] : memref<2x32x128xi32, #tpu.memory_space<vmem>> -> memref<1x1x128xi32, #tpu.memory_space<vmem>>
          %dma_wait3A_733 = tpu.memref_squeeze %dma_wait3A_732 : memref<1x1x128xi32, #tpu.memory_space<vmem>> -> memref<128xi32, #tpu.memory_space<vmem>>
          %dma_wait3A_734 = arith.constant 0 : i32
          %dma_wait3A_735 = tpu.memref_slice %arg7[%dma_wait3A_734] : memref<100352xf32, #tpu.memory_space<vmem_shared>> -> memref<100352xf32, #tpu.memory_space<vmem_shared>>
          tpu.wait_indirect_dma semaphore(%arg10 : memref<!tpu.dma_semaphore, #tpu.memory_space<semaphore_mem>>) src(%arg5 : memref<128xf32, #tpu.memory_space<vmem>>) dst(%dma_wait3A_735 : memref<100352xf32, #tpu.memory_space<vmem_shared>>)
          %dma_wait3A_736 = arith.constant 0 : i32
          %dma_wait3A_737 = tpu.memref_slice %arg4[%cond3A_346, %cond3A_347, %dma_wait3A_736] : memref<2x32x128xi32, #tpu.memory_space<vmem>> -> memref<1x1x128xi32, #tpu.memory_space<vmem>>
          %dma_wait3A_738 = tpu.memref_squeeze %dma_wait3A_737 : memref<1x1x128xi32, #tpu.memory_space<vmem>> -> memref<128xi32, #tpu.memory_space<vmem>>
          %dma_wait3A_739 = arith.constant 0 : i32
          %dma_wait3A_740 = tpu.memref_slice %arg7[%dma_wait3A_739] : memref<100352xf32, #tpu.memory_space<vmem_shared>> -> memref<100352xf32, #tpu.memory_space<vmem_shared>>
          tpu.wait_indirect_dma semaphore(%arg10 : memref<!tpu.dma_semaphore, #tpu.memory_space<semaphore_mem>>) src(%arg5 : memref<128xf32, #tpu.memory_space<vmem>>) dst(%dma_wait3A_740 : memref<100352xf32, #tpu.memory_space<vmem_shared>>)
          %dma_wait3A_741 = arith.constant 0 : i32
          %dma_wait3A_742 = tpu.memref_slice %arg4[%cond3A_348, %cond3A_349, %dma_wait3A_741] : memref<2x32x128xi32, #tpu.memory_space<vmem>> -> memref<1x1x128xi32, #tpu.memory_space<vmem>>
          %dma_wait3A_743 = tpu.memref_squeeze %dma_wait3A_742 : memref<1x1x128xi32, #tpu.memory_space<vmem>> -> memref<128xi32, #tpu.memory_space<vmem>>
          %dma_wait3A_744 = arith.constant 0 : i32
          %dma_wait3A_745 = tpu.memref_slice %arg7[%dma_wait3A_744] : memref<100352xf32, #tpu.memory_space<vmem_shared>> -> memref<100352xf32, #tpu.memory_space<vmem_shared>>
          tpu.wait_indirect_dma semaphore(%arg10 : memref<!tpu.dma_semaphore, #tpu.memory_space<semaphore_mem>>) src(%arg5 : memref<128xf32, #tpu.memory_space<vmem>>) dst(%dma_wait3A_745 : memref<100352xf32, #tpu.memory_space<vmem_shared>>)
          %dma_wait3A_746 = arith.constant 0 : i32
          %dma_wait3A_747 = tpu.memref_slice %arg4[%cond3A_350, %cond3A_351, %dma_wait3A_746] : memref<2x32x128xi32, #tpu.memory_space<vmem>> -> memref<1x1x128xi32, #tpu.memory_space<vmem>>
          %dma_wait3A_748 = tpu.memref_squeeze %dma_wait3A_747 : memref<1x1x128xi32, #tpu.memory_space<vmem>> -> memref<128xi32, #tpu.memory_space<vmem>>
          %dma_wait3A_749 = arith.constant 0 : i32
          %dma_wait3A_750 = tpu.memref_slice %arg7[%dma_wait3A_749] : memref<100352xf32, #tpu.memory_space<vmem_shared>> -> memref<100352xf32, #tpu.memory_space<vmem_shared>>
          tpu.wait_indirect_dma semaphore(%arg10 : memref<!tpu.dma_semaphore, #tpu.memory_space<semaphore_mem>>) src(%arg5 : memref<128xf32, #tpu.memory_space<vmem>>) dst(%dma_wait3A_750 : memref<100352xf32, #tpu.memory_space<vmem_shared>>)
          %dma_wait3A_751 = arith.constant 0 : i32
          %dma_wait3A_752 = tpu.memref_slice %arg4[%cond3A_352, %cond3A_353, %dma_wait3A_751] : memref<2x32x128xi32, #tpu.memory_space<vmem>> -> memref<1x1x128xi32, #tpu.memory_space<vmem>>
          %dma_wait3A_753 = tpu.memref_squeeze %dma_wait3A_752 : memref<1x1x128xi32, #tpu.memory_space<vmem>> -> memref<128xi32, #tpu.memory_space<vmem>>
          %dma_wait3A_754 = arith.constant 0 : i32
          %dma_wait3A_755 = tpu.memref_slice %arg7[%dma_wait3A_754] : memref<100352xf32, #tpu.memory_space<vmem_shared>> -> memref<100352xf32, #tpu.memory_space<vmem_shared>>
          tpu.wait_indirect_dma semaphore(%arg10 : memref<!tpu.dma_semaphore, #tpu.memory_space<semaphore_mem>>) src(%arg5 : memref<128xf32, #tpu.memory_space<vmem>>) dst(%dma_wait3A_755 : memref<100352xf32, #tpu.memory_space<vmem_shared>>)
          %dma_wait3A_756 = arith.constant 0 : i32
          %dma_wait3A_757 = tpu.memref_slice %arg4[%cond3A_354, %cond3A_355, %dma_wait3A_756] : memref<2x32x128xi32, #tpu.memory_space<vmem>> -> memref<1x1x128xi32, #tpu.memory_space<vmem>>
          %dma_wait3A_758 = tpu.memref_squeeze %dma_wait3A_757 : memref<1x1x128xi32, #tpu.memory_space<vmem>> -> memref<128xi32, #tpu.memory_space<vmem>>
          %dma_wait3A_759 = arith.constant 0 : i32
          %dma_wait3A_760 = tpu.memref_slice %arg7[%dma_wait3A_759] : memref<100352xf32, #tpu.memory_space<vmem_shared>> -> memref<100352xf32, #tpu.memory_space<vmem_shared>>
          tpu.wait_indirect_dma semaphore(%arg10 : memref<!tpu.dma_semaphore, #tpu.memory_space<semaphore_mem>>) src(%arg5 : memref<128xf32, #tpu.memory_space<vmem>>) dst(%dma_wait3A_760 : memref<100352xf32, #tpu.memory_space<vmem_shared>>)
          %dma_wait3A_761 = arith.constant 0 : i32
          %dma_wait3A_762 = tpu.memref_slice %arg4[%cond3A_356, %cond3A_357, %dma_wait3A_761] : memref<2x32x128xi32, #tpu.memory_space<vmem>> -> memref<1x1x128xi32, #tpu.memory_space<vmem>>
          %dma_wait3A_763 = tpu.memref_squeeze %dma_wait3A_762 : memref<1x1x128xi32, #tpu.memory_space<vmem>> -> memref<128xi32, #tpu.memory_space<vmem>>
          %dma_wait3A_764 = arith.constant 0 : i32
          %dma_wait3A_765 = tpu.memref_slice %arg7[%dma_wait3A_764] : memref<100352xf32, #tpu.memory_space<vmem_shared>> -> memref<100352xf32, #tpu.memory_space<vmem_shared>>
          tpu.wait_indirect_dma semaphore(%arg10 : memref<!tpu.dma_semaphore, #tpu.memory_space<semaphore_mem>>) src(%arg5 : memref<128xf32, #tpu.memory_space<vmem>>) dst(%dma_wait3A_765 : memref<100352xf32, #tpu.memory_space<vmem_shared>>)
          %dma_wait3A_766 = arith.constant 0 : i32
          %dma_wait3A_767 = tpu.memref_slice %arg4[%cond3A_358, %cond3A_359, %dma_wait3A_766] : memref<2x32x128xi32, #tpu.memory_space<vmem>> -> memref<1x1x128xi32, #tpu.memory_space<vmem>>
          %dma_wait3A_768 = tpu.memref_squeeze %dma_wait3A_767 : memref<1x1x128xi32, #tpu.memory_space<vmem>> -> memref<128xi32, #tpu.memory_space<vmem>>
          %dma_wait3A_769 = arith.constant 0 : i32
          %dma_wait3A_770 = tpu.memref_slice %arg7[%dma_wait3A_769] : memref<100352xf32, #tpu.memory_space<vmem_shared>> -> memref<100352xf32, #tpu.memory_space<vmem_shared>>
          tpu.wait_indirect_dma semaphore(%arg10 : memref<!tpu.dma_semaphore, #tpu.memory_space<semaphore_mem>>) src(%arg5 : memref<128xf32, #tpu.memory_space<vmem>>) dst(%dma_wait3A_770 : memref<100352xf32, #tpu.memory_space<vmem_shared>>)
          %dma_wait3A_771 = arith.constant 0 : i32
          %dma_wait3A_772 = tpu.memref_slice %arg4[%cond3A_360, %cond3A_361, %dma_wait3A_771] : memref<2x32x128xi32, #tpu.memory_space<vmem>> -> memref<1x1x128xi32, #tpu.memory_space<vmem>>
          %dma_wait3A_773 = tpu.memref_squeeze %dma_wait3A_772 : memref<1x1x128xi32, #tpu.memory_space<vmem>> -> memref<128xi32, #tpu.memory_space<vmem>>
          %dma_wait3A_774 = arith.constant 0 : i32
          %dma_wait3A_775 = tpu.memref_slice %arg7[%dma_wait3A_774] : memref<100352xf32, #tpu.memory_space<vmem_shared>> -> memref<100352xf32, #tpu.memory_space<vmem_shared>>
          tpu.wait_indirect_dma semaphore(%arg10 : memref<!tpu.dma_semaphore, #tpu.memory_space<semaphore_mem>>) src(%arg5 : memref<128xf32, #tpu.memory_space<vmem>>) dst(%dma_wait3A_775 : memref<100352xf32, #tpu.memory_space<vmem_shared>>)
          %dma_wait3A_776 = arith.constant 0 : i32
          %dma_wait3A_777 = tpu.memref_slice %arg4[%cond3A_362, %cond3A_363, %dma_wait3A_776] : memref<2x32x128xi32, #tpu.memory_space<vmem>> -> memref<1x1x128xi32, #tpu.memory_space<vmem>>
          %dma_wait3A_778 = tpu.memref_squeeze %dma_wait3A_777 : memref<1x1x128xi32, #tpu.memory_space<vmem>> -> memref<128xi32, #tpu.memory_space<vmem>>
          %dma_wait3A_779 = arith.constant 0 : i32
          %dma_wait3A_780 = tpu.memref_slice %arg7[%dma_wait3A_779] : memref<100352xf32, #tpu.memory_space<vmem_shared>> -> memref<100352xf32, #tpu.memory_space<vmem_shared>>
          tpu.wait_indirect_dma semaphore(%arg10 : memref<!tpu.dma_semaphore, #tpu.memory_space<semaphore_mem>>) src(%arg5 : memref<128xf32, #tpu.memory_space<vmem>>) dst(%dma_wait3A_780 : memref<100352xf32, #tpu.memory_space<vmem_shared>>)
          %dma_wait3A_781 = arith.constant 0 : i32
          %dma_wait3A_782 = tpu.memref_slice %arg4[%cond3A_364, %cond3A_365, %dma_wait3A_781] : memref<2x32x128xi32, #tpu.memory_space<vmem>> -> memref<1x1x128xi32, #tpu.memory_space<vmem>>
          %dma_wait3A_783 = tpu.memref_squeeze %dma_wait3A_782 : memref<1x1x128xi32, #tpu.memory_space<vmem>> -> memref<128xi32, #tpu.memory_space<vmem>>
          %dma_wait3A_784 = arith.constant 0 : i32
          %dma_wait3A_785 = tpu.memref_slice %arg7[%dma_wait3A_784] : memref<100352xf32, #tpu.memory_space<vmem_shared>> -> memref<100352xf32, #tpu.memory_space<vmem_shared>>
          tpu.wait_indirect_dma semaphore(%arg10 : memref<!tpu.dma_semaphore, #tpu.memory_space<semaphore_mem>>) src(%arg5 : memref<128xf32, #tpu.memory_space<vmem>>) dst(%dma_wait3A_785 : memref<100352xf32, #tpu.memory_space<vmem_shared>>)
          %dma_wait3A_786 = arith.constant 0 : i32
          %dma_wait3A_787 = tpu.memref_slice %arg4[%cond3A_366, %cond3A_367, %dma_wait3A_786] : memref<2x32x128xi32, #tpu.memory_space<vmem>> -> memref<1x1x128xi32, #tpu.memory_space<vmem>>
          %dma_wait3A_788 = tpu.memref_squeeze %dma_wait3A_787 : memref<1x1x128xi32, #tpu.memory_space<vmem>> -> memref<128xi32, #tpu.memory_space<vmem>>
          %dma_wait3A_789 = arith.constant 0 : i32
          %dma_wait3A_790 = tpu.memref_slice %arg7[%dma_wait3A_789] : memref<100352xf32, #tpu.memory_space<vmem_shared>> -> memref<100352xf32, #tpu.memory_space<vmem_shared>>
          tpu.wait_indirect_dma semaphore(%arg10 : memref<!tpu.dma_semaphore, #tpu.memory_space<semaphore_mem>>) src(%arg5 : memref<128xf32, #tpu.memory_space<vmem>>) dst(%dma_wait3A_790 : memref<100352xf32, #tpu.memory_space<vmem_shared>>)
          %dma_wait3A_791 = arith.constant 0 : i32
          %dma_wait3A_792 = tpu.memref_slice %arg4[%cond3A_368, %cond3A_369, %dma_wait3A_791] : memref<2x32x128xi32, #tpu.memory_space<vmem>> -> memref<1x1x128xi32, #tpu.memory_space<vmem>>
          %dma_wait3A_793 = tpu.memref_squeeze %dma_wait3A_792 : memref<1x1x128xi32, #tpu.memory_space<vmem>> -> memref<128xi32, #tpu.memory_space<vmem>>
          %dma_wait3A_794 = arith.constant 0 : i32
          %dma_wait3A_795 = tpu.memref_slice %arg7[%dma_wait3A_794] : memref<100352xf32, #tpu.memory_space<vmem_shared>> -> memref<100352xf32, #tpu.memory_space<vmem_shared>>
          tpu.wait_indirect_dma semaphore(%arg10 : memref<!tpu.dma_semaphore, #tpu.memory_space<semaphore_mem>>) src(%arg5 : memref<128xf32, #tpu.memory_space<vmem>>) dst(%dma_wait3A_795 : memref<100352xf32, #tpu.memory_space<vmem_shared>>)
          %dma_wait3A_796 = arith.constant 0 : i32
          %dma_wait3A_797 = tpu.memref_slice %arg4[%cond3A_370, %cond3A_371, %dma_wait3A_796] : memref<2x32x128xi32, #tpu.memory_space<vmem>> -> memref<1x1x128xi32, #tpu.memory_space<vmem>>
          %dma_wait3A_798 = tpu.memref_squeeze %dma_wait3A_797 : memref<1x1x128xi32, #tpu.memory_space<vmem>> -> memref<128xi32, #tpu.memory_space<vmem>>
          %dma_wait3A_799 = arith.constant 0 : i32
          %dma_wait3A_800 = tpu.memref_slice %arg7[%dma_wait3A_799] : memref<100352xf32, #tpu.memory_space<vmem_shared>> -> memref<100352xf32, #tpu.memory_space<vmem_shared>>
          tpu.wait_indirect_dma semaphore(%arg10 : memref<!tpu.dma_semaphore, #tpu.memory_space<semaphore_mem>>) src(%arg5 : memref<128xf32, #tpu.memory_space<vmem>>) dst(%dma_wait3A_800 : memref<100352xf32, #tpu.memory_space<vmem_shared>>)
          %dma_wait3A_801 = arith.constant 0 : i32
          %dma_wait3A_802 = tpu.memref_slice %arg4[%cond3A_372, %cond3A_373, %dma_wait3A_801] : memref<2x32x128xi32, #tpu.memory_space<vmem>> -> memref<1x1x128xi32, #tpu.memory_space<vmem>>
          %dma_wait3A_803 = tpu.memref_squeeze %dma_wait3A_802 : memref<1x1x128xi32, #tpu.memory_space<vmem>> -> memref<128xi32, #tpu.memory_space<vmem>>
          %dma_wait3A_804 = arith.constant 0 : i32
          %dma_wait3A_805 = tpu.memref_slice %arg7[%dma_wait3A_804] : memref<100352xf32, #tpu.memory_space<vmem_shared>> -> memref<100352xf32, #tpu.memory_space<vmem_shared>>
          tpu.wait_indirect_dma semaphore(%arg10 : memref<!tpu.dma_semaphore, #tpu.memory_space<semaphore_mem>>) src(%arg5 : memref<128xf32, #tpu.memory_space<vmem>>) dst(%dma_wait3A_805 : memref<100352xf32, #tpu.memory_space<vmem_shared>>)
          %dma_wait3A_806 = arith.constant 0 : i32
          %dma_wait3A_807 = tpu.memref_slice %arg4[%cond3A_374, %cond3A_375, %dma_wait3A_806] : memref<2x32x128xi32, #tpu.memory_space<vmem>> -> memref<1x1x128xi32, #tpu.memory_space<vmem>>
          %dma_wait3A_808 = tpu.memref_squeeze %dma_wait3A_807 : memref<1x1x128xi32, #tpu.memory_space<vmem>> -> memref<128xi32, #tpu.memory_space<vmem>>
          %dma_wait3A_809 = arith.constant 0 : i32
          %dma_wait3A_810 = tpu.memref_slice %arg7[%dma_wait3A_809] : memref<100352xf32, #tpu.memory_space<vmem_shared>> -> memref<100352xf32, #tpu.memory_space<vmem_shared>>
          tpu.wait_indirect_dma semaphore(%arg10 : memref<!tpu.dma_semaphore, #tpu.memory_space<semaphore_mem>>) src(%arg5 : memref<128xf32, #tpu.memory_space<vmem>>) dst(%dma_wait3A_810 : memref<100352xf32, #tpu.memory_space<vmem_shared>>)
          %dma_wait3A_811 = arith.constant 0 : i32
          %dma_wait3A_812 = tpu.memref_slice %arg4[%cond3A_376, %cond3A_377, %dma_wait3A_811] : memref<2x32x128xi32, #tpu.memory_space<vmem>> -> memref<1x1x128xi32, #tpu.memory_space<vmem>>
          %dma_wait3A_813 = tpu.memref_squeeze %dma_wait3A_812 : memref<1x1x128xi32, #tpu.memory_space<vmem>> -> memref<128xi32, #tpu.memory_space<vmem>>
          %dma_wait3A_814 = arith.constant 0 : i32
          %dma_wait3A_815 = tpu.memref_slice %arg7[%dma_wait3A_814] : memref<100352xf32, #tpu.memory_space<vmem_shared>> -> memref<100352xf32, #tpu.memory_space<vmem_shared>>
          tpu.wait_indirect_dma semaphore(%arg10 : memref<!tpu.dma_semaphore, #tpu.memory_space<semaphore_mem>>) src(%arg5 : memref<128xf32, #tpu.memory_space<vmem>>) dst(%dma_wait3A_815 : memref<100352xf32, #tpu.memory_space<vmem_shared>>)
          %dma_wait3A_816 = arith.constant 0 : i32
          %dma_wait3A_817 = tpu.memref_slice %arg4[%cond3A_378, %cond3A_379, %dma_wait3A_816] : memref<2x32x128xi32, #tpu.memory_space<vmem>> -> memref<1x1x128xi32, #tpu.memory_space<vmem>>
          %dma_wait3A_818 = tpu.memref_squeeze %dma_wait3A_817 : memref<1x1x128xi32, #tpu.memory_space<vmem>> -> memref<128xi32, #tpu.memory_space<vmem>>
          %dma_wait3A_819 = arith.constant 0 : i32
          %dma_wait3A_820 = tpu.memref_slice %arg7[%dma_wait3A_819] : memref<100352xf32, #tpu.memory_space<vmem_shared>> -> memref<100352xf32, #tpu.memory_space<vmem_shared>>
          tpu.wait_indirect_dma semaphore(%arg10 : memref<!tpu.dma_semaphore, #tpu.memory_space<semaphore_mem>>) src(%arg5 : memref<128xf32, #tpu.memory_space<vmem>>) dst(%dma_wait3A_820 : memref<100352xf32, #tpu.memory_space<vmem_shared>>)
          %dma_wait3A_821 = arith.constant 0 : i32
          %dma_wait3A_822 = tpu.memref_slice %arg4[%cond3A_380, %cond3A_381, %dma_wait3A_821] : memref<2x32x128xi32, #tpu.memory_space<vmem>> -> memref<1x1x128xi32, #tpu.memory_space<vmem>>
          %dma_wait3A_823 = tpu.memref_squeeze %dma_wait3A_822 : memref<1x1x128xi32, #tpu.memory_space<vmem>> -> memref<128xi32, #tpu.memory_space<vmem>>
          %dma_wait3A_824 = arith.constant 0 : i32
          %dma_wait3A_825 = tpu.memref_slice %arg7[%dma_wait3A_824] : memref<100352xf32, #tpu.memory_space<vmem_shared>> -> memref<100352xf32, #tpu.memory_space<vmem_shared>>
          tpu.wait_indirect_dma semaphore(%arg10 : memref<!tpu.dma_semaphore, #tpu.memory_space<semaphore_mem>>) src(%arg5 : memref<128xf32, #tpu.memory_space<vmem>>) dst(%dma_wait3A_825 : memref<100352xf32, #tpu.memory_space<vmem_shared>>)
          %dma_wait3A_826 = arith.constant 0 : i32
          %dma_wait3A_827 = tpu.memref_slice %arg4[%cond3A_382, %cond3A_383, %dma_wait3A_826] : memref<2x32x128xi32, #tpu.memory_space<vmem>> -> memref<1x1x128xi32, #tpu.memory_space<vmem>>
          %dma_wait3A_828 = tpu.memref_squeeze %dma_wait3A_827 : memref<1x1x128xi32, #tpu.memory_space<vmem>> -> memref<128xi32, #tpu.memory_space<vmem>>
          %dma_wait3A_829 = arith.constant 0 : i32
          %dma_wait3A_830 = tpu.memref_slice %arg7[%dma_wait3A_829] : memref<100352xf32, #tpu.memory_space<vmem_shared>> -> memref<100352xf32, #tpu.memory_space<vmem_shared>>
          tpu.wait_indirect_dma semaphore(%arg10 : memref<!tpu.dma_semaphore, #tpu.memory_space<semaphore_mem>>) src(%arg5 : memref<128xf32, #tpu.memory_space<vmem>>) dst(%dma_wait3A_830 : memref<100352xf32, #tpu.memory_space<vmem_shared>>)
          %dma_wait3A_831 = arith.constant 0 : i32
          %dma_wait3A_832 = tpu.memref_slice %arg4[%cond3A_384, %cond3A_385, %dma_wait3A_831] : memref<2x32x128xi32, #tpu.memory_space<vmem>> -> memref<1x1x128xi32, #tpu.memory_space<vmem>>
          %dma_wait3A_833 = tpu.memref_squeeze %dma_wait3A_832 : memref<1x1x128xi32, #tpu.memory_space<vmem>> -> memref<128xi32, #tpu.memory_space<vmem>>
          %dma_wait3A_834 = arith.constant 0 : i32
          %dma_wait3A_835 = tpu.memref_slice %arg7[%dma_wait3A_834] : memref<100352xf32, #tpu.memory_space<vmem_shared>> -> memref<100352xf32, #tpu.memory_space<vmem_shared>>
          tpu.wait_indirect_dma semaphore(%arg10 : memref<!tpu.dma_semaphore, #tpu.memory_space<semaphore_mem>>) src(%arg5 : memref<128xf32, #tpu.memory_space<vmem>>) dst(%dma_wait3A_835 : memref<100352xf32, #tpu.memory_space<vmem_shared>>)
          %dma_wait3A_836 = arith.constant 0 : i32
          %dma_wait3A_837 = tpu.memref_slice %arg4[%cond3A_386, %cond3A_387, %dma_wait3A_836] : memref<2x32x128xi32, #tpu.memory_space<vmem>> -> memref<1x1x128xi32, #tpu.memory_space<vmem>>
          %dma_wait3A_838 = tpu.memref_squeeze %dma_wait3A_837 : memref<1x1x128xi32, #tpu.memory_space<vmem>> -> memref<128xi32, #tpu.memory_space<vmem>>
          %dma_wait3A_839 = arith.constant 0 : i32
          %dma_wait3A_840 = tpu.memref_slice %arg7[%dma_wait3A_839] : memref<100352xf32, #tpu.memory_space<vmem_shared>> -> memref<100352xf32, #tpu.memory_space<vmem_shared>>
          tpu.wait_indirect_dma semaphore(%arg10 : memref<!tpu.dma_semaphore, #tpu.memory_space<semaphore_mem>>) src(%arg5 : memref<128xf32, #tpu.memory_space<vmem>>) dst(%dma_wait3A_840 : memref<100352xf32, #tpu.memory_space<vmem_shared>>)
          %dma_wait3A_841 = arith.constant 0 : i32
          %dma_wait3A_842 = tpu.memref_slice %arg4[%cond3A_388, %cond3A_389, %dma_wait3A_841] : memref<2x32x128xi32, #tpu.memory_space<vmem>> -> memref<1x1x128xi32, #tpu.memory_space<vmem>>
          %dma_wait3A_843 = tpu.memref_squeeze %dma_wait3A_842 : memref<1x1x128xi32, #tpu.memory_space<vmem>> -> memref<128xi32, #tpu.memory_space<vmem>>
          %dma_wait3A_844 = arith.constant 0 : i32
          %dma_wait3A_845 = tpu.memref_slice %arg7[%dma_wait3A_844] : memref<100352xf32, #tpu.memory_space<vmem_shared>> -> memref<100352xf32, #tpu.memory_space<vmem_shared>>
          tpu.wait_indirect_dma semaphore(%arg10 : memref<!tpu.dma_semaphore, #tpu.memory_space<semaphore_mem>>) src(%arg5 : memref<128xf32, #tpu.memory_space<vmem>>) dst(%dma_wait3A_845 : memref<100352xf32, #tpu.memory_space<vmem_shared>>)
          %dma_wait3A_846 = arith.constant 0 : i32
          %dma_wait3A_847 = tpu.memref_slice %arg4[%cond3A_390, %cond3A_391, %dma_wait3A_846] : memref<2x32x128xi32, #tpu.memory_space<vmem>> -> memref<1x1x128xi32, #tpu.memory_space<vmem>>
          %dma_wait3A_848 = tpu.memref_squeeze %dma_wait3A_847 : memref<1x1x128xi32, #tpu.memory_space<vmem>> -> memref<128xi32, #tpu.memory_space<vmem>>
          %dma_wait3A_849 = arith.constant 0 : i32
          %dma_wait3A_850 = tpu.memref_slice %arg7[%dma_wait3A_849] : memref<100352xf32, #tpu.memory_space<vmem_shared>> -> memref<100352xf32, #tpu.memory_space<vmem_shared>>
          tpu.wait_indirect_dma semaphore(%arg10 : memref<!tpu.dma_semaphore, #tpu.memory_space<semaphore_mem>>) src(%arg5 : memref<128xf32, #tpu.memory_space<vmem>>) dst(%dma_wait3A_850 : memref<100352xf32, #tpu.memory_space<vmem_shared>>)
          %dma_wait3A_851 = arith.constant 0 : i32
          %dma_wait3A_852 = tpu.memref_slice %arg4[%cond3A_392, %cond3A_393, %dma_wait3A_851] : memref<2x32x128xi32, #tpu.memory_space<vmem>> -> memref<1x1x128xi32, #tpu.memory_space<vmem>>
          %dma_wait3A_853 = tpu.memref_squeeze %dma_wait3A_852 : memref<1x1x128xi32, #tpu.memory_space<vmem>> -> memref<128xi32, #tpu.memory_space<vmem>>
          %dma_wait3A_854 = arith.constant 0 : i32
          %dma_wait3A_855 = tpu.memref_slice %arg7[%dma_wait3A_854] : memref<100352xf32, #tpu.memory_space<vmem_shared>> -> memref<100352xf32, #tpu.memory_space<vmem_shared>>
          tpu.wait_indirect_dma semaphore(%arg10 : memref<!tpu.dma_semaphore, #tpu.memory_space<semaphore_mem>>) src(%arg5 : memref<128xf32, #tpu.memory_space<vmem>>) dst(%dma_wait3A_855 : memref<100352xf32, #tpu.memory_space<vmem_shared>>)
          %dma_wait3A_856 = arith.constant 0 : i32
          %dma_wait3A_857 = tpu.memref_slice %arg4[%cond3A_394, %cond3A_395, %dma_wait3A_856] : memref<2x32x128xi32, #tpu.memory_space<vmem>> -> memref<1x1x128xi32, #tpu.memory_space<vmem>>
          %dma_wait3A_858 = tpu.memref_squeeze %dma_wait3A_857 : memref<1x1x128xi32, #tpu.memory_space<vmem>> -> memref<128xi32, #tpu.memory_space<vmem>>
          %dma_wait3A_859 = arith.constant 0 : i32
          %dma_wait3A_860 = tpu.memref_slice %arg7[%dma_wait3A_859] : memref<100352xf32, #tpu.memory_space<vmem_shared>> -> memref<100352xf32, #tpu.memory_space<vmem_shared>>
          tpu.wait_indirect_dma semaphore(%arg10 : memref<!tpu.dma_semaphore, #tpu.memory_space<semaphore_mem>>) src(%arg5 : memref<128xf32, #tpu.memory_space<vmem>>) dst(%dma_wait3A_860 : memref<100352xf32, #tpu.memory_space<vmem_shared>>)
          %dma_wait3A_861 = arith.constant 0 : i32
          %dma_wait3A_862 = tpu.memref_slice %arg4[%cond3A_396, %cond3A_397, %dma_wait3A_861] : memref<2x32x128xi32, #tpu.memory_space<vmem>> -> memref<1x1x128xi32, #tpu.memory_space<vmem>>
          %dma_wait3A_863 = tpu.memref_squeeze %dma_wait3A_862 : memref<1x1x128xi32, #tpu.memory_space<vmem>> -> memref<128xi32, #tpu.memory_space<vmem>>
          %dma_wait3A_864 = arith.constant 0 : i32
          %dma_wait3A_865 = tpu.memref_slice %arg7[%dma_wait3A_864] : memref<100352xf32, #tpu.memory_space<vmem_shared>> -> memref<100352xf32, #tpu.memory_space<vmem_shared>>
          tpu.wait_indirect_dma semaphore(%arg10 : memref<!tpu.dma_semaphore, #tpu.memory_space<semaphore_mem>>) src(%arg5 : memref<128xf32, #tpu.memory_space<vmem>>) dst(%dma_wait3A_865 : memref<100352xf32, #tpu.memory_space<vmem_shared>>)
          %dma_wait3A_866 = arith.constant 0 : i32
          %dma_wait3A_867 = tpu.memref_slice %arg4[%cond3A_398, %cond3A_399, %dma_wait3A_866] : memref<2x32x128xi32, #tpu.memory_space<vmem>> -> memref<1x1x128xi32, #tpu.memory_space<vmem>>
          %dma_wait3A_868 = tpu.memref_squeeze %dma_wait3A_867 : memref<1x1x128xi32, #tpu.memory_space<vmem>> -> memref<128xi32, #tpu.memory_space<vmem>>
          %dma_wait3A_869 = arith.constant 0 : i32
          %dma_wait3A_870 = tpu.memref_slice %arg7[%dma_wait3A_869] : memref<100352xf32, #tpu.memory_space<vmem_shared>> -> memref<100352xf32, #tpu.memory_space<vmem_shared>>
          tpu.wait_indirect_dma semaphore(%arg10 : memref<!tpu.dma_semaphore, #tpu.memory_space<semaphore_mem>>) src(%arg5 : memref<128xf32, #tpu.memory_space<vmem>>) dst(%dma_wait3A_870 : memref<100352xf32, #tpu.memory_space<vmem_shared>>)
          %add3A_871 = arith.constant 2 : i32
          %add3A_872 = arith.addi %mul3A_82, %add3A_871 : i32
          %mul3A_873 = arith.constant 32 : i32
          %mul3A_874 = arith.muli %add3A_872, %mul3A_873 : i32
          %add3A_875 = arith.addi %add3A, %mul3A_874 : i32
          %lt3A_876 = arith.constant 391 : i32
          %lt3A_877 = arith.cmpi slt, %add3A_875, %lt3A_876 : i32
          %convert_element_type3A_878 = arith.extui %lt3A_877 : i1 to i32
          %cond3A_879 = arith.constant 0 : i32
          %cond3A_880 = arith.cmpi ne, %convert_element_type3A_878, %cond3A_879 : i32
          scf.if %cond3A_880 {
            %mul3A_1115 = arith.constant 32 : i32
            %mul3A_1116 = arith.muli %add3A_875, %mul3A_1115 : i32
            %min3A = arith.constant 12464 : i32
            %min3A_1117 = arith.minsi %mul3A_1116, %min3A : i32
            %multiple_of3A = tpu.assume_multiple %min3A_1117, 8 : i32
            %dma_start3A_1118 = arith.constant 0 : i32
            %dma_start3A_1119 = arith.constant 0 : i32
            %dma_start3A_1120 = arith.constant 0 : i32
            %dma_start3A_1121 = tpu.memref_slice %arg4[%dma_start3A_1118, %dma_start3A_1119, %dma_start3A_1120] : memref<2x32x128xi32, #tpu.memory_space<vmem>> -> memref<1x32x128xi32, #tpu.memory_space<vmem>>
            %dma_start3A_1122 = tpu.memref_squeeze %dma_start3A_1121 : memref<1x32x128xi32, #tpu.memory_space<vmem>> -> memref<32x128xi32, #tpu.memory_space<vmem>>
            %dma_start3A_1123 = arith.constant 0 : i32
            %dma_start3A_1124 = tpu.memref_slice %arg2[%multiple_of3A, %dma_start3A_1123] : memref<12500x128xi32, #tpu.memory_space<hbm>> -> memref<32x128xi32, #tpu.memory_space<hbm>>
            %dma_start3A_1125 = arith.constant 0 : i32
            %dma_start3A_1126 = arith.constant 0 : i32
            %dma_start3A_1127 = tpu.memref_slice %arg4[%dma_start3A_1118, %dma_start3A_1125, %dma_start3A_1126] : memref<2x32x128xi32, #tpu.memory_space<vmem>> -> memref<1x32x128xi32, #tpu.memory_space<vmem>>
            %dma_start3A_1128 = tpu.memref_squeeze %dma_start3A_1127 : memref<1x32x128xi32, #tpu.memory_space<vmem>> -> memref<32x128xi32, #tpu.memory_space<vmem>>
            %dma_start3A_1129 = arith.constant 0 : i32
            %dma_start3A_1130 = tpu.memref_slice %arg2[%multiple_of3A, %dma_start3A_1129] : memref<12500x128xi32, #tpu.memory_space<hbm>> -> memref<32x128xi32, #tpu.memory_space<hbm>>
            tpu.enqueue_dma source(%dma_start3A_1130 : memref<32x128xi32, #tpu.memory_space<hbm>>) target(%dma_start3A_1128 : memref<32x128xi32, #tpu.memory_space<vmem>>) target_semaphore(%arg8 : memref<!tpu.dma_semaphore, #tpu.memory_space<semaphore_mem>>)
          } else {
          }
          %dma_wait3A_881 = arith.constant 1 : i32
          %dma_wait3A_882 = arith.constant 0 : i32
          %dma_wait3A_883 = arith.constant 0 : i32
          %dma_wait3A_884 = tpu.memref_slice %arg4[%dma_wait3A_881, %dma_wait3A_882, %dma_wait3A_883] : memref<2x32x128xi32, #tpu.memory_space<vmem>> -> memref<1x1x128xi32, #tpu.memory_space<vmem>>
          %dma_wait3A_885 = tpu.memref_squeeze %dma_wait3A_884 : memref<1x1x128xi32, #tpu.memory_space<vmem>> -> memref<128xi32, #tpu.memory_space<vmem>>
          %dma_wait3A_886 = arith.constant 0 : i32
          %dma_wait3A_887 = tpu.memref_slice %arg7[%dma_wait3A_886] : memref<100352xf32, #tpu.memory_space<vmem_shared>> -> memref<100352xf32, #tpu.memory_space<vmem_shared>>
          tpu.wait_indirect_dma semaphore(%arg11 : memref<!tpu.dma_semaphore, #tpu.memory_space<semaphore_mem>>) src(%arg5 : memref<128xf32, #tpu.memory_space<vmem>>) dst(%dma_wait3A_887 : memref<100352xf32, #tpu.memory_space<vmem_shared>>)
          %dma_wait3A_888 = arith.constant 1 : i32
          %dma_wait3A_889 = arith.constant 1 : i32
          %dma_wait3A_890 = arith.constant 0 : i32
          %dma_wait3A_891 = tpu.memref_slice %arg4[%dma_wait3A_888, %dma_wait3A_889, %dma_wait3A_890] : memref<2x32x128xi32, #tpu.memory_space<vmem>> -> memref<1x1x128xi32, #tpu.memory_space<vmem>>
          %dma_wait3A_892 = tpu.memref_squeeze %dma_wait3A_891 : memref<1x1x128xi32, #tpu.memory_space<vmem>> -> memref<128xi32, #tpu.memory_space<vmem>>
          %dma_wait3A_893 = arith.constant 0 : i32
          %dma_wait3A_894 = tpu.memref_slice %arg7[%dma_wait3A_893] : memref<100352xf32, #tpu.memory_space<vmem_shared>> -> memref<100352xf32, #tpu.memory_space<vmem_shared>>
          tpu.wait_indirect_dma semaphore(%arg11 : memref<!tpu.dma_semaphore, #tpu.memory_space<semaphore_mem>>) src(%arg5 : memref<128xf32, #tpu.memory_space<vmem>>) dst(%dma_wait3A_894 : memref<100352xf32, #tpu.memory_space<vmem_shared>>)
          %dma_wait3A_895 = arith.constant 1 : i32
          %dma_wait3A_896 = arith.constant 2 : i32
          %dma_wait3A_897 = arith.constant 0 : i32
          %dma_wait3A_898 = tpu.memref_slice %arg4[%dma_wait3A_895, %dma_wait3A_896, %dma_wait3A_897] : memref<2x32x128xi32, #tpu.memory_space<vmem>> -> memref<1x1x128xi32, #tpu.memory_space<vmem>>
          %dma_wait3A_899 = tpu.memref_squeeze %dma_wait3A_898 : memref<1x1x128xi32, #tpu.memory_space<vmem>> -> memref<128xi32, #tpu.memory_space<vmem>>
          %dma_wait3A_900 = arith.constant 0 : i32
          %dma_wait3A_901 = tpu.memref_slice %arg7[%dma_wait3A_900] : memref<100352xf32, #tpu.memory_space<vmem_shared>> -> memref<100352xf32, #tpu.memory_space<vmem_shared>>
          tpu.wait_indirect_dma semaphore(%arg11 : memref<!tpu.dma_semaphore, #tpu.memory_space<semaphore_mem>>) src(%arg5 : memref<128xf32, #tpu.memory_space<vmem>>) dst(%dma_wait3A_901 : memref<100352xf32, #tpu.memory_space<vmem_shared>>)
          %dma_wait3A_902 = arith.constant 1 : i32
          %dma_wait3A_903 = arith.constant 3 : i32
          %dma_wait3A_904 = arith.constant 0 : i32
          %dma_wait3A_905 = tpu.memref_slice %arg4[%dma_wait3A_902, %dma_wait3A_903, %dma_wait3A_904] : memref<2x32x128xi32, #tpu.memory_space<vmem>> -> memref<1x1x128xi32, #tpu.memory_space<vmem>>
          %dma_wait3A_906 = tpu.memref_squeeze %dma_wait3A_905 : memref<1x1x128xi32, #tpu.memory_space<vmem>> -> memref<128xi32, #tpu.memory_space<vmem>>
          %dma_wait3A_907 = arith.constant 0 : i32
          %dma_wait3A_908 = tpu.memref_slice %arg7[%dma_wait3A_907] : memref<100352xf32, #tpu.memory_space<vmem_shared>> -> memref<100352xf32, #tpu.memory_space<vmem_shared>>
          tpu.wait_indirect_dma semaphore(%arg11 : memref<!tpu.dma_semaphore, #tpu.memory_space<semaphore_mem>>) src(%arg5 : memref<128xf32, #tpu.memory_space<vmem>>) dst(%dma_wait3A_908 : memref<100352xf32, #tpu.memory_space<vmem_shared>>)
          %dma_wait3A_909 = arith.constant 1 : i32
          %dma_wait3A_910 = arith.constant 4 : i32
          %dma_wait3A_911 = arith.constant 0 : i32
          %dma_wait3A_912 = tpu.memref_slice %arg4[%dma_wait3A_909, %dma_wait3A_910, %dma_wait3A_911] : memref<2x32x128xi32, #tpu.memory_space<vmem>> -> memref<1x1x128xi32, #tpu.memory_space<vmem>>
          %dma_wait3A_913 = tpu.memref_squeeze %dma_wait3A_912 : memref<1x1x128xi32, #tpu.memory_space<vmem>> -> memref<128xi32, #tpu.memory_space<vmem>>
          %dma_wait3A_914 = arith.constant 0 : i32
          %dma_wait3A_915 = tpu.memref_slice %arg7[%dma_wait3A_914] : memref<100352xf32, #tpu.memory_space<vmem_shared>> -> memref<100352xf32, #tpu.memory_space<vmem_shared>>
          tpu.wait_indirect_dma semaphore(%arg11 : memref<!tpu.dma_semaphore, #tpu.memory_space<semaphore_mem>>) src(%arg5 : memref<128xf32, #tpu.memory_space<vmem>>) dst(%dma_wait3A_915 : memref<100352xf32, #tpu.memory_space<vmem_shared>>)
          %dma_wait3A_916 = arith.constant 1 : i32
          %dma_wait3A_917 = arith.constant 5 : i32
          %dma_wait3A_918 = arith.constant 0 : i32
          %dma_wait3A_919 = tpu.memref_slice %arg4[%dma_wait3A_916, %dma_wait3A_917, %dma_wait3A_918] : memref<2x32x128xi32, #tpu.memory_space<vmem>> -> memref<1x1x128xi32, #tpu.memory_space<vmem>>
          %dma_wait3A_920 = tpu.memref_squeeze %dma_wait3A_919 : memref<1x1x128xi32, #tpu.memory_space<vmem>> -> memref<128xi32, #tpu.memory_space<vmem>>
          %dma_wait3A_921 = arith.constant 0 : i32
          %dma_wait3A_922 = tpu.memref_slice %arg7[%dma_wait3A_921] : memref<100352xf32, #tpu.memory_space<vmem_shared>> -> memref<100352xf32, #tpu.memory_space<vmem_shared>>
          tpu.wait_indirect_dma semaphore(%arg11 : memref<!tpu.dma_semaphore, #tpu.memory_space<semaphore_mem>>) src(%arg5 : memref<128xf32, #tpu.memory_space<vmem>>) dst(%dma_wait3A_922 : memref<100352xf32, #tpu.memory_space<vmem_shared>>)
          %dma_wait3A_923 = arith.constant 1 : i32
          %dma_wait3A_924 = arith.constant 6 : i32
          %dma_wait3A_925 = arith.constant 0 : i32
          %dma_wait3A_926 = tpu.memref_slice %arg4[%dma_wait3A_923, %dma_wait3A_924, %dma_wait3A_925] : memref<2x32x128xi32, #tpu.memory_space<vmem>> -> memref<1x1x128xi32, #tpu.memory_space<vmem>>
          %dma_wait3A_927 = tpu.memref_squeeze %dma_wait3A_926 : memref<1x1x128xi32, #tpu.memory_space<vmem>> -> memref<128xi32, #tpu.memory_space<vmem>>
          %dma_wait3A_928 = arith.constant 0 : i32
          %dma_wait3A_929 = tpu.memref_slice %arg7[%dma_wait3A_928] : memref<100352xf32, #tpu.memory_space<vmem_shared>> -> memref<100352xf32, #tpu.memory_space<vmem_shared>>
          tpu.wait_indirect_dma semaphore(%arg11 : memref<!tpu.dma_semaphore, #tpu.memory_space<semaphore_mem>>) src(%arg5 : memref<128xf32, #tpu.memory_space<vmem>>) dst(%dma_wait3A_929 : memref<100352xf32, #tpu.memory_space<vmem_shared>>)
          %dma_wait3A_930 = arith.constant 1 : i32
          %dma_wait3A_931 = arith.constant 7 : i32
          %dma_wait3A_932 = arith.constant 0 : i32
          %dma_wait3A_933 = tpu.memref_slice %arg4[%dma_wait3A_930, %dma_wait3A_931, %dma_wait3A_932] : memref<2x32x128xi32, #tpu.memory_space<vmem>> -> memref<1x1x128xi32, #tpu.memory_space<vmem>>
          %dma_wait3A_934 = tpu.memref_squeeze %dma_wait3A_933 : memref<1x1x128xi32, #tpu.memory_space<vmem>> -> memref<128xi32, #tpu.memory_space<vmem>>
          %dma_wait3A_935 = arith.constant 0 : i32
          %dma_wait3A_936 = tpu.memref_slice %arg7[%dma_wait3A_935] : memref<100352xf32, #tpu.memory_space<vmem_shared>> -> memref<100352xf32, #tpu.memory_space<vmem_shared>>
          tpu.wait_indirect_dma semaphore(%arg11 : memref<!tpu.dma_semaphore, #tpu.memory_space<semaphore_mem>>) src(%arg5 : memref<128xf32, #tpu.memory_space<vmem>>) dst(%dma_wait3A_936 : memref<100352xf32, #tpu.memory_space<vmem_shared>>)
          %dma_wait3A_937 = arith.constant 1 : i32
          %dma_wait3A_938 = arith.constant 8 : i32
          %dma_wait3A_939 = arith.constant 0 : i32
          %dma_wait3A_940 = tpu.memref_slice %arg4[%dma_wait3A_937, %dma_wait3A_938, %dma_wait3A_939] : memref<2x32x128xi32, #tpu.memory_space<vmem>> -> memref<1x1x128xi32, #tpu.memory_space<vmem>>
          %dma_wait3A_941 = tpu.memref_squeeze %dma_wait3A_940 : memref<1x1x128xi32, #tpu.memory_space<vmem>> -> memref<128xi32, #tpu.memory_space<vmem>>
          %dma_wait3A_942 = arith.constant 0 : i32
          %dma_wait3A_943 = tpu.memref_slice %arg7[%dma_wait3A_942] : memref<100352xf32, #tpu.memory_space<vmem_shared>> -> memref<100352xf32, #tpu.memory_space<vmem_shared>>
          tpu.wait_indirect_dma semaphore(%arg11 : memref<!tpu.dma_semaphore, #tpu.memory_space<semaphore_mem>>) src(%arg5 : memref<128xf32, #tpu.memory_space<vmem>>) dst(%dma_wait3A_943 : memref<100352xf32, #tpu.memory_space<vmem_shared>>)
          %dma_wait3A_944 = arith.constant 1 : i32
          %dma_wait3A_945 = arith.constant 9 : i32
          %dma_wait3A_946 = arith.constant 0 : i32
          %dma_wait3A_947 = tpu.memref_slice %arg4[%dma_wait3A_944, %dma_wait3A_945, %dma_wait3A_946] : memref<2x32x128xi32, #tpu.memory_space<vmem>> -> memref<1x1x128xi32, #tpu.memory_space<vmem>>
          %dma_wait3A_948 = tpu.memref_squeeze %dma_wait3A_947 : memref<1x1x128xi32, #tpu.memory_space<vmem>> -> memref<128xi32, #tpu.memory_space<vmem>>
          %dma_wait3A_949 = arith.constant 0 : i32
          %dma_wait3A_950 = tpu.memref_slice %arg7[%dma_wait3A_949] : memref<100352xf32, #tpu.memory_space<vmem_shared>> -> memref<100352xf32, #tpu.memory_space<vmem_shared>>
          tpu.wait_indirect_dma semaphore(%arg11 : memref<!tpu.dma_semaphore, #tpu.memory_space<semaphore_mem>>) src(%arg5 : memref<128xf32, #tpu.memory_space<vmem>>) dst(%dma_wait3A_950 : memref<100352xf32, #tpu.memory_space<vmem_shared>>)
          %dma_wait3A_951 = arith.constant 1 : i32
          %dma_wait3A_952 = arith.constant 10 : i32
          %dma_wait3A_953 = arith.constant 0 : i32
          %dma_wait3A_954 = tpu.memref_slice %arg4[%dma_wait3A_951, %dma_wait3A_952, %dma_wait3A_953] : memref<2x32x128xi32, #tpu.memory_space<vmem>> -> memref<1x1x128xi32, #tpu.memory_space<vmem>>
          %dma_wait3A_955 = tpu.memref_squeeze %dma_wait3A_954 : memref<1x1x128xi32, #tpu.memory_space<vmem>> -> memref<128xi32, #tpu.memory_space<vmem>>
          %dma_wait3A_956 = arith.constant 0 : i32
          %dma_wait3A_957 = tpu.memref_slice %arg7[%dma_wait3A_956] : memref<100352xf32, #tpu.memory_space<vmem_shared>> -> memref<100352xf32, #tpu.memory_space<vmem_shared>>
          tpu.wait_indirect_dma semaphore(%arg11 : memref<!tpu.dma_semaphore, #tpu.memory_space<semaphore_mem>>) src(%arg5 : memref<128xf32, #tpu.memory_space<vmem>>) dst(%dma_wait3A_957 : memref<100352xf32, #tpu.memory_space<vmem_shared>>)
          %dma_wait3A_958 = arith.constant 1 : i32
          %dma_wait3A_959 = arith.constant 11 : i32
          %dma_wait3A_960 = arith.constant 0 : i32
          %dma_wait3A_961 = tpu.memref_slice %arg4[%dma_wait3A_958, %dma_wait3A_959, %dma_wait3A_960] : memref<2x32x128xi32, #tpu.memory_space<vmem>> -> memref<1x1x128xi32, #tpu.memory_space<vmem>>
          %dma_wait3A_962 = tpu.memref_squeeze %dma_wait3A_961 : memref<1x1x128xi32, #tpu.memory_space<vmem>> -> memref<128xi32, #tpu.memory_space<vmem>>
          %dma_wait3A_963 = arith.constant 0 : i32
          %dma_wait3A_964 = tpu.memref_slice %arg7[%dma_wait3A_963] : memref<100352xf32, #tpu.memory_space<vmem_shared>> -> memref<100352xf32, #tpu.memory_space<vmem_shared>>
          tpu.wait_indirect_dma semaphore(%arg11 : memref<!tpu.dma_semaphore, #tpu.memory_space<semaphore_mem>>) src(%arg5 : memref<128xf32, #tpu.memory_space<vmem>>) dst(%dma_wait3A_964 : memref<100352xf32, #tpu.memory_space<vmem_shared>>)
          %dma_wait3A_965 = arith.constant 1 : i32
          %dma_wait3A_966 = arith.constant 12 : i32
          %dma_wait3A_967 = arith.constant 0 : i32
          %dma_wait3A_968 = tpu.memref_slice %arg4[%dma_wait3A_965, %dma_wait3A_966, %dma_wait3A_967] : memref<2x32x128xi32, #tpu.memory_space<vmem>> -> memref<1x1x128xi32, #tpu.memory_space<vmem>>
          %dma_wait3A_969 = tpu.memref_squeeze %dma_wait3A_968 : memref<1x1x128xi32, #tpu.memory_space<vmem>> -> memref<128xi32, #tpu.memory_space<vmem>>
          %dma_wait3A_970 = arith.constant 0 : i32
          %dma_wait3A_971 = tpu.memref_slice %arg7[%dma_wait3A_970] : memref<100352xf32, #tpu.memory_space<vmem_shared>> -> memref<100352xf32, #tpu.memory_space<vmem_shared>>
          tpu.wait_indirect_dma semaphore(%arg11 : memref<!tpu.dma_semaphore, #tpu.memory_space<semaphore_mem>>) src(%arg5 : memref<128xf32, #tpu.memory_space<vmem>>) dst(%dma_wait3A_971 : memref<100352xf32, #tpu.memory_space<vmem_shared>>)
          %dma_wait3A_972 = arith.constant 1 : i32
          %dma_wait3A_973 = arith.constant 13 : i32
          %dma_wait3A_974 = arith.constant 0 : i32
          %dma_wait3A_975 = tpu.memref_slice %arg4[%dma_wait3A_972, %dma_wait3A_973, %dma_wait3A_974] : memref<2x32x128xi32, #tpu.memory_space<vmem>> -> memref<1x1x128xi32, #tpu.memory_space<vmem>>
          %dma_wait3A_976 = tpu.memref_squeeze %dma_wait3A_975 : memref<1x1x128xi32, #tpu.memory_space<vmem>> -> memref<128xi32, #tpu.memory_space<vmem>>
          %dma_wait3A_977 = arith.constant 0 : i32
          %dma_wait3A_978 = tpu.memref_slice %arg7[%dma_wait3A_977] : memref<100352xf32, #tpu.memory_space<vmem_shared>> -> memref<100352xf32, #tpu.memory_space<vmem_shared>>
          tpu.wait_indirect_dma semaphore(%arg11 : memref<!tpu.dma_semaphore, #tpu.memory_space<semaphore_mem>>) src(%arg5 : memref<128xf32, #tpu.memory_space<vmem>>) dst(%dma_wait3A_978 : memref<100352xf32, #tpu.memory_space<vmem_shared>>)
          %dma_wait3A_979 = arith.constant 1 : i32
          %dma_wait3A_980 = arith.constant 14 : i32
          %dma_wait3A_981 = arith.constant 0 : i32
          %dma_wait3A_982 = tpu.memref_slice %arg4[%dma_wait3A_979, %dma_wait3A_980, %dma_wait3A_981] : memref<2x32x128xi32, #tpu.memory_space<vmem>> -> memref<1x1x128xi32, #tpu.memory_space<vmem>>
          %dma_wait3A_983 = tpu.memref_squeeze %dma_wait3A_982 : memref<1x1x128xi32, #tpu.memory_space<vmem>> -> memref<128xi32, #tpu.memory_space<vmem>>
          %dma_wait3A_984 = arith.constant 0 : i32
          %dma_wait3A_985 = tpu.memref_slice %arg7[%dma_wait3A_984] : memref<100352xf32, #tpu.memory_space<vmem_shared>> -> memref<100352xf32, #tpu.memory_space<vmem_shared>>
          tpu.wait_indirect_dma semaphore(%arg11 : memref<!tpu.dma_semaphore, #tpu.memory_space<semaphore_mem>>) src(%arg5 : memref<128xf32, #tpu.memory_space<vmem>>) dst(%dma_wait3A_985 : memref<100352xf32, #tpu.memory_space<vmem_shared>>)
          %dma_wait3A_986 = arith.constant 1 : i32
          %dma_wait3A_987 = arith.constant 15 : i32
          %dma_wait3A_988 = arith.constant 0 : i32
          %dma_wait3A_989 = tpu.memref_slice %arg4[%dma_wait3A_986, %dma_wait3A_987, %dma_wait3A_988] : memref<2x32x128xi32, #tpu.memory_space<vmem>> -> memref<1x1x128xi32, #tpu.memory_space<vmem>>
          %dma_wait3A_990 = tpu.memref_squeeze %dma_wait3A_989 : memref<1x1x128xi32, #tpu.memory_space<vmem>> -> memref<128xi32, #tpu.memory_space<vmem>>
          %dma_wait3A_991 = arith.constant 0 : i32
          %dma_wait3A_992 = tpu.memref_slice %arg7[%dma_wait3A_991] : memref<100352xf32, #tpu.memory_space<vmem_shared>> -> memref<100352xf32, #tpu.memory_space<vmem_shared>>
          tpu.wait_indirect_dma semaphore(%arg11 : memref<!tpu.dma_semaphore, #tpu.memory_space<semaphore_mem>>) src(%arg5 : memref<128xf32, #tpu.memory_space<vmem>>) dst(%dma_wait3A_992 : memref<100352xf32, #tpu.memory_space<vmem_shared>>)
          %dma_wait3A_993 = arith.constant 1 : i32
          %dma_wait3A_994 = arith.constant 16 : i32
          %dma_wait3A_995 = arith.constant 0 : i32
          %dma_wait3A_996 = tpu.memref_slice %arg4[%dma_wait3A_993, %dma_wait3A_994, %dma_wait3A_995] : memref<2x32x128xi32, #tpu.memory_space<vmem>> -> memref<1x1x128xi32, #tpu.memory_space<vmem>>
          %dma_wait3A_997 = tpu.memref_squeeze %dma_wait3A_996 : memref<1x1x128xi32, #tpu.memory_space<vmem>> -> memref<128xi32, #tpu.memory_space<vmem>>
          %dma_wait3A_998 = arith.constant 0 : i32
          %dma_wait3A_999 = tpu.memref_slice %arg7[%dma_wait3A_998] : memref<100352xf32, #tpu.memory_space<vmem_shared>> -> memref<100352xf32, #tpu.memory_space<vmem_shared>>
          tpu.wait_indirect_dma semaphore(%arg11 : memref<!tpu.dma_semaphore, #tpu.memory_space<semaphore_mem>>) src(%arg5 : memref<128xf32, #tpu.memory_space<vmem>>) dst(%dma_wait3A_999 : memref<100352xf32, #tpu.memory_space<vmem_shared>>)
          %dma_wait3A_1000 = arith.constant 1 : i32
          %dma_wait3A_1001 = arith.constant 17 : i32
          %dma_wait3A_1002 = arith.constant 0 : i32
          %dma_wait3A_1003 = tpu.memref_slice %arg4[%dma_wait3A_1000, %dma_wait3A_1001, %dma_wait3A_1002] : memref<2x32x128xi32, #tpu.memory_space<vmem>> -> memref<1x1x128xi32, #tpu.memory_space<vmem>>
          %dma_wait3A_1004 = tpu.memref_squeeze %dma_wait3A_1003 : memref<1x1x128xi32, #tpu.memory_space<vmem>> -> memref<128xi32, #tpu.memory_space<vmem>>
          %dma_wait3A_1005 = arith.constant 0 : i32
          %dma_wait3A_1006 = tpu.memref_slice %arg7[%dma_wait3A_1005] : memref<100352xf32, #tpu.memory_space<vmem_shared>> -> memref<100352xf32, #tpu.memory_space<vmem_shared>>
          tpu.wait_indirect_dma semaphore(%arg11 : memref<!tpu.dma_semaphore, #tpu.memory_space<semaphore_mem>>) src(%arg5 : memref<128xf32, #tpu.memory_space<vmem>>) dst(%dma_wait3A_1006 : memref<100352xf32, #tpu.memory_space<vmem_shared>>)
          %dma_wait3A_1007 = arith.constant 1 : i32
          %dma_wait3A_1008 = arith.constant 18 : i32
          %dma_wait3A_1009 = arith.constant 0 : i32
          %dma_wait3A_1010 = tpu.memref_slice %arg4[%dma_wait3A_1007, %dma_wait3A_1008, %dma_wait3A_1009] : memref<2x32x128xi32, #tpu.memory_space<vmem>> -> memref<1x1x128xi32, #tpu.memory_space<vmem>>
          %dma_wait3A_1011 = tpu.memref_squeeze %dma_wait3A_1010 : memref<1x1x128xi32, #tpu.memory_space<vmem>> -> memref<128xi32, #tpu.memory_space<vmem>>
          %dma_wait3A_1012 = arith.constant 0 : i32
          %dma_wait3A_1013 = tpu.memref_slice %arg7[%dma_wait3A_1012] : memref<100352xf32, #tpu.memory_space<vmem_shared>> -> memref<100352xf32, #tpu.memory_space<vmem_shared>>
          tpu.wait_indirect_dma semaphore(%arg11 : memref<!tpu.dma_semaphore, #tpu.memory_space<semaphore_mem>>) src(%arg5 : memref<128xf32, #tpu.memory_space<vmem>>) dst(%dma_wait3A_1013 : memref<100352xf32, #tpu.memory_space<vmem_shared>>)
          %dma_wait3A_1014 = arith.constant 1 : i32
          %dma_wait3A_1015 = arith.constant 19 : i32
          %dma_wait3A_1016 = arith.constant 0 : i32
          %dma_wait3A_1017 = tpu.memref_slice %arg4[%dma_wait3A_1014, %dma_wait3A_1015, %dma_wait3A_1016] : memref<2x32x128xi32, #tpu.memory_space<vmem>> -> memref<1x1x128xi32, #tpu.memory_space<vmem>>
          %dma_wait3A_1018 = tpu.memref_squeeze %dma_wait3A_1017 : memref<1x1x128xi32, #tpu.memory_space<vmem>> -> memref<128xi32, #tpu.memory_space<vmem>>
          %dma_wait3A_1019 = arith.constant 0 : i32
          %dma_wait3A_1020 = tpu.memref_slice %arg7[%dma_wait3A_1019] : memref<100352xf32, #tpu.memory_space<vmem_shared>> -> memref<100352xf32, #tpu.memory_space<vmem_shared>>
          tpu.wait_indirect_dma semaphore(%arg11 : memref<!tpu.dma_semaphore, #tpu.memory_space<semaphore_mem>>) src(%arg5 : memref<128xf32, #tpu.memory_space<vmem>>) dst(%dma_wait3A_1020 : memref<100352xf32, #tpu.memory_space<vmem_shared>>)
          %dma_wait3A_1021 = arith.constant 1 : i32
          %dma_wait3A_1022 = arith.constant 20 : i32
          %dma_wait3A_1023 = arith.constant 0 : i32
          %dma_wait3A_1024 = tpu.memref_slice %arg4[%dma_wait3A_1021, %dma_wait3A_1022, %dma_wait3A_1023] : memref<2x32x128xi32, #tpu.memory_space<vmem>> -> memref<1x1x128xi32, #tpu.memory_space<vmem>>
          %dma_wait3A_1025 = tpu.memref_squeeze %dma_wait3A_1024 : memref<1x1x128xi32, #tpu.memory_space<vmem>> -> memref<128xi32, #tpu.memory_space<vmem>>
          %dma_wait3A_1026 = arith.constant 0 : i32
          %dma_wait3A_1027 = tpu.memref_slice %arg7[%dma_wait3A_1026] : memref<100352xf32, #tpu.memory_space<vmem_shared>> -> memref<100352xf32, #tpu.memory_space<vmem_shared>>
          tpu.wait_indirect_dma semaphore(%arg11 : memref<!tpu.dma_semaphore, #tpu.memory_space<semaphore_mem>>) src(%arg5 : memref<128xf32, #tpu.memory_space<vmem>>) dst(%dma_wait3A_1027 : memref<100352xf32, #tpu.memory_space<vmem_shared>>)
          %dma_wait3A_1028 = arith.constant 1 : i32
          %dma_wait3A_1029 = arith.constant 21 : i32
          %dma_wait3A_1030 = arith.constant 0 : i32
          %dma_wait3A_1031 = tpu.memref_slice %arg4[%dma_wait3A_1028, %dma_wait3A_1029, %dma_wait3A_1030] : memref<2x32x128xi32, #tpu.memory_space<vmem>> -> memref<1x1x128xi32, #tpu.memory_space<vmem>>
          %dma_wait3A_1032 = tpu.memref_squeeze %dma_wait3A_1031 : memref<1x1x128xi32, #tpu.memory_space<vmem>> -> memref<128xi32, #tpu.memory_space<vmem>>
          %dma_wait3A_1033 = arith.constant 0 : i32
          %dma_wait3A_1034 = tpu.memref_slice %arg7[%dma_wait3A_1033] : memref<100352xf32, #tpu.memory_space<vmem_shared>> -> memref<100352xf32, #tpu.memory_space<vmem_shared>>
          tpu.wait_indirect_dma semaphore(%arg11 : memref<!tpu.dma_semaphore, #tpu.memory_space<semaphore_mem>>) src(%arg5 : memref<128xf32, #tpu.memory_space<vmem>>) dst(%dma_wait3A_1034 : memref<100352xf32, #tpu.memory_space<vmem_shared>>)
          %dma_wait3A_1035 = arith.constant 1 : i32
          %dma_wait3A_1036 = arith.constant 22 : i32
          %dma_wait3A_1037 = arith.constant 0 : i32
          %dma_wait3A_1038 = tpu.memref_slice %arg4[%dma_wait3A_1035, %dma_wait3A_1036, %dma_wait3A_1037] : memref<2x32x128xi32, #tpu.memory_space<vmem>> -> memref<1x1x128xi32, #tpu.memory_space<vmem>>
          %dma_wait3A_1039 = tpu.memref_squeeze %dma_wait3A_1038 : memref<1x1x128xi32, #tpu.memory_space<vmem>> -> memref<128xi32, #tpu.memory_space<vmem>>
          %dma_wait3A_1040 = arith.constant 0 : i32
          %dma_wait3A_1041 = tpu.memref_slice %arg7[%dma_wait3A_1040] : memref<100352xf32, #tpu.memory_space<vmem_shared>> -> memref<100352xf32, #tpu.memory_space<vmem_shared>>
          tpu.wait_indirect_dma semaphore(%arg11 : memref<!tpu.dma_semaphore, #tpu.memory_space<semaphore_mem>>) src(%arg5 : memref<128xf32, #tpu.memory_space<vmem>>) dst(%dma_wait3A_1041 : memref<100352xf32, #tpu.memory_space<vmem_shared>>)
          %dma_wait3A_1042 = arith.constant 1 : i32
          %dma_wait3A_1043 = arith.constant 23 : i32
          %dma_wait3A_1044 = arith.constant 0 : i32
          %dma_wait3A_1045 = tpu.memref_slice %arg4[%dma_wait3A_1042, %dma_wait3A_1043, %dma_wait3A_1044] : memref<2x32x128xi32, #tpu.memory_space<vmem>> -> memref<1x1x128xi32, #tpu.memory_space<vmem>>
          %dma_wait3A_1046 = tpu.memref_squeeze %dma_wait3A_1045 : memref<1x1x128xi32, #tpu.memory_space<vmem>> -> memref<128xi32, #tpu.memory_space<vmem>>
          %dma_wait3A_1047 = arith.constant 0 : i32
          %dma_wait3A_1048 = tpu.memref_slice %arg7[%dma_wait3A_1047] : memref<100352xf32, #tpu.memory_space<vmem_shared>> -> memref<100352xf32, #tpu.memory_space<vmem_shared>>
          tpu.wait_indirect_dma semaphore(%arg11 : memref<!tpu.dma_semaphore, #tpu.memory_space<semaphore_mem>>) src(%arg5 : memref<128xf32, #tpu.memory_space<vmem>>) dst(%dma_wait3A_1048 : memref<100352xf32, #tpu.memory_space<vmem_shared>>)
          %dma_wait3A_1049 = arith.constant 1 : i32
          %dma_wait3A_1050 = arith.constant 24 : i32
          %dma_wait3A_1051 = arith.constant 0 : i32
          %dma_wait3A_1052 = tpu.memref_slice %arg4[%dma_wait3A_1049, %dma_wait3A_1050, %dma_wait3A_1051] : memref<2x32x128xi32, #tpu.memory_space<vmem>> -> memref<1x1x128xi32, #tpu.memory_space<vmem>>
          %dma_wait3A_1053 = tpu.memref_squeeze %dma_wait3A_1052 : memref<1x1x128xi32, #tpu.memory_space<vmem>> -> memref<128xi32, #tpu.memory_space<vmem>>
          %dma_wait3A_1054 = arith.constant 0 : i32
          %dma_wait3A_1055 = tpu.memref_slice %arg7[%dma_wait3A_1054] : memref<100352xf32, #tpu.memory_space<vmem_shared>> -> memref<100352xf32, #tpu.memory_space<vmem_shared>>
          tpu.wait_indirect_dma semaphore(%arg11 : memref<!tpu.dma_semaphore, #tpu.memory_space<semaphore_mem>>) src(%arg5 : memref<128xf32, #tpu.memory_space<vmem>>) dst(%dma_wait3A_1055 : memref<100352xf32, #tpu.memory_space<vmem_shared>>)
          %dma_wait3A_1056 = arith.constant 1 : i32
          %dma_wait3A_1057 = arith.constant 25 : i32
          %dma_wait3A_1058 = arith.constant 0 : i32
          %dma_wait3A_1059 = tpu.memref_slice %arg4[%dma_wait3A_1056, %dma_wait3A_1057, %dma_wait3A_1058] : memref<2x32x128xi32, #tpu.memory_space<vmem>> -> memref<1x1x128xi32, #tpu.memory_space<vmem>>
          %dma_wait3A_1060 = tpu.memref_squeeze %dma_wait3A_1059 : memref<1x1x128xi32, #tpu.memory_space<vmem>> -> memref<128xi32, #tpu.memory_space<vmem>>
          %dma_wait3A_1061 = arith.constant 0 : i32
          %dma_wait3A_1062 = tpu.memref_slice %arg7[%dma_wait3A_1061] : memref<100352xf32, #tpu.memory_space<vmem_shared>> -> memref<100352xf32, #tpu.memory_space<vmem_shared>>
          tpu.wait_indirect_dma semaphore(%arg11 : memref<!tpu.dma_semaphore, #tpu.memory_space<semaphore_mem>>) src(%arg5 : memref<128xf32, #tpu.memory_space<vmem>>) dst(%dma_wait3A_1062 : memref<100352xf32, #tpu.memory_space<vmem_shared>>)
          %dma_wait3A_1063 = arith.constant 1 : i32
          %dma_wait3A_1064 = arith.constant 26 : i32
          %dma_wait3A_1065 = arith.constant 0 : i32
          %dma_wait3A_1066 = tpu.memref_slice %arg4[%dma_wait3A_1063, %dma_wait3A_1064, %dma_wait3A_1065] : memref<2x32x128xi32, #tpu.memory_space<vmem>> -> memref<1x1x128xi32, #tpu.memory_space<vmem>>
          %dma_wait3A_1067 = tpu.memref_squeeze %dma_wait3A_1066 : memref<1x1x128xi32, #tpu.memory_space<vmem>> -> memref<128xi32, #tpu.memory_space<vmem>>
          %dma_wait3A_1068 = arith.constant 0 : i32
          %dma_wait3A_1069 = tpu.memref_slice %arg7[%dma_wait3A_1068] : memref<100352xf32, #tpu.memory_space<vmem_shared>> -> memref<100352xf32, #tpu.memory_space<vmem_shared>>
          tpu.wait_indirect_dma semaphore(%arg11 : memref<!tpu.dma_semaphore, #tpu.memory_space<semaphore_mem>>) src(%arg5 : memref<128xf32, #tpu.memory_space<vmem>>) dst(%dma_wait3A_1069 : memref<100352xf32, #tpu.memory_space<vmem_shared>>)
          %dma_wait3A_1070 = arith.constant 1 : i32
          %dma_wait3A_1071 = arith.constant 27 : i32
          %dma_wait3A_1072 = arith.constant 0 : i32
          %dma_wait3A_1073 = tpu.memref_slice %arg4[%dma_wait3A_1070, %dma_wait3A_1071, %dma_wait3A_1072] : memref<2x32x128xi32, #tpu.memory_space<vmem>> -> memref<1x1x128xi32, #tpu.memory_space<vmem>>
          %dma_wait3A_1074 = tpu.memref_squeeze %dma_wait3A_1073 : memref<1x1x128xi32, #tpu.memory_space<vmem>> -> memref<128xi32, #tpu.memory_space<vmem>>
          %dma_wait3A_1075 = arith.constant 0 : i32
          %dma_wait3A_1076 = tpu.memref_slice %arg7[%dma_wait3A_1075] : memref<100352xf32, #tpu.memory_space<vmem_shared>> -> memref<100352xf32, #tpu.memory_space<vmem_shared>>
          tpu.wait_indirect_dma semaphore(%arg11 : memref<!tpu.dma_semaphore, #tpu.memory_space<semaphore_mem>>) src(%arg5 : memref<128xf32, #tpu.memory_space<vmem>>) dst(%dma_wait3A_1076 : memref<100352xf32, #tpu.memory_space<vmem_shared>>)
          %dma_wait3A_1077 = arith.constant 1 : i32
          %dma_wait3A_1078 = arith.constant 28 : i32
          %dma_wait3A_1079 = arith.constant 0 : i32
          %dma_wait3A_1080 = tpu.memref_slice %arg4[%dma_wait3A_1077, %dma_wait3A_1078, %dma_wait3A_1079] : memref<2x32x128xi32, #tpu.memory_space<vmem>> -> memref<1x1x128xi32, #tpu.memory_space<vmem>>
          %dma_wait3A_1081 = tpu.memref_squeeze %dma_wait3A_1080 : memref<1x1x128xi32, #tpu.memory_space<vmem>> -> memref<128xi32, #tpu.memory_space<vmem>>
          %dma_wait3A_1082 = arith.constant 0 : i32
          %dma_wait3A_1083 = tpu.memref_slice %arg7[%dma_wait3A_1082] : memref<100352xf32, #tpu.memory_space<vmem_shared>> -> memref<100352xf32, #tpu.memory_space<vmem_shared>>
          tpu.wait_indirect_dma semaphore(%arg11 : memref<!tpu.dma_semaphore, #tpu.memory_space<semaphore_mem>>) src(%arg5 : memref<128xf32, #tpu.memory_space<vmem>>) dst(%dma_wait3A_1083 : memref<100352xf32, #tpu.memory_space<vmem_shared>>)
          %dma_wait3A_1084 = arith.constant 1 : i32
          %dma_wait3A_1085 = arith.constant 29 : i32
          %dma_wait3A_1086 = arith.constant 0 : i32
          %dma_wait3A_1087 = tpu.memref_slice %arg4[%dma_wait3A_1084, %dma_wait3A_1085, %dma_wait3A_1086] : memref<2x32x128xi32, #tpu.memory_space<vmem>> -> memref<1x1x128xi32, #tpu.memory_space<vmem>>
          %dma_wait3A_1088 = tpu.memref_squeeze %dma_wait3A_1087 : memref<1x1x128xi32, #tpu.memory_space<vmem>> -> memref<128xi32, #tpu.memory_space<vmem>>
          %dma_wait3A_1089 = arith.constant 0 : i32
          %dma_wait3A_1090 = tpu.memref_slice %arg7[%dma_wait3A_1089] : memref<100352xf32, #tpu.memory_space<vmem_shared>> -> memref<100352xf32, #tpu.memory_space<vmem_shared>>
          tpu.wait_indirect_dma semaphore(%arg11 : memref<!tpu.dma_semaphore, #tpu.memory_space<semaphore_mem>>) src(%arg5 : memref<128xf32, #tpu.memory_space<vmem>>) dst(%dma_wait3A_1090 : memref<100352xf32, #tpu.memory_space<vmem_shared>>)
          %dma_wait3A_1091 = arith.constant 1 : i32
          %dma_wait3A_1092 = arith.constant 30 : i32
          %dma_wait3A_1093 = arith.constant 0 : i32
          %dma_wait3A_1094 = tpu.memref_slice %arg4[%dma_wait3A_1091, %dma_wait3A_1092, %dma_wait3A_1093] : memref<2x32x128xi32, #tpu.memory_space<vmem>> -> memref<1x1x128xi32, #tpu.memory_space<vmem>>
          %dma_wait3A_1095 = tpu.memref_squeeze %dma_wait3A_1094 : memref<1x1x128xi32, #tpu.memory_space<vmem>> -> memref<128xi32, #tpu.memory_space<vmem>>
          %dma_wait3A_1096 = arith.constant 0 : i32
          %dma_wait3A_1097 = tpu.memref_slice %arg7[%dma_wait3A_1096] : memref<100352xf32, #tpu.memory_space<vmem_shared>> -> memref<100352xf32, #tpu.memory_space<vmem_shared>>
          tpu.wait_indirect_dma semaphore(%arg11 : memref<!tpu.dma_semaphore, #tpu.memory_space<semaphore_mem>>) src(%arg5 : memref<128xf32, #tpu.memory_space<vmem>>) dst(%dma_wait3A_1097 : memref<100352xf32, #tpu.memory_space<vmem_shared>>)
          %dma_wait3A_1098 = arith.constant 1 : i32
          %dma_wait3A_1099 = arith.constant 31 : i32
          %dma_wait3A_1100 = arith.constant 0 : i32
          %dma_wait3A_1101 = tpu.memref_slice %arg4[%dma_wait3A_1098, %dma_wait3A_1099, %dma_wait3A_1100] : memref<2x32x128xi32, #tpu.memory_space<vmem>> -> memref<1x1x128xi32, #tpu.memory_space<vmem>>
          %dma_wait3A_1102 = tpu.memref_squeeze %dma_wait3A_1101 : memref<1x1x128xi32, #tpu.memory_space<vmem>> -> memref<128xi32, #tpu.memory_space<vmem>>
          %dma_wait3A_1103 = arith.constant 0 : i32
          %dma_wait3A_1104 = tpu.memref_slice %arg7[%dma_wait3A_1103] : memref<100352xf32, #tpu.memory_space<vmem_shared>> -> memref<100352xf32, #tpu.memory_space<vmem_shared>>
          tpu.wait_indirect_dma semaphore(%arg11 : memref<!tpu.dma_semaphore, #tpu.memory_space<semaphore_mem>>) src(%arg5 : memref<128xf32, #tpu.memory_space<vmem>>) dst(%dma_wait3A_1104 : memref<100352xf32, #tpu.memory_space<vmem_shared>>)
          %add3A_1105 = arith.constant 3 : i32
          %add3A_1106 = arith.addi %mul3A_82, %add3A_1105 : i32
          %mul3A_1107 = arith.constant 32 : i32
          %mul3A_1108 = arith.muli %add3A_1106, %mul3A_1107 : i32
          %add3A_1109 = arith.addi %add3A, %mul3A_1108 : i32
          %lt3A_1110 = arith.constant 391 : i32
          %lt3A_1111 = arith.cmpi slt, %add3A_1109, %lt3A_1110 : i32
          %convert_element_type3A_1112 = arith.extui %lt3A_1111 : i1 to i32
          %cond3A_1113 = arith.constant 0 : i32
          %cond3A_1114 = arith.cmpi ne, %convert_element_type3A_1112, %cond3A_1113 : i32
          scf.if %cond3A_1114 {
            %mul3A_1115 = arith.constant 32 : i32
            %mul3A_1116 = arith.muli %add3A_1109, %mul3A_1115 : i32
            %min3A = arith.constant 12464 : i32
            %min3A_1117 = arith.minsi %mul3A_1116, %min3A : i32
            %multiple_of3A = tpu.assume_multiple %min3A_1117, 8 : i32
            %dma_start3A_1118 = arith.constant 1 : i32
            %dma_start3A_1119 = arith.constant 0 : i32
            %dma_start3A_1120 = arith.constant 0 : i32
            %dma_start3A_1121 = tpu.memref_slice %arg4[%dma_start3A_1118, %dma_start3A_1119, %dma_start3A_1120] : memref<2x32x128xi32, #tpu.memory_space<vmem>> -> memref<1x32x128xi32, #tpu.memory_space<vmem>>
            %dma_start3A_1122 = tpu.memref_squeeze %dma_start3A_1121 : memref<1x32x128xi32, #tpu.memory_space<vmem>> -> memref<32x128xi32, #tpu.memory_space<vmem>>
            %dma_start3A_1123 = arith.constant 0 : i32
            %dma_start3A_1124 = tpu.memref_slice %arg2[%multiple_of3A, %dma_start3A_1123] : memref<12500x128xi32, #tpu.memory_space<hbm>> -> memref<32x128xi32, #tpu.memory_space<hbm>>
            %dma_start3A_1125 = arith.constant 0 : i32
            %dma_start3A_1126 = arith.constant 0 : i32
            %dma_start3A_1127 = tpu.memref_slice %arg4[%dma_start3A_1118, %dma_start3A_1125, %dma_start3A_1126] : memref<2x32x128xi32, #tpu.memory_space<vmem>> -> memref<1x32x128xi32, #tpu.memory_space<vmem>>
            %dma_start3A_1128 = tpu.memref_squeeze %dma_start3A_1127 : memref<1x32x128xi32, #tpu.memory_space<vmem>> -> memref<32x128xi32, #tpu.memory_space<vmem>>
            %dma_start3A_1129 = arith.constant 0 : i32
            %dma_start3A_1130 = tpu.memref_slice %arg2[%multiple_of3A, %dma_start3A_1129] : memref<12500x128xi32, #tpu.memory_space<hbm>> -> memref<32x128xi32, #tpu.memory_space<hbm>>
            tpu.enqueue_dma source(%dma_start3A_1130 : memref<32x128xi32, #tpu.memory_space<hbm>>) target(%dma_start3A_1128 : memref<32x128xi32, #tpu.memory_space<vmem>>) target_semaphore(%arg9 : memref<!tpu.dma_semaphore, #tpu.memory_space<semaphore_mem>>)
          } else {
          }
        } else {
        }
        %lt3A_402 = arith.constant 391 : i32
        %lt3A_403 = arith.cmpi slt, %add3A_90, %lt3A_402 : i32
        %not3A = arith.constant true
        %not3A_404 = arith.xori %lt3A_403, %not3A : i1
        %convert_element_type3A_405 = arith.extui %not3A_404 : i1 to i32
        %cond3A_406 = arith.constant 0 : i32
        %cond3A_407 = arith.constant 0 : i32
        %cond3A_408 = arith.constant 0 : i32
        %cond3A_409 = arith.constant 1 : i32
        %cond3A_410 = arith.constant 0 : i32
        %cond3A_411 = arith.constant 2 : i32
        %cond3A_412 = arith.constant 0 : i32
        %cond3A_413 = arith.constant 3 : i32
        %cond3A_414 = arith.constant 0 : i32
        %cond3A_415 = arith.constant 4 : i32
        %cond3A_416 = arith.constant 0 : i32
        %cond3A_417 = arith.constant 5 : i32
        %cond3A_418 = arith.constant 0 : i32
        %cond3A_419 = arith.constant 6 : i32
        %cond3A_420 = arith.constant 0 : i32
        %cond3A_421 = arith.constant 7 : i32
        %cond3A_422 = arith.constant 0 : i32
        %cond3A_423 = arith.constant 8 : i32
        %cond3A_424 = arith.constant 0 : i32
        %cond3A_425 = arith.constant 9 : i32
        %cond3A_426 = arith.constant 0 : i32
        %cond3A_427 = arith.constant 10 : i32
        %cond3A_428 = arith.constant 0 : i32
        %cond3A_429 = arith.constant 11 : i32
        %cond3A_430 = arith.constant 0 : i32
        %cond3A_431 = arith.constant 12 : i32
        %cond3A_432 = arith.constant 0 : i32
        %cond3A_433 = arith.constant 13 : i32
        %cond3A_434 = arith.constant 0 : i32
        %cond3A_435 = arith.constant 14 : i32
        %cond3A_436 = arith.constant 0 : i32
        %cond3A_437 = arith.constant 15 : i32
        %cond3A_438 = arith.constant 0 : i32
        %cond3A_439 = arith.constant 16 : i32
        %cond3A_440 = arith.constant 0 : i32
        %cond3A_441 = arith.constant 17 : i32
        %cond3A_442 = arith.constant 0 : i32
        %cond3A_443 = arith.constant 18 : i32
        %cond3A_444 = arith.constant 0 : i32
        %cond3A_445 = arith.constant 19 : i32
        %cond3A_446 = arith.constant 0 : i32
        %cond3A_447 = arith.constant 20 : i32
        %cond3A_448 = arith.constant 0 : i32
        %cond3A_449 = arith.constant 21 : i32
        %cond3A_450 = arith.constant 0 : i32
        %cond3A_451 = arith.constant 22 : i32
        %cond3A_452 = arith.constant 0 : i32
        %cond3A_453 = arith.constant 23 : i32
        %cond3A_454 = arith.constant 0 : i32
        %cond3A_455 = arith.constant 24 : i32
        %cond3A_456 = arith.constant 0 : i32
        %cond3A_457 = arith.constant 25 : i32
        %cond3A_458 = arith.constant 0 : i32
        %cond3A_459 = arith.constant 26 : i32
        %cond3A_460 = arith.constant 0 : i32
        %cond3A_461 = arith.constant 27 : i32
        %cond3A_462 = arith.constant 0 : i32
        %cond3A_463 = arith.constant 28 : i32
        %cond3A_464 = arith.constant 0 : i32
        %cond3A_465 = arith.constant 29 : i32
        %cond3A_466 = arith.constant 0 : i32
        %cond3A_467 = arith.constant 30 : i32
        %cond3A_468 = arith.constant 0 : i32
        %cond3A_469 = arith.constant 31 : i32
        %cond3A_470 = arith.constant 0 : i32
        %cond3A_471 = arith.cmpi ne, %convert_element_type3A_405, %cond3A_470 : i32
        scf.if %cond3A_471 {
          %dma_wait3A_472 = arith.constant 0 : i32
          %dma_wait3A_473 = tpu.memref_slice %arg4[%cond3A_406, %cond3A_407, %dma_wait3A_472] : memref<2x32x128xi32, #tpu.memory_space<vmem>> -> memref<1x1x128xi32, #tpu.memory_space<vmem>>
          %dma_wait3A_474 = tpu.memref_squeeze %dma_wait3A_473 : memref<1x1x128xi32, #tpu.memory_space<vmem>> -> memref<128xi32, #tpu.memory_space<vmem>>
          %dma_wait3A_475 = arith.constant 0 : i32
          %dma_wait3A_476 = tpu.memref_slice %arg7[%dma_wait3A_475] : memref<100352xf32, #tpu.memory_space<vmem_shared>> -> memref<100352xf32, #tpu.memory_space<vmem_shared>>
          tpu.wait_indirect_dma semaphore(%arg10 : memref<!tpu.dma_semaphore, #tpu.memory_space<semaphore_mem>>) src(%arg5 : memref<128xf32, #tpu.memory_space<vmem>>) dst(%dma_wait3A_476 : memref<100352xf32, #tpu.memory_space<vmem_shared>>)
          %dma_wait3A_477 = arith.constant 0 : i32
          %dma_wait3A_478 = tpu.memref_slice %arg4[%cond3A_408, %cond3A_409, %dma_wait3A_477] : memref<2x32x128xi32, #tpu.memory_space<vmem>> -> memref<1x1x128xi32, #tpu.memory_space<vmem>>
          %dma_wait3A_479 = tpu.memref_squeeze %dma_wait3A_478 : memref<1x1x128xi32, #tpu.memory_space<vmem>> -> memref<128xi32, #tpu.memory_space<vmem>>
          %dma_wait3A_480 = arith.constant 0 : i32
          %dma_wait3A_481 = tpu.memref_slice %arg7[%dma_wait3A_480] : memref<100352xf32, #tpu.memory_space<vmem_shared>> -> memref<100352xf32, #tpu.memory_space<vmem_shared>>
          tpu.wait_indirect_dma semaphore(%arg10 : memref<!tpu.dma_semaphore, #tpu.memory_space<semaphore_mem>>) src(%arg5 : memref<128xf32, #tpu.memory_space<vmem>>) dst(%dma_wait3A_481 : memref<100352xf32, #tpu.memory_space<vmem_shared>>)
          %dma_wait3A_482 = arith.constant 0 : i32
          %dma_wait3A_483 = tpu.memref_slice %arg4[%cond3A_410, %cond3A_411, %dma_wait3A_482] : memref<2x32x128xi32, #tpu.memory_space<vmem>> -> memref<1x1x128xi32, #tpu.memory_space<vmem>>
          %dma_wait3A_484 = tpu.memref_squeeze %dma_wait3A_483 : memref<1x1x128xi32, #tpu.memory_space<vmem>> -> memref<128xi32, #tpu.memory_space<vmem>>
          %dma_wait3A_485 = arith.constant 0 : i32
          %dma_wait3A_486 = tpu.memref_slice %arg7[%dma_wait3A_485] : memref<100352xf32, #tpu.memory_space<vmem_shared>> -> memref<100352xf32, #tpu.memory_space<vmem_shared>>
          tpu.wait_indirect_dma semaphore(%arg10 : memref<!tpu.dma_semaphore, #tpu.memory_space<semaphore_mem>>) src(%arg5 : memref<128xf32, #tpu.memory_space<vmem>>) dst(%dma_wait3A_486 : memref<100352xf32, #tpu.memory_space<vmem_shared>>)
          %dma_wait3A_487 = arith.constant 0 : i32
          %dma_wait3A_488 = tpu.memref_slice %arg4[%cond3A_412, %cond3A_413, %dma_wait3A_487] : memref<2x32x128xi32, #tpu.memory_space<vmem>> -> memref<1x1x128xi32, #tpu.memory_space<vmem>>
          %dma_wait3A_489 = tpu.memref_squeeze %dma_wait3A_488 : memref<1x1x128xi32, #tpu.memory_space<vmem>> -> memref<128xi32, #tpu.memory_space<vmem>>
          %dma_wait3A_490 = arith.constant 0 : i32
          %dma_wait3A_491 = tpu.memref_slice %arg7[%dma_wait3A_490] : memref<100352xf32, #tpu.memory_space<vmem_shared>> -> memref<100352xf32, #tpu.memory_space<vmem_shared>>
          tpu.wait_indirect_dma semaphore(%arg10 : memref<!tpu.dma_semaphore, #tpu.memory_space<semaphore_mem>>) src(%arg5 : memref<128xf32, #tpu.memory_space<vmem>>) dst(%dma_wait3A_491 : memref<100352xf32, #tpu.memory_space<vmem_shared>>)
          %dma_wait3A_492 = arith.constant 0 : i32
          %dma_wait3A_493 = tpu.memref_slice %arg4[%cond3A_414, %cond3A_415, %dma_wait3A_492] : memref<2x32x128xi32, #tpu.memory_space<vmem>> -> memref<1x1x128xi32, #tpu.memory_space<vmem>>
          %dma_wait3A_494 = tpu.memref_squeeze %dma_wait3A_493 : memref<1x1x128xi32, #tpu.memory_space<vmem>> -> memref<128xi32, #tpu.memory_space<vmem>>
          %dma_wait3A_495 = arith.constant 0 : i32
          %dma_wait3A_496 = tpu.memref_slice %arg7[%dma_wait3A_495] : memref<100352xf32, #tpu.memory_space<vmem_shared>> -> memref<100352xf32, #tpu.memory_space<vmem_shared>>
          tpu.wait_indirect_dma semaphore(%arg10 : memref<!tpu.dma_semaphore, #tpu.memory_space<semaphore_mem>>) src(%arg5 : memref<128xf32, #tpu.memory_space<vmem>>) dst(%dma_wait3A_496 : memref<100352xf32, #tpu.memory_space<vmem_shared>>)
          %dma_wait3A_497 = arith.constant 0 : i32
          %dma_wait3A_498 = tpu.memref_slice %arg4[%cond3A_416, %cond3A_417, %dma_wait3A_497] : memref<2x32x128xi32, #tpu.memory_space<vmem>> -> memref<1x1x128xi32, #tpu.memory_space<vmem>>
          %dma_wait3A_499 = tpu.memref_squeeze %dma_wait3A_498 : memref<1x1x128xi32, #tpu.memory_space<vmem>> -> memref<128xi32, #tpu.memory_space<vmem>>
          %dma_wait3A_500 = arith.constant 0 : i32
          %dma_wait3A_501 = tpu.memref_slice %arg7[%dma_wait3A_500] : memref<100352xf32, #tpu.memory_space<vmem_shared>> -> memref<100352xf32, #tpu.memory_space<vmem_shared>>
          tpu.wait_indirect_dma semaphore(%arg10 : memref<!tpu.dma_semaphore, #tpu.memory_space<semaphore_mem>>) src(%arg5 : memref<128xf32, #tpu.memory_space<vmem>>) dst(%dma_wait3A_501 : memref<100352xf32, #tpu.memory_space<vmem_shared>>)
          %dma_wait3A_502 = arith.constant 0 : i32
          %dma_wait3A_503 = tpu.memref_slice %arg4[%cond3A_418, %cond3A_419, %dma_wait3A_502] : memref<2x32x128xi32, #tpu.memory_space<vmem>> -> memref<1x1x128xi32, #tpu.memory_space<vmem>>
          %dma_wait3A_504 = tpu.memref_squeeze %dma_wait3A_503 : memref<1x1x128xi32, #tpu.memory_space<vmem>> -> memref<128xi32, #tpu.memory_space<vmem>>
          %dma_wait3A_505 = arith.constant 0 : i32
          %dma_wait3A_506 = tpu.memref_slice %arg7[%dma_wait3A_505] : memref<100352xf32, #tpu.memory_space<vmem_shared>> -> memref<100352xf32, #tpu.memory_space<vmem_shared>>
          tpu.wait_indirect_dma semaphore(%arg10 : memref<!tpu.dma_semaphore, #tpu.memory_space<semaphore_mem>>) src(%arg5 : memref<128xf32, #tpu.memory_space<vmem>>) dst(%dma_wait3A_506 : memref<100352xf32, #tpu.memory_space<vmem_shared>>)
          %dma_wait3A_507 = arith.constant 0 : i32
          %dma_wait3A_508 = tpu.memref_slice %arg4[%cond3A_420, %cond3A_421, %dma_wait3A_507] : memref<2x32x128xi32, #tpu.memory_space<vmem>> -> memref<1x1x128xi32, #tpu.memory_space<vmem>>
          %dma_wait3A_509 = tpu.memref_squeeze %dma_wait3A_508 : memref<1x1x128xi32, #tpu.memory_space<vmem>> -> memref<128xi32, #tpu.memory_space<vmem>>
          %dma_wait3A_510 = arith.constant 0 : i32
          %dma_wait3A_511 = tpu.memref_slice %arg7[%dma_wait3A_510] : memref<100352xf32, #tpu.memory_space<vmem_shared>> -> memref<100352xf32, #tpu.memory_space<vmem_shared>>
          tpu.wait_indirect_dma semaphore(%arg10 : memref<!tpu.dma_semaphore, #tpu.memory_space<semaphore_mem>>) src(%arg5 : memref<128xf32, #tpu.memory_space<vmem>>) dst(%dma_wait3A_511 : memref<100352xf32, #tpu.memory_space<vmem_shared>>)
          %dma_wait3A_512 = arith.constant 0 : i32
          %dma_wait3A_513 = tpu.memref_slice %arg4[%cond3A_422, %cond3A_423, %dma_wait3A_512] : memref<2x32x128xi32, #tpu.memory_space<vmem>> -> memref<1x1x128xi32, #tpu.memory_space<vmem>>
          %dma_wait3A_514 = tpu.memref_squeeze %dma_wait3A_513 : memref<1x1x128xi32, #tpu.memory_space<vmem>> -> memref<128xi32, #tpu.memory_space<vmem>>
          %dma_wait3A_515 = arith.constant 0 : i32
          %dma_wait3A_516 = tpu.memref_slice %arg7[%dma_wait3A_515] : memref<100352xf32, #tpu.memory_space<vmem_shared>> -> memref<100352xf32, #tpu.memory_space<vmem_shared>>
          tpu.wait_indirect_dma semaphore(%arg10 : memref<!tpu.dma_semaphore, #tpu.memory_space<semaphore_mem>>) src(%arg5 : memref<128xf32, #tpu.memory_space<vmem>>) dst(%dma_wait3A_516 : memref<100352xf32, #tpu.memory_space<vmem_shared>>)
          %dma_wait3A_517 = arith.constant 0 : i32
          %dma_wait3A_518 = tpu.memref_slice %arg4[%cond3A_424, %cond3A_425, %dma_wait3A_517] : memref<2x32x128xi32, #tpu.memory_space<vmem>> -> memref<1x1x128xi32, #tpu.memory_space<vmem>>
          %dma_wait3A_519 = tpu.memref_squeeze %dma_wait3A_518 : memref<1x1x128xi32, #tpu.memory_space<vmem>> -> memref<128xi32, #tpu.memory_space<vmem>>
          %dma_wait3A_520 = arith.constant 0 : i32
          %dma_wait3A_521 = tpu.memref_slice %arg7[%dma_wait3A_520] : memref<100352xf32, #tpu.memory_space<vmem_shared>> -> memref<100352xf32, #tpu.memory_space<vmem_shared>>
          tpu.wait_indirect_dma semaphore(%arg10 : memref<!tpu.dma_semaphore, #tpu.memory_space<semaphore_mem>>) src(%arg5 : memref<128xf32, #tpu.memory_space<vmem>>) dst(%dma_wait3A_521 : memref<100352xf32, #tpu.memory_space<vmem_shared>>)
          %dma_wait3A_522 = arith.constant 0 : i32
          %dma_wait3A_523 = tpu.memref_slice %arg4[%cond3A_426, %cond3A_427, %dma_wait3A_522] : memref<2x32x128xi32, #tpu.memory_space<vmem>> -> memref<1x1x128xi32, #tpu.memory_space<vmem>>
          %dma_wait3A_524 = tpu.memref_squeeze %dma_wait3A_523 : memref<1x1x128xi32, #tpu.memory_space<vmem>> -> memref<128xi32, #tpu.memory_space<vmem>>
          %dma_wait3A_525 = arith.constant 0 : i32
          %dma_wait3A_526 = tpu.memref_slice %arg7[%dma_wait3A_525] : memref<100352xf32, #tpu.memory_space<vmem_shared>> -> memref<100352xf32, #tpu.memory_space<vmem_shared>>
          tpu.wait_indirect_dma semaphore(%arg10 : memref<!tpu.dma_semaphore, #tpu.memory_space<semaphore_mem>>) src(%arg5 : memref<128xf32, #tpu.memory_space<vmem>>) dst(%dma_wait3A_526 : memref<100352xf32, #tpu.memory_space<vmem_shared>>)
          %dma_wait3A_527 = arith.constant 0 : i32
          %dma_wait3A_528 = tpu.memref_slice %arg4[%cond3A_428, %cond3A_429, %dma_wait3A_527] : memref<2x32x128xi32, #tpu.memory_space<vmem>> -> memref<1x1x128xi32, #tpu.memory_space<vmem>>
          %dma_wait3A_529 = tpu.memref_squeeze %dma_wait3A_528 : memref<1x1x128xi32, #tpu.memory_space<vmem>> -> memref<128xi32, #tpu.memory_space<vmem>>
          %dma_wait3A_530 = arith.constant 0 : i32
          %dma_wait3A_531 = tpu.memref_slice %arg7[%dma_wait3A_530] : memref<100352xf32, #tpu.memory_space<vmem_shared>> -> memref<100352xf32, #tpu.memory_space<vmem_shared>>
          tpu.wait_indirect_dma semaphore(%arg10 : memref<!tpu.dma_semaphore, #tpu.memory_space<semaphore_mem>>) src(%arg5 : memref<128xf32, #tpu.memory_space<vmem>>) dst(%dma_wait3A_531 : memref<100352xf32, #tpu.memory_space<vmem_shared>>)
          %dma_wait3A_532 = arith.constant 0 : i32
          %dma_wait3A_533 = tpu.memref_slice %arg4[%cond3A_430, %cond3A_431, %dma_wait3A_532] : memref<2x32x128xi32, #tpu.memory_space<vmem>> -> memref<1x1x128xi32, #tpu.memory_space<vmem>>
          %dma_wait3A_534 = tpu.memref_squeeze %dma_wait3A_533 : memref<1x1x128xi32, #tpu.memory_space<vmem>> -> memref<128xi32, #tpu.memory_space<vmem>>
          %dma_wait3A_535 = arith.constant 0 : i32
          %dma_wait3A_536 = tpu.memref_slice %arg7[%dma_wait3A_535] : memref<100352xf32, #tpu.memory_space<vmem_shared>> -> memref<100352xf32, #tpu.memory_space<vmem_shared>>
          tpu.wait_indirect_dma semaphore(%arg10 : memref<!tpu.dma_semaphore, #tpu.memory_space<semaphore_mem>>) src(%arg5 : memref<128xf32, #tpu.memory_space<vmem>>) dst(%dma_wait3A_536 : memref<100352xf32, #tpu.memory_space<vmem_shared>>)
          %dma_wait3A_537 = arith.constant 0 : i32
          %dma_wait3A_538 = tpu.memref_slice %arg4[%cond3A_432, %cond3A_433, %dma_wait3A_537] : memref<2x32x128xi32, #tpu.memory_space<vmem>> -> memref<1x1x128xi32, #tpu.memory_space<vmem>>
          %dma_wait3A_539 = tpu.memref_squeeze %dma_wait3A_538 : memref<1x1x128xi32, #tpu.memory_space<vmem>> -> memref<128xi32, #tpu.memory_space<vmem>>
          %dma_wait3A_540 = arith.constant 0 : i32
          %dma_wait3A_541 = tpu.memref_slice %arg7[%dma_wait3A_540] : memref<100352xf32, #tpu.memory_space<vmem_shared>> -> memref<100352xf32, #tpu.memory_space<vmem_shared>>
          tpu.wait_indirect_dma semaphore(%arg10 : memref<!tpu.dma_semaphore, #tpu.memory_space<semaphore_mem>>) src(%arg5 : memref<128xf32, #tpu.memory_space<vmem>>) dst(%dma_wait3A_541 : memref<100352xf32, #tpu.memory_space<vmem_shared>>)
          %dma_wait3A_542 = arith.constant 0 : i32
          %dma_wait3A_543 = tpu.memref_slice %arg4[%cond3A_434, %cond3A_435, %dma_wait3A_542] : memref<2x32x128xi32, #tpu.memory_space<vmem>> -> memref<1x1x128xi32, #tpu.memory_space<vmem>>
          %dma_wait3A_544 = tpu.memref_squeeze %dma_wait3A_543 : memref<1x1x128xi32, #tpu.memory_space<vmem>> -> memref<128xi32, #tpu.memory_space<vmem>>
          %dma_wait3A_545 = arith.constant 0 : i32
          %dma_wait3A_546 = tpu.memref_slice %arg7[%dma_wait3A_545] : memref<100352xf32, #tpu.memory_space<vmem_shared>> -> memref<100352xf32, #tpu.memory_space<vmem_shared>>
          tpu.wait_indirect_dma semaphore(%arg10 : memref<!tpu.dma_semaphore, #tpu.memory_space<semaphore_mem>>) src(%arg5 : memref<128xf32, #tpu.memory_space<vmem>>) dst(%dma_wait3A_546 : memref<100352xf32, #tpu.memory_space<vmem_shared>>)
          %dma_wait3A_547 = arith.constant 0 : i32
          %dma_wait3A_548 = tpu.memref_slice %arg4[%cond3A_436, %cond3A_437, %dma_wait3A_547] : memref<2x32x128xi32, #tpu.memory_space<vmem>> -> memref<1x1x128xi32, #tpu.memory_space<vmem>>
          %dma_wait3A_549 = tpu.memref_squeeze %dma_wait3A_548 : memref<1x1x128xi32, #tpu.memory_space<vmem>> -> memref<128xi32, #tpu.memory_space<vmem>>
          %dma_wait3A_550 = arith.constant 0 : i32
          %dma_wait3A_551 = tpu.memref_slice %arg7[%dma_wait3A_550] : memref<100352xf32, #tpu.memory_space<vmem_shared>> -> memref<100352xf32, #tpu.memory_space<vmem_shared>>
          tpu.wait_indirect_dma semaphore(%arg10 : memref<!tpu.dma_semaphore, #tpu.memory_space<semaphore_mem>>) src(%arg5 : memref<128xf32, #tpu.memory_space<vmem>>) dst(%dma_wait3A_551 : memref<100352xf32, #tpu.memory_space<vmem_shared>>)
          %dma_wait3A_552 = arith.constant 0 : i32
          %dma_wait3A_553 = tpu.memref_slice %arg4[%cond3A_438, %cond3A_439, %dma_wait3A_552] : memref<2x32x128xi32, #tpu.memory_space<vmem>> -> memref<1x1x128xi32, #tpu.memory_space<vmem>>
          %dma_wait3A_554 = tpu.memref_squeeze %dma_wait3A_553 : memref<1x1x128xi32, #tpu.memory_space<vmem>> -> memref<128xi32, #tpu.memory_space<vmem>>
          %dma_wait3A_555 = arith.constant 0 : i32
          %dma_wait3A_556 = tpu.memref_slice %arg7[%dma_wait3A_555] : memref<100352xf32, #tpu.memory_space<vmem_shared>> -> memref<100352xf32, #tpu.memory_space<vmem_shared>>
          tpu.wait_indirect_dma semaphore(%arg10 : memref<!tpu.dma_semaphore, #tpu.memory_space<semaphore_mem>>) src(%arg5 : memref<128xf32, #tpu.memory_space<vmem>>) dst(%dma_wait3A_556 : memref<100352xf32, #tpu.memory_space<vmem_shared>>)
          %dma_wait3A_557 = arith.constant 0 : i32
          %dma_wait3A_558 = tpu.memref_slice %arg4[%cond3A_440, %cond3A_441, %dma_wait3A_557] : memref<2x32x128xi32, #tpu.memory_space<vmem>> -> memref<1x1x128xi32, #tpu.memory_space<vmem>>
          %dma_wait3A_559 = tpu.memref_squeeze %dma_wait3A_558 : memref<1x1x128xi32, #tpu.memory_space<vmem>> -> memref<128xi32, #tpu.memory_space<vmem>>
          %dma_wait3A_560 = arith.constant 0 : i32
          %dma_wait3A_561 = tpu.memref_slice %arg7[%dma_wait3A_560] : memref<100352xf32, #tpu.memory_space<vmem_shared>> -> memref<100352xf32, #tpu.memory_space<vmem_shared>>
          tpu.wait_indirect_dma semaphore(%arg10 : memref<!tpu.dma_semaphore, #tpu.memory_space<semaphore_mem>>) src(%arg5 : memref<128xf32, #tpu.memory_space<vmem>>) dst(%dma_wait3A_561 : memref<100352xf32, #tpu.memory_space<vmem_shared>>)
          %dma_wait3A_562 = arith.constant 0 : i32
          %dma_wait3A_563 = tpu.memref_slice %arg4[%cond3A_442, %cond3A_443, %dma_wait3A_562] : memref<2x32x128xi32, #tpu.memory_space<vmem>> -> memref<1x1x128xi32, #tpu.memory_space<vmem>>
          %dma_wait3A_564 = tpu.memref_squeeze %dma_wait3A_563 : memref<1x1x128xi32, #tpu.memory_space<vmem>> -> memref<128xi32, #tpu.memory_space<vmem>>
          %dma_wait3A_565 = arith.constant 0 : i32
          %dma_wait3A_566 = tpu.memref_slice %arg7[%dma_wait3A_565] : memref<100352xf32, #tpu.memory_space<vmem_shared>> -> memref<100352xf32, #tpu.memory_space<vmem_shared>>
          tpu.wait_indirect_dma semaphore(%arg10 : memref<!tpu.dma_semaphore, #tpu.memory_space<semaphore_mem>>) src(%arg5 : memref<128xf32, #tpu.memory_space<vmem>>) dst(%dma_wait3A_566 : memref<100352xf32, #tpu.memory_space<vmem_shared>>)
          %dma_wait3A_567 = arith.constant 0 : i32
          %dma_wait3A_568 = tpu.memref_slice %arg4[%cond3A_444, %cond3A_445, %dma_wait3A_567] : memref<2x32x128xi32, #tpu.memory_space<vmem>> -> memref<1x1x128xi32, #tpu.memory_space<vmem>>
          %dma_wait3A_569 = tpu.memref_squeeze %dma_wait3A_568 : memref<1x1x128xi32, #tpu.memory_space<vmem>> -> memref<128xi32, #tpu.memory_space<vmem>>
          %dma_wait3A_570 = arith.constant 0 : i32
          %dma_wait3A_571 = tpu.memref_slice %arg7[%dma_wait3A_570] : memref<100352xf32, #tpu.memory_space<vmem_shared>> -> memref<100352xf32, #tpu.memory_space<vmem_shared>>
          tpu.wait_indirect_dma semaphore(%arg10 : memref<!tpu.dma_semaphore, #tpu.memory_space<semaphore_mem>>) src(%arg5 : memref<128xf32, #tpu.memory_space<vmem>>) dst(%dma_wait3A_571 : memref<100352xf32, #tpu.memory_space<vmem_shared>>)
          %dma_wait3A_572 = arith.constant 0 : i32
          %dma_wait3A_573 = tpu.memref_slice %arg4[%cond3A_446, %cond3A_447, %dma_wait3A_572] : memref<2x32x128xi32, #tpu.memory_space<vmem>> -> memref<1x1x128xi32, #tpu.memory_space<vmem>>
          %dma_wait3A_574 = tpu.memref_squeeze %dma_wait3A_573 : memref<1x1x128xi32, #tpu.memory_space<vmem>> -> memref<128xi32, #tpu.memory_space<vmem>>
          %dma_wait3A_575 = arith.constant 0 : i32
          %dma_wait3A_576 = tpu.memref_slice %arg7[%dma_wait3A_575] : memref<100352xf32, #tpu.memory_space<vmem_shared>> -> memref<100352xf32, #tpu.memory_space<vmem_shared>>
          tpu.wait_indirect_dma semaphore(%arg10 : memref<!tpu.dma_semaphore, #tpu.memory_space<semaphore_mem>>) src(%arg5 : memref<128xf32, #tpu.memory_space<vmem>>) dst(%dma_wait3A_576 : memref<100352xf32, #tpu.memory_space<vmem_shared>>)
          %dma_wait3A_577 = arith.constant 0 : i32
          %dma_wait3A_578 = tpu.memref_slice %arg4[%cond3A_448, %cond3A_449, %dma_wait3A_577] : memref<2x32x128xi32, #tpu.memory_space<vmem>> -> memref<1x1x128xi32, #tpu.memory_space<vmem>>
          %dma_wait3A_579 = tpu.memref_squeeze %dma_wait3A_578 : memref<1x1x128xi32, #tpu.memory_space<vmem>> -> memref<128xi32, #tpu.memory_space<vmem>>
          %dma_wait3A_580 = arith.constant 0 : i32
          %dma_wait3A_581 = tpu.memref_slice %arg7[%dma_wait3A_580] : memref<100352xf32, #tpu.memory_space<vmem_shared>> -> memref<100352xf32, #tpu.memory_space<vmem_shared>>
          tpu.wait_indirect_dma semaphore(%arg10 : memref<!tpu.dma_semaphore, #tpu.memory_space<semaphore_mem>>) src(%arg5 : memref<128xf32, #tpu.memory_space<vmem>>) dst(%dma_wait3A_581 : memref<100352xf32, #tpu.memory_space<vmem_shared>>)
          %dma_wait3A_582 = arith.constant 0 : i32
          %dma_wait3A_583 = tpu.memref_slice %arg4[%cond3A_450, %cond3A_451, %dma_wait3A_582] : memref<2x32x128xi32, #tpu.memory_space<vmem>> -> memref<1x1x128xi32, #tpu.memory_space<vmem>>
          %dma_wait3A_584 = tpu.memref_squeeze %dma_wait3A_583 : memref<1x1x128xi32, #tpu.memory_space<vmem>> -> memref<128xi32, #tpu.memory_space<vmem>>
          %dma_wait3A_585 = arith.constant 0 : i32
          %dma_wait3A_586 = tpu.memref_slice %arg7[%dma_wait3A_585] : memref<100352xf32, #tpu.memory_space<vmem_shared>> -> memref<100352xf32, #tpu.memory_space<vmem_shared>>
          tpu.wait_indirect_dma semaphore(%arg10 : memref<!tpu.dma_semaphore, #tpu.memory_space<semaphore_mem>>) src(%arg5 : memref<128xf32, #tpu.memory_space<vmem>>) dst(%dma_wait3A_586 : memref<100352xf32, #tpu.memory_space<vmem_shared>>)
          %dma_wait3A_587 = arith.constant 0 : i32
          %dma_wait3A_588 = tpu.memref_slice %arg4[%cond3A_452, %cond3A_453, %dma_wait3A_587] : memref<2x32x128xi32, #tpu.memory_space<vmem>> -> memref<1x1x128xi32, #tpu.memory_space<vmem>>
          %dma_wait3A_589 = tpu.memref_squeeze %dma_wait3A_588 : memref<1x1x128xi32, #tpu.memory_space<vmem>> -> memref<128xi32, #tpu.memory_space<vmem>>
          %dma_wait3A_590 = arith.constant 0 : i32
          %dma_wait3A_591 = tpu.memref_slice %arg7[%dma_wait3A_590] : memref<100352xf32, #tpu.memory_space<vmem_shared>> -> memref<100352xf32, #tpu.memory_space<vmem_shared>>
          tpu.wait_indirect_dma semaphore(%arg10 : memref<!tpu.dma_semaphore, #tpu.memory_space<semaphore_mem>>) src(%arg5 : memref<128xf32, #tpu.memory_space<vmem>>) dst(%dma_wait3A_591 : memref<100352xf32, #tpu.memory_space<vmem_shared>>)
          %dma_wait3A_592 = arith.constant 0 : i32
          %dma_wait3A_593 = tpu.memref_slice %arg4[%cond3A_454, %cond3A_455, %dma_wait3A_592] : memref<2x32x128xi32, #tpu.memory_space<vmem>> -> memref<1x1x128xi32, #tpu.memory_space<vmem>>
          %dma_wait3A_594 = tpu.memref_squeeze %dma_wait3A_593 : memref<1x1x128xi32, #tpu.memory_space<vmem>> -> memref<128xi32, #tpu.memory_space<vmem>>
          %dma_wait3A_595 = arith.constant 0 : i32
          %dma_wait3A_596 = tpu.memref_slice %arg7[%dma_wait3A_595] : memref<100352xf32, #tpu.memory_space<vmem_shared>> -> memref<100352xf32, #tpu.memory_space<vmem_shared>>
          tpu.wait_indirect_dma semaphore(%arg10 : memref<!tpu.dma_semaphore, #tpu.memory_space<semaphore_mem>>) src(%arg5 : memref<128xf32, #tpu.memory_space<vmem>>) dst(%dma_wait3A_596 : memref<100352xf32, #tpu.memory_space<vmem_shared>>)
          %dma_wait3A_597 = arith.constant 0 : i32
          %dma_wait3A_598 = tpu.memref_slice %arg4[%cond3A_456, %cond3A_457, %dma_wait3A_597] : memref<2x32x128xi32, #tpu.memory_space<vmem>> -> memref<1x1x128xi32, #tpu.memory_space<vmem>>
          %dma_wait3A_599 = tpu.memref_squeeze %dma_wait3A_598 : memref<1x1x128xi32, #tpu.memory_space<vmem>> -> memref<128xi32, #tpu.memory_space<vmem>>
          %dma_wait3A_600 = arith.constant 0 : i32
          %dma_wait3A_601 = tpu.memref_slice %arg7[%dma_wait3A_600] : memref<100352xf32, #tpu.memory_space<vmem_shared>> -> memref<100352xf32, #tpu.memory_space<vmem_shared>>
          tpu.wait_indirect_dma semaphore(%arg10 : memref<!tpu.dma_semaphore, #tpu.memory_space<semaphore_mem>>) src(%arg5 : memref<128xf32, #tpu.memory_space<vmem>>) dst(%dma_wait3A_601 : memref<100352xf32, #tpu.memory_space<vmem_shared>>)
          %dma_wait3A_602 = arith.constant 0 : i32
          %dma_wait3A_603 = tpu.memref_slice %arg4[%cond3A_458, %cond3A_459, %dma_wait3A_602] : memref<2x32x128xi32, #tpu.memory_space<vmem>> -> memref<1x1x128xi32, #tpu.memory_space<vmem>>
          %dma_wait3A_604 = tpu.memref_squeeze %dma_wait3A_603 : memref<1x1x128xi32, #tpu.memory_space<vmem>> -> memref<128xi32, #tpu.memory_space<vmem>>
          %dma_wait3A_605 = arith.constant 0 : i32
          %dma_wait3A_606 = tpu.memref_slice %arg7[%dma_wait3A_605] : memref<100352xf32, #tpu.memory_space<vmem_shared>> -> memref<100352xf32, #tpu.memory_space<vmem_shared>>
          tpu.wait_indirect_dma semaphore(%arg10 : memref<!tpu.dma_semaphore, #tpu.memory_space<semaphore_mem>>) src(%arg5 : memref<128xf32, #tpu.memory_space<vmem>>) dst(%dma_wait3A_606 : memref<100352xf32, #tpu.memory_space<vmem_shared>>)
          %dma_wait3A_607 = arith.constant 0 : i32
          %dma_wait3A_608 = tpu.memref_slice %arg4[%cond3A_460, %cond3A_461, %dma_wait3A_607] : memref<2x32x128xi32, #tpu.memory_space<vmem>> -> memref<1x1x128xi32, #tpu.memory_space<vmem>>
          %dma_wait3A_609 = tpu.memref_squeeze %dma_wait3A_608 : memref<1x1x128xi32, #tpu.memory_space<vmem>> -> memref<128xi32, #tpu.memory_space<vmem>>
          %dma_wait3A_610 = arith.constant 0 : i32
          %dma_wait3A_611 = tpu.memref_slice %arg7[%dma_wait3A_610] : memref<100352xf32, #tpu.memory_space<vmem_shared>> -> memref<100352xf32, #tpu.memory_space<vmem_shared>>
          tpu.wait_indirect_dma semaphore(%arg10 : memref<!tpu.dma_semaphore, #tpu.memory_space<semaphore_mem>>) src(%arg5 : memref<128xf32, #tpu.memory_space<vmem>>) dst(%dma_wait3A_611 : memref<100352xf32, #tpu.memory_space<vmem_shared>>)
          %dma_wait3A_612 = arith.constant 0 : i32
          %dma_wait3A_613 = tpu.memref_slice %arg4[%cond3A_462, %cond3A_463, %dma_wait3A_612] : memref<2x32x128xi32, #tpu.memory_space<vmem>> -> memref<1x1x128xi32, #tpu.memory_space<vmem>>
          %dma_wait3A_614 = tpu.memref_squeeze %dma_wait3A_613 : memref<1x1x128xi32, #tpu.memory_space<vmem>> -> memref<128xi32, #tpu.memory_space<vmem>>
          %dma_wait3A_615 = arith.constant 0 : i32
          %dma_wait3A_616 = tpu.memref_slice %arg7[%dma_wait3A_615] : memref<100352xf32, #tpu.memory_space<vmem_shared>> -> memref<100352xf32, #tpu.memory_space<vmem_shared>>
          tpu.wait_indirect_dma semaphore(%arg10 : memref<!tpu.dma_semaphore, #tpu.memory_space<semaphore_mem>>) src(%arg5 : memref<128xf32, #tpu.memory_space<vmem>>) dst(%dma_wait3A_616 : memref<100352xf32, #tpu.memory_space<vmem_shared>>)
          %dma_wait3A_617 = arith.constant 0 : i32
          %dma_wait3A_618 = tpu.memref_slice %arg4[%cond3A_464, %cond3A_465, %dma_wait3A_617] : memref<2x32x128xi32, #tpu.memory_space<vmem>> -> memref<1x1x128xi32, #tpu.memory_space<vmem>>
          %dma_wait3A_619 = tpu.memref_squeeze %dma_wait3A_618 : memref<1x1x128xi32, #tpu.memory_space<vmem>> -> memref<128xi32, #tpu.memory_space<vmem>>
          %dma_wait3A_620 = arith.constant 0 : i32
          %dma_wait3A_621 = tpu.memref_slice %arg7[%dma_wait3A_620] : memref<100352xf32, #tpu.memory_space<vmem_shared>> -> memref<100352xf32, #tpu.memory_space<vmem_shared>>
          tpu.wait_indirect_dma semaphore(%arg10 : memref<!tpu.dma_semaphore, #tpu.memory_space<semaphore_mem>>) src(%arg5 : memref<128xf32, #tpu.memory_space<vmem>>) dst(%dma_wait3A_621 : memref<100352xf32, #tpu.memory_space<vmem_shared>>)
          %dma_wait3A_622 = arith.constant 0 : i32
          %dma_wait3A_623 = tpu.memref_slice %arg4[%cond3A_466, %cond3A_467, %dma_wait3A_622] : memref<2x32x128xi32, #tpu.memory_space<vmem>> -> memref<1x1x128xi32, #tpu.memory_space<vmem>>
          %dma_wait3A_624 = tpu.memref_squeeze %dma_wait3A_623 : memref<1x1x128xi32, #tpu.memory_space<vmem>> -> memref<128xi32, #tpu.memory_space<vmem>>
          %dma_wait3A_625 = arith.constant 0 : i32
          %dma_wait3A_626 = tpu.memref_slice %arg7[%dma_wait3A_625] : memref<100352xf32, #tpu.memory_space<vmem_shared>> -> memref<100352xf32, #tpu.memory_space<vmem_shared>>
          tpu.wait_indirect_dma semaphore(%arg10 : memref<!tpu.dma_semaphore, #tpu.memory_space<semaphore_mem>>) src(%arg5 : memref<128xf32, #tpu.memory_space<vmem>>) dst(%dma_wait3A_626 : memref<100352xf32, #tpu.memory_space<vmem_shared>>)
          %dma_wait3A_627 = arith.constant 0 : i32
          %dma_wait3A_628 = tpu.memref_slice %arg4[%cond3A_468, %cond3A_469, %dma_wait3A_627] : memref<2x32x128xi32, #tpu.memory_space<vmem>> -> memref<1x1x128xi32, #tpu.memory_space<vmem>>
          %dma_wait3A_629 = tpu.memref_squeeze %dma_wait3A_628 : memref<1x1x128xi32, #tpu.memory_space<vmem>> -> memref<128xi32, #tpu.memory_space<vmem>>
          %dma_wait3A_630 = arith.constant 0 : i32
          %dma_wait3A_631 = tpu.memref_slice %arg7[%dma_wait3A_630] : memref<100352xf32, #tpu.memory_space<vmem_shared>> -> memref<100352xf32, #tpu.memory_space<vmem_shared>>
          tpu.wait_indirect_dma semaphore(%arg10 : memref<!tpu.dma_semaphore, #tpu.memory_space<semaphore_mem>>) src(%arg5 : memref<128xf32, #tpu.memory_space<vmem>>) dst(%dma_wait3A_631 : memref<100352xf32, #tpu.memory_space<vmem_shared>>)
        } else {
        }
      } else {
      }
    }
    %scan3A_74 = arith.constant 7 : i32
    %barrier3A_75 = arith.constant 0 : index
    tpu.barrier barrier_id(%barrier3A_75)
    %mul3A_76 = arith.constant 6272 : i32
    %mul3A_77 = arith.muli %arg1, %mul3A_76 : i32
    %mul3A_78 = arith.constant 6272 : i32
    %mul3A_79 = arith.muli %arg1, %mul3A_78 : i32
    "tpu.region"() ({
      %run_scoped3A = tpu.sem_alloc : memref<!tpu.dma_semaphore, #tpu.memory_space<semaphore_mem>>
      %dma_start3A = tpu.memref_slice %arg3[%arg0, %mul3A_79] : memref<2x100352xf32, #tpu.memory_space<hbm>> -> memref<1x6272xf32, #tpu.memory_space<hbm>>
      %dma_start3A_80 = tpu.memref_squeeze %dma_start3A : memref<1x6272xf32, #tpu.memory_space<hbm>> -> memref<6272xf32, #tpu.memory_space<hbm>>
      %dma_start3A_81 = tpu.memref_slice %arg7[%mul3A_77] : memref<100352xf32, #tpu.memory_space<vmem_shared>> -> memref<6272xf32, #tpu.memory_space<vmem_shared>>
      tpu.enqueue_dma source(%dma_start3A_81 : memref<6272xf32, #tpu.memory_space<vmem_shared>>) target(%dma_start3A_80 : memref<6272xf32, #tpu.memory_space<hbm>>) target_semaphore(%run_scoped3A : memref<!tpu.dma_semaphore, #tpu.memory_space<semaphore_mem>>)
      %dma_wait3A = tpu.memref_slice %arg3[%arg0, %mul3A_79] : memref<2x100352xf32, #tpu.memory_space<hbm>> -> memref<1x6272xf32, #tpu.memory_space<hbm>>
      %dma_wait3A_82 = tpu.memref_squeeze %dma_wait3A : memref<1x6272xf32, #tpu.memory_space<hbm>> -> memref<6272xf32, #tpu.memory_space<hbm>>
      %dma_wait3A_83 = tpu.memref_slice %arg7[%mul3A_77] : memref<100352xf32, #tpu.memory_space<vmem_shared>> -> memref<6272xf32, #tpu.memory_space<vmem_shared>>
      tpu.wait_dma2 semaphore(%run_scoped3A : memref<!tpu.dma_semaphore, #tpu.memory_space<semaphore_mem>>) src(%dma_wait3A_83 : memref<6272xf32, #tpu.memory_space<vmem_shared>>) dst(%dma_wait3A_82 : memref<6272xf32, #tpu.memory_space<hbm>>)
      tpu.yield
    }) : () -> ()
    return
  }
}

module attributes {stable_mosaic.version = 14 : i64} {
  func.func @_gdb_mask_body(%arg0: i32, %arg1: memref<2048x32xf32, #tpu.memory_space<vmem>>, %arg2: memref<2048x24xf32, #tpu.memory_space<vmem>>, %arg3: memref<2048xf32, #tpu.memory_space<vmem>>, %arg4: memref<2048xf32, #tpu.memory_space<vmem>>, %arg5: memref<24x24xf32, #tpu.memory_space<vmem>>, %arg6: memref<24x24xf32, #tpu.memory_space<vmem>>, %arg7: memref<24x8xf32, #tpu.memory_space<vmem>>, %arg8: memref<8x24xf32, #tpu.memory_space<vmem>>, %arg9: memref<32x8xf32, #tpu.memory_space<vmem>>, %arg10: memref<8x16xf32, #tpu.memory_space<vmem>>, %arg11: memref<8x16xf32, #tpu.memory_space<vmem>>, %arg12: memref<16x8xf32, #tpu.memory_space<vmem>>, %arg13: memref<1x8xf32, #tpu.memory_space<vmem>>, %arg14: memref<2048x16xf32, #tpu.memory_space<vmem>>, %arg15: memref<2048x24xf32, #tpu.memory_space<vmem>>) attributes {dimension_semantics = [#tpu.dimension_semantics<arbitrary>], iteration_bounds = array<i64: 49>, scalar_prefetch = 0 : i64, scratch_operands = 0 : i64, tpu.core_type = #tpu.core_type<tc>, window_params = [{transform_indices = @transform_0, window_bounds = array<i64: 2048, 32>}, {transform_indices = @transform_1, window_bounds = array<i64: 2048, 24>}, {transform_indices = @transform_2, window_bounds = array<i64: 2048>}, {transform_indices = @transform_3, window_bounds = array<i64: 2048>}, {pipeline_mode = #tpu.pipeline_mode<synchronous>, transform_indices = @transform_4, window_bounds = array<i64: 24, 24>}, {pipeline_mode = #tpu.pipeline_mode<synchronous>, transform_indices = @transform_5, window_bounds = array<i64: 24, 24>}, {pipeline_mode = #tpu.pipeline_mode<synchronous>, transform_indices = @transform_6, window_bounds = array<i64: 24, 8>}, {pipeline_mode = #tpu.pipeline_mode<synchronous>, transform_indices = @transform_7, window_bounds = array<i64: 8, 24>}, {pipeline_mode = #tpu.pipeline_mode<synchronous>, transform_indices = @transform_8, window_bounds = array<i64: 32, 8>}, {pipeline_mode = #tpu.pipeline_mode<synchronous>, transform_indices = @transform_9, window_bounds = array<i64: 8, 16>}, {pipeline_mode = #tpu.pipeline_mode<synchronous>, transform_indices = @transform_10, window_bounds = array<i64: 8, 16>}, {pipeline_mode = #tpu.pipeline_mode<synchronous>, transform_indices = @transform_11, window_bounds = array<i64: 16, 8>}, {pipeline_mode = #tpu.pipeline_mode<synchronous>, transform_indices = @transform_12, window_bounds = array<i64: 1, 8>}, {transform_indices = @transform_13, window_bounds = array<i64: 2048, 16>}, {transform_indices = @transform_14, window_bounds = array<i64: 2048, 24>}]} {
    %get3A = arith.constant 0 : index
    %get3A_0 = arith.constant 0 : index
    %get3A_1 = vector.load %arg1[%get3A, %get3A_0] : memref<2048x32xf32, #tpu.memory_space<vmem>>, vector<2048x32xf32>
    %get3A_2 = arith.constant 0 : index
    %get3A_3 = arith.constant 0 : index
    %get3A_4 = vector.load %arg2[%get3A_2, %get3A_3] : memref<2048x24xf32, #tpu.memory_space<vmem>>, vector<2048x24xf32>
    %get3A_5 = arith.constant 0 : index
    %get3A_6 = arith.constant 0 : index
    %get3A_7 = vector.load %arg5[%get3A_5, %get3A_6] : memref<24x24xf32, #tpu.memory_space<vmem>>, vector<24x24xf32>
    %dot_general3A = arith.constant dense<0.000000e+00> : vector<2048x24xf32>
    %dot_general3A_8 = tpu.matmul %get3A_4, %get3A_7, %dot_general3A {dimension_numbers = #tpu.dot_dimension_numbers<[1], [0], [0], [1], [0, 0, 1, 1], [], []>, transpose_lhs_hint = false} : vector<2048x24xf32>, vector<24x24xf32>, vector<2048x24xf32> -> vector<2048x24xf32>
    %mul3A = arith.mulf %dot_general3A_8, %dot_general3A_8 : vector<2048x24xf32>
    %get3A_9 = arith.constant 0 : index
    %get3A_10 = arith.constant 0 : index
    %get3A_11 = vector.load %arg7[%get3A_9, %get3A_10] : memref<24x8xf32, #tpu.memory_space<vmem>>, vector<24x8xf32>
    %dot_general3A_12 = arith.constant dense<0.000000e+00> : vector<2048x8xf32>
    %dot_general3A_13 = tpu.matmul %mul3A, %get3A_11, %dot_general3A_12 {dimension_numbers = #tpu.dot_dimension_numbers<[1], [0], [0], [1], [0, 0, 1, 1], [], []>, transpose_lhs_hint = false} : vector<2048x24xf32>, vector<24x8xf32>, vector<2048x8xf32> -> vector<2048x8xf32>
    %sqrt3A = math.sqrt %dot_general3A_13 : vector<2048x8xf32>
    %get3A_14 = arith.constant 0 : index
    %get3A_15 = arith.constant 0 : index
    %get3A_16 = vector.load %arg9[%get3A_14, %get3A_15] : memref<32x8xf32, #tpu.memory_space<vmem>>, vector<32x8xf32>
    %dot_general3A_17 = arith.constant dense<0.000000e+00> : vector<2048x8xf32>
    %dot_general3A_18 = tpu.matmul %get3A_1, %get3A_16, %dot_general3A_17 {dimension_numbers = #tpu.dot_dimension_numbers<[1], [0], [0], [1], [0, 0, 1, 1], [], []>, transpose_lhs_hint = false} : vector<2048x32xf32>, vector<32x8xf32>, vector<2048x8xf32> -> vector<2048x8xf32>
    %get3A_19 = arith.constant 0 : index
    %get3A_20 = arith.constant 0 : index
    %get3A_21 = vector.load %arg10[%get3A_19, %get3A_20] : memref<8x16xf32, #tpu.memory_space<vmem>>, vector<8x16xf32>
    %dot_general3A_22 = arith.constant dense<0.000000e+00> : vector<2048x16xf32>
    %dot_general3A_23 = tpu.matmul %sqrt3A, %get3A_21, %dot_general3A_22 {dimension_numbers = #tpu.dot_dimension_numbers<[1], [0], [0], [1], [0, 0, 1, 1], [], []>, transpose_lhs_hint = false} : vector<2048x8xf32>, vector<8x16xf32>, vector<2048x16xf32> -> vector<2048x16xf32>
    %get3A_24 = arith.constant 0 : index
    %get3A_25 = arith.constant 0 : index
    %get3A_26 = vector.load %arg11[%get3A_24, %get3A_25] : memref<8x16xf32, #tpu.memory_space<vmem>>, vector<8x16xf32>
    %dot_general3A_27 = arith.constant dense<0.000000e+00> : vector<2048x16xf32>
    %dot_general3A_28 = tpu.matmul %dot_general3A_18, %get3A_26, %dot_general3A_27 {dimension_numbers = #tpu.dot_dimension_numbers<[1], [0], [0], [1], [0, 0, 1, 1], [], []>, transpose_lhs_hint = false} : vector<2048x8xf32>, vector<8x16xf32>, vector<2048x16xf32> -> vector<2048x16xf32>
    %add3A = arith.addf %dot_general3A_23, %dot_general3A_28 : vector<2048x16xf32>
    %get3A_29 = arith.constant 0 : index
    %get3A_30 = arith.constant 0 : index
    %get3A_31 = vector.load %arg12[%get3A_29, %get3A_30] : memref<16x8xf32, #tpu.memory_space<vmem>>, vector<16x8xf32>
    %dot_general3A_32 = arith.constant dense<0.000000e+00> : vector<2048x8xf32>
    %dot_general3A_33 = tpu.matmul %add3A, %get3A_31, %dot_general3A_32 {dimension_numbers = #tpu.dot_dimension_numbers<[1], [0], [0], [1], [0, 0, 1, 1], [], []>, transpose_lhs_hint = false} : vector<2048x16xf32>, vector<16x8xf32>, vector<2048x8xf32> -> vector<2048x8xf32>
    %get3A_34 = arith.constant 0 : index
    %get3A_35 = arith.constant 0 : index
    %get3A_36 = vector.load %arg13[%get3A_34, %get3A_35] : memref<1x8xf32, #tpu.memory_space<vmem>>, vector<1x8xf32>
    %add3A_37 = vector.broadcast %get3A_36 : vector<1x8xf32> to vector<2048x8xf32>
    %add3A_38 = arith.addf %dot_general3A_33, %add3A_37 : vector<2048x8xf32>
    %neg3A = arith.constant 0.000000e+00 : f32
    %neg3A_39 = vector.broadcast %neg3A : f32 to vector<2048x8xf32>
    %neg3A_40 = arith.subf %neg3A_39, %add3A_38 : vector<2048x8xf32>
    %exp3A = math.exp %neg3A_40 : vector<2048x8xf32>
    %add3A_41 = arith.constant 1.000000e+00 : f32
    %add3A_42 = vector.broadcast %add3A_41 : f32 to vector<2048x8xf32>
    %add3A_43 = arith.addf %add3A_42, %exp3A : vector<2048x8xf32>
    %div3A = arith.constant 1.000000e+00 : f32
    %div3A_44 = vector.broadcast %div3A : f32 to vector<2048x8xf32>
    %div3A_45 = arith.divf %div3A_44, %add3A_43 : vector<2048x8xf32>
    %get3A_46 = arith.constant 0 : index
    %get3A_47 = arith.constant 0 : index
    %get3A_48 = vector.load %arg6[%get3A_46, %get3A_47] : memref<24x24xf32, #tpu.memory_space<vmem>>, vector<24x24xf32>
    %dot_general3A_49 = arith.constant dense<0.000000e+00> : vector<2048x24xf32>
    %dot_general3A_50 = tpu.matmul %dot_general3A_8, %get3A_48, %dot_general3A_49 {dimension_numbers = #tpu.dot_dimension_numbers<[1], [0], [0], [1], [0, 0, 1, 1], [], []>, transpose_lhs_hint = false} : vector<2048x24xf32>, vector<24x24xf32>, vector<2048x24xf32> -> vector<2048x24xf32>
    %get3A_51 = arith.constant 0 : index
    %get3A_52 = arith.constant 0 : index
    %get3A_53 = vector.load %arg8[%get3A_51, %get3A_52] : memref<8x24xf32, #tpu.memory_space<vmem>>, vector<8x24xf32>
    %dot_general3A_54 = arith.constant dense<0.000000e+00> : vector<2048x24xf32>
    %dot_general3A_55 = tpu.matmul %div3A_45, %get3A_53, %dot_general3A_54 {dimension_numbers = #tpu.dot_dimension_numbers<[1], [0], [0], [1], [0, 0, 1, 1], [], []>, transpose_lhs_hint = false} : vector<2048x8xf32>, vector<8x24xf32>, vector<2048x24xf32> -> vector<2048x24xf32>
    %mul3A_56 = arith.mulf %dot_general3A_50, %dot_general3A_55 : vector<2048x24xf32>
    %get3A_57 = arith.constant 0 : index
    %get3A_58 = vector.load %arg3[%get3A_57] : memref<2048xf32, #tpu.memory_space<vmem>>, vector<2048xf32>
    %get3A_59 = arith.constant 0 : index
    %get3A_60 = vector.load %arg4[%get3A_59] : memref<2048xf32, #tpu.memory_space<vmem>>, vector<2048xf32>
    %add3A_61 = arith.addf %get3A_58, %get3A_60 : vector<2048xf32>
    %reshape3A = vector.shape_cast %add3A_61 : vector<2048xf32> to vector<2048x1xf32>
    %gt3A = arith.constant 0.000000e+00 : f32
    %gt3A_62 = vector.broadcast %gt3A : f32 to vector<2048x1xf32>
    %gt3A_63 = arith.cmpf ogt, %reshape3A, %gt3A_62 : vector<2048x1xf32>
    %jit3A = arith.constant 0.000000e+00 : f32
    %broadcast_in_dim3A = vector.shape_cast %gt3A_63 : vector<2048x1xi1> to vector<2048x1xi1>
    %broadcast_in_dim3A_64 = vector.broadcast %broadcast_in_dim3A : vector<2048x1xi1> to vector<2048x16xi1>
    %broadcast_in_dim3A_65 = vector.broadcast %jit3A : f32 to vector<2048x16xf32>
    %select_n3A = arith.select %broadcast_in_dim3A_64, %add3A, %broadcast_in_dim3A_65 : vector<2048x16xi1>, vector<2048x16xf32>
    %swap3A = arith.constant 0 : index
    %swap3A_66 = arith.constant 0 : index
    %swap3A_67 = vector.load %arg14[%swap3A, %swap3A_66] : memref<2048x16xf32, #tpu.memory_space<vmem>>, vector<2048x16xf32>
    tpu.vector_store %arg14[%swap3A, %swap3A_66], %select_n3A {strides = array<i32>} : memref<2048x16xf32, #tpu.memory_space<vmem>>, vector<2048x16xf32>,
    %jit3A_68 = arith.constant 0.000000e+00 : f32
    %broadcast_in_dim3A_69 = vector.shape_cast %gt3A_63 : vector<2048x1xi1> to vector<2048x1xi1>
    %broadcast_in_dim3A_70 = vector.broadcast %broadcast_in_dim3A_69 : vector<2048x1xi1> to vector<2048x24xi1>
    %broadcast_in_dim3A_71 = vector.broadcast %jit3A_68 : f32 to vector<2048x24xf32>
    %select_n3A_72 = arith.select %broadcast_in_dim3A_70, %mul3A_56, %broadcast_in_dim3A_71 : vector<2048x24xi1>, vector<2048x24xf32>
    %swap3A_73 = arith.constant 0 : index
    %swap3A_74 = arith.constant 0 : index
    %swap3A_75 = vector.load %arg15[%swap3A_73, %swap3A_74] : memref<2048x24xf32, #tpu.memory_space<vmem>>, vector<2048x24xf32>
    tpu.vector_store %arg15[%swap3A_73, %swap3A_74], %select_n3A_72 {strides = array<i32>} : memref<2048x24xf32, #tpu.memory_space<vmem>>, vector<2048x24xf32>,
    return
  }
  func.func @transform_0(%arg0: i32) -> (i32, i32) {
    %c0_i32 = arith.constant 0 : i32
    %c0_i32_0 = arith.constant 0 : i32
    return %arg0, %c0_i32 : i32, i32
  }
  func.func @transform_1(%arg0: i32) -> (i32, i32) {
    %c0_i32 = arith.constant 0 : i32
    %c0_i32_0 = arith.constant 0 : i32
    return %arg0, %c0_i32 : i32, i32
  }
  func.func @transform_2(%arg0: i32) -> i32 {
    %c0_i32 = arith.constant 0 : i32
    return %arg0 : i32
  }
  func.func @transform_3(%arg0: i32) -> i32 {
    %c0_i32 = arith.constant 0 : i32
    return %arg0 : i32
  }
  func.func @transform_4(%arg0: i32) -> (i32, i32) {
    %c0_i32 = arith.constant 0 : i32
    %c0_i32_0 = arith.constant 0 : i32
    %c0_i32_1 = arith.constant 0 : i32
    return %c0_i32, %c0_i32_0 : i32, i32
  }
  func.func @transform_5(%arg0: i32) -> (i32, i32) {
    %c0_i32 = arith.constant 0 : i32
    %c0_i32_0 = arith.constant 0 : i32
    %c0_i32_1 = arith.constant 0 : i32
    return %c0_i32, %c0_i32_0 : i32, i32
  }
  func.func @transform_6(%arg0: i32) -> (i32, i32) {
    %c0_i32 = arith.constant 0 : i32
    %c0_i32_0 = arith.constant 0 : i32
    %c0_i32_1 = arith.constant 0 : i32
    return %c0_i32, %c0_i32_0 : i32, i32
  }
  func.func @transform_7(%arg0: i32) -> (i32, i32) {
    %c0_i32 = arith.constant 0 : i32
    %c0_i32_0 = arith.constant 0 : i32
    %c0_i32_1 = arith.constant 0 : i32
    return %c0_i32, %c0_i32_0 : i32, i32
  }
  func.func @transform_8(%arg0: i32) -> (i32, i32) {
    %c0_i32 = arith.constant 0 : i32
    %c0_i32_0 = arith.constant 0 : i32
    %c0_i32_1 = arith.constant 0 : i32
    return %c0_i32, %c0_i32_0 : i32, i32
  }
  func.func @transform_9(%arg0: i32) -> (i32, i32) {
    %c0_i32 = arith.constant 0 : i32
    %c0_i32_0 = arith.constant 0 : i32
    %c0_i32_1 = arith.constant 0 : i32
    return %c0_i32, %c0_i32_0 : i32, i32
  }
  func.func @transform_10(%arg0: i32) -> (i32, i32) {
    %c0_i32 = arith.constant 0 : i32
    %c0_i32_0 = arith.constant 0 : i32
    %c0_i32_1 = arith.constant 0 : i32
    return %c0_i32, %c0_i32_0 : i32, i32
  }
  func.func @transform_11(%arg0: i32) -> (i32, i32) {
    %c0_i32 = arith.constant 0 : i32
    %c0_i32_0 = arith.constant 0 : i32
    %c0_i32_1 = arith.constant 0 : i32
    return %c0_i32, %c0_i32_0 : i32, i32
  }
  func.func @transform_12(%arg0: i32) -> (i32, i32) {
    %c0_i32 = arith.constant 0 : i32
    %c0_i32_0 = arith.constant 0 : i32
    %c0_i32_1 = arith.constant 0 : i32
    return %c0_i32, %c0_i32_0 : i32, i32
  }
  func.func @transform_13(%arg0: i32) -> (i32, i32) {
    %c0_i32 = arith.constant 0 : i32
    %c0_i32_0 = arith.constant 0 : i32
    return %arg0, %c0_i32 : i32, i32
  }
  func.func @transform_14(%arg0: i32) -> (i32, i32) {
    %c0_i32 = arith.constant 0 : i32
    %c0_i32_0 = arith.constant 0 : i32
    return %arg0, %c0_i32 : i32, i32
  }
}

</mosaic_0001>

<sc_bundles>
// kernel: kernel.4.cloned.1.call-start
scs
__scs_entry_jumppad:
0x0: {  	(pc) =	sbr.rel $0x88, $3  }
0x1: {  	(tag) =	ssettag $0x0;
	lr =	simm.s32 $0x1  }
0x2: {  	[smem:$0x3F98] =	sst lr;
	_ =	strace $0xD0000000  }
0x3: {  	_ = 	snop  }
0x4: {  	_ = 	snop  }
0x5: {  	_ = 	snop  }
0x6: {  	_ = 	snop  }
0x7: {  	_ = 	snop  }
__scs_overlays_trampoline_lowered:
0x8: {  	[smem:$0x3FA7] =	sst s0  }
0x9: {  	[smem:$0x3FA8] =	sst s1  }
0xa: {  	[smem:$0x3FA9] =	sst s2  }
0xb: {  	[smem:$0x3FAA] =	sst s3  }
0xc: {  	[smem:$0x3FAB] =	sst s4  }
0xd: {  	[smem:$0x3FAC] =	sst s5  }
0xe: {  	[smem:$0x3FAD] =	sst s6  }
0xf: {  	[smem:$0x3FAE] =	sst s7  }
0x10: {  	[smem:$0x3FAF] =	sst s8  }
0x11: {  	[smem:$0x3FB0] =	sst s9;
	s0 =	simm.s32 @!p0 $0x0  }
0x12: {  	s1 =	sld [smem:$0x3F96];
	s0 =	simm.s32 @p0 $0x1  }
0x13: {  	[smem:$0x3FB1] =	sst s0;
	s0 =	simm.s32 @!p1 $0x0  }
0x14: {  	s2 =	sld [smem:$0x3F95];
	s0 =	simm.s32 @p1 $0x1  }
0x15: {  	[smem:$0x3FB2] =	sst s0;
	s0 =	simm.s32 @!p2 $0x0  }
0x16: {  	s3 =	sld [smem:$0x3FDB];
	s0 =	simm.s32 @p2 $0x1  }
0x17: {  	s4 =	simm.s32 $0x1BF5;
	[smem:$0x3FB4] =	sst s0  }
0x18: {  	s0 =	sld [smem:$0x3F97];
	_ =	swait.ge [sflag:s4], $0x0  }
0x19: {  	s7 =	sld [smem:$0x3F98]  }
0x1a: {  	s8 =	sadd.s32 $0xFFFFE003, lr  }
0x1b: {  	s9 =	sadd.s32 $0xFFFFFEF7, lr;
	s5 =	simm.s32 $0xFFFFFFFF;
	p2 =	slt.u32 s8, $0xFFFFF086  }
0x1c: {  	p1 =	slt.u32 s9, $0xF7A;
	s5 =	simm.s32 @!p2 $0x0  }
0x1d: {  	s5 =	simm.s32 @p1 $0x1;
	p0 =	seq.s32 s7, s2  }
0x1e: {  	s7 =	smul.u32 @!p0 $0xF7A, s2;
	p2 =	seq.s32 @!p0 s5, $0x0  }
0x1f: {  	s9 =	smul.u32 $0xF7A, s1;
	s8 =	simm.s32 @!p0 $0x1BF5;
	p2 =	por !p2, p0  }
0x20: {  	[sflag:s8] =	ssyncset.s32 @!p0 $0xFFFFF086;
	s6 =	sadd.s32 @!p0 s3, s7;
	s7 =	simm.s32 @!p0 $0x108  }
0x21: {  	s3 =	sadd.s32 s3, s9;
	s6 =	sadd.s32 @!p0 $0x88, s6;
	s7 =	simm.s32 @p2 $0x1082  }
0x22: {  	[simem:s7], [sflag:s8] =	dma.local @!p0 [hbm:s6], $0xF7A  }
0x23: {  	s9 =	sor.u32 $0xD0000000, s2;
	s6 =	simm.s32 $0x108;
	_ =	swait.ge @!p0 [sflag:s8], $0x0  }
0x24: {  	s3 =	sadd.s32 $0x88, s3;
	s6 =	simm.s32 @!p1 $0x1082;
	[sflag:s4] =	ssyncset.s32 $0xFFFFF086  }
0x25: {  	[simem:s6], [sflag:s4] =	dma.local [hbm:s3], $0xF7A  }
0x26: {  	[smem:$0x3F98] =	sst s1;
	(tag) =	ssettag s2;
	_ =	strace s9  }
0x27: {  	s1 =	sld [smem:$0x3FA8]  }
0x28: {  	s2 =	sld [smem:$0x3FA9]  }
0x29: {  	s4 =	sld [smem:$0x3FAB]  }
0x2a: {  	p0 =	seq.s32 s5, $0x0;
	s5 =	sld [smem:$0x3FAC]  }
0x2b: {  	s6 =	sld [smem:$0x3FAD]  }
0x2c: {  	s7 =	sld [smem:$0x3FAE]  }
0x2d: {  	s3 =	simm.s32 $0x108;
	s8 =	sld [smem:$0x3FAF]  }
0x2e: {  	s3 =	simm.s32 @!p0 $0x1082;
	s9 =	sld [smem:$0x3FB0]  }
0x2f: {  	lr =	sadd.s32 s0, s3;
	s0 =	sld [smem:$0x3FA7]  }
0x30: {  	s3 =	sld [smem:$0x3FAA]  }
0x31: {  	[smem:$0x3FB3] =	sst s10  }
0x32: {  	s10 =	sld [smem:$0x3FB1];
	_ =	sdelay $0x3  }
0x33: {  	p0 =	seq.s32 s10, $0x1;
	s10 =	sld [smem:$0x3FB3];
	_ =	sdelay $0x3  }
0x34: {  	[smem:$0x3FB3] =	sst s10  }
0x35: {  	s10 =	sld [smem:$0x3FB2];
	_ =	sdelay $0x3  }
0x36: {  	p1 =	seq.s32 s10, $0x1;
	s10 =	sld [smem:$0x3FB3];
	_ =	sdelay $0x3  }
0x37: {  	[smem:$0x3FB3] =	sst s10  }
0x38: {  	s10 =	sld [smem:$0x3FB4]  }
0x39: {  	_ = 	snop;
	(pc) =	sbr.ind lr, $3  }
0x3a: {  	_ = 	snop  }
0x3b: {  	_ = 	snop  }
0x3c: {  	p2 =	seq.s32 s10, $0x1;
	s10 =	sld [smem:$0x3FB3]  }
0x3d: {  	_ =	shalt  }
0x3e: {  	_ =	shalt  }
0x3f: {  	_ =	shalt  }
0x40: {  	_ =	shalt  }
0x41: {  	_ =	shalt  }
0x42: {  	_ =	shalt  }
0x43: {  	_ =	shalt  }
0x44: {  	_ =	shalt  }
0x45: {  	_ =	shalt  }
0x46: {  	_ =	shalt  }
0x47: {  	_ =	shalt  }
0x48: {  	_ =	shalt  }
0x49: {  	_ =	shalt  }
0x4a: {  	_ =	shalt  }
0x4b: {  	_ =	shalt  }
0x4c: {  	_ =	shalt  }
0x4d: {  	_ =	shalt  }
0x4e: {  	_ =	shalt  }
0x4f: {  	_ =	shalt  }
0x50: {  	_ =	shalt  }
0x51: {  	_ =	shalt  }
0x52: {  	_ =	shalt  }
0x53: {  	_ =	shalt  }
0x54: {  	_ =	shalt  }
0x55: {  	_ =	shalt  }
0x56: {  	_ =	shalt  }
0x57: {  	_ =	shalt  }
0x58: {  	_ =	shalt  }
0x59: {  	_ =	shalt  }
0x5a: {  	_ =	shalt  }
0x5b: {  	_ =	shalt  }
0x5c: {  	_ =	shalt  }
0x5d: {  	_ =	shalt  }
0x5e: {  	_ =	shalt  }
0x5f: {  	_ =	shalt  }
0x60: {  	_ =	shalt  }
0x61: {  	_ =	shalt  }
0x62: {  	_ =	shalt  }
0x63: {  	_ =	shalt  }
0x64: {  	_ =	shalt  }
0x65: {  	_ =	shalt  }
0x66: {  	_ =	shalt  }
0x67: {  	_ =	shalt  }
0x68: {  	_ =	shalt  }
0x69: {  	_ =	shalt  }
0x6a: {  	_ =	shalt  }
0x6b: {  	_ =	shalt  }
0x6c: {  	_ =	shalt  }
0x6d: {  	_ =	shalt  }
0x6e: {  	_ =	shalt  }
0x6f: {  	_ =	shalt  }
0x70: {  	_ =	shalt  }
0x71: {  	_ =	shalt  }
0x72: {  	_ =	shalt  }
0x73: {  	_ =	shalt  }
0x74: {  	_ =	shalt  }
0x75: {  	_ =	shalt  }
0x76: {  	_ =	shalt  }
0x77: {  	_ =	shalt  }
0x78: {  	_ =	shalt  }
0x79: {  	_ =	shalt  }
0x7a: {  	_ =	shalt  }
0x7b: {  	_ =	shalt  }
0x7c: {  	_ =	shalt  }
0x7d: {  	_ =	shalt  }
0x7e: {  	_ =	shalt  }
0x7f: {  	_ =	shalt  }
0x80: {  	_ =	shalt  }
0x81: {  	_ =	shalt  }
0x82: {  	_ =	shalt  }
0x83: {  	_ =	shalt  }
0x84: {  	_ =	shalt  }
0x85: {  	_ =	shalt  }
0x86: {  	_ =	shalt  }
0x87: {  	_ =	shalt  }
.Lfunc_end0:
.L_simem_size_0:
called_computation_lowered:
.L_overlay_start_0:
0x88: {  	s2 =	sld [smem:$0x3FD9]  }
0x89: {  	s3 =	sld [smem:$0x3FFE];
	_ =	sdelay $0x1  }
0x8a: {  	s1 =	srdreg.scid  }
0x8b: {  	s0 =	sand.u32 $0x1, s1  }
0x8c: {  	s15 =	sshll.u32 s0, $0xA;
	s2 =	sadd.s32 s3, s2  }
0x8d: {  	s2 =	sadd.s32 s2, s15  }
0x8e: {  	[smem:$0x3FBF] =	sst s2  }
0x8f: {  	_ = 	snop  }
0x90: {  	s2 =	sld [smem:$0x3FD0];
	_ =	sdelay $0x2  }
0x91: {  	s4 =	simm.s32 $0xA;
	s5 =	simm.s32 $0x10;
	s16 =	sld [smem:$0x3FC7]  }
0x92: {  	[smem:s5], [sflag:s4] =	dma.local [hbm:s2], $0x1  }
0x93: {  	_ =	swait.eq [sflag:s4], $0x1  }
0x94: {  	[sflag:s4] =	ssyncset.done $0x0  }
0x95: {  	[sflag:s4] =	ssyncadd.s32 $0xFFFFFFFF  }
0x96: {  	s17 =	sld [smem:$0x10];
	(tm) =	ssettm $0x1  }
0x97: {  	s18 =	sld [smem:$0x3FFB];
	_ =	sdelay $0x3  }
0x98: {  	_ =	strace s18  }
0x99: {  	s4 =	sld [smem:$0x3FFC];
	_ =	sdelay $0x3  }
0x9a: {  	_ =	strace s4  }
0x9b: {  	s4 =	sld [smem:$0x3FFD];
	_ =	sdelay $0x3  }
0x9c: {  	_ =	strace s4  }
0x9d: {  	_ =	strace $0x8FFFFFFF  }
0x9e: {  	s19 =	sld [smem:$0x3FDB];
	_ =	sdelay $0x1  }
0x9f: {  	s20 =	simm.s32 $_scs_section_size  }
0xa0: {  	s6 =	simm.s32 $_size__tile_overlayer_lowered;
	s7 =	simm.s32 $_tile_overlayer_lowered  }
0xa1: {  	s23 =	simm.s32 $0x1BFF;
	s22 =	sshll.u32 s7, $0x1;
	s4 =	sadd.s32 s20, s19  }
0xa2: {  	s8 =	simm.s32 $0x0;
	s21 =	sshll.u32 s6, $0x1;
	s6 =	sadd.s32 s22, s4  }
0xa3: {  	[timem:s8], [sflag:s23] =	dma.local [hbm:s6], s21  }
0xa4: {  	_ =	swait.ge [sflag:s23], s21  }
0xa5: {  	s5 =	ssub.s32 $0x0, s21;
	[sflag:s23] =	ssyncset.done $0x0  }
0xa6: {  	[sflag:s23] =	ssyncadd.s32 s5;
	_ =	sdelay $0x1  }
0xa7: {  	s24 =	simm.s32 $0x1B8B  }
0xa8: {  	_ =	swait.ge [sflag:s24], $0x1  }
0xa9: {  	[sflag:s24] =	ssyncset.done $0x0  }
0xaa: {  	s25 =	simm.s32 $0x1B8E;
	[sflag:s24] =	ssyncadd.s32 $0xFFFFFFFF  }
0xab: {  	s26 =	simm.s32 $execute0_lowered;
	[smem:$0x3FD2] =	sst s25  }
0xac: {  	s5 =	sshll.u32 s26, $0x1;
	_ =	strace $0x80000046;
	[dreg:$0x1] =	wrdreg $0xFFFFFFFF  }
0xad: {  	s28 =	simm.s32 $_size_execute0_lowered;
	s4 =	sadd.s32 s4, s5;
	[dreg:$0x0] =	wrdreg $0x0  }
0xae: {  	s5 =	sshll.u32 s28, $0x1;
	[dreg:$0x2] =	wrdreg s4  }
0xaf: {  	[dreg:$0x3] =	wrdreg s5  }
0xb0: {  	[dreg:$0x4] =	wrdreg $0xC0  }
0xb1: {  	_ =	task [dreg:s8], $0x5FFFF  }
0xb2: {  	[dreg:$0x1] =	wrdreg $0xFFFFFFFF  }
0xb3: {  	[dreg:$0x0] =	wrdreg $0x60  }
0xb4: {  	[dreg:$0x2] =	wrdreg s16  }
0xb5: {  	[dreg:$0x3] =	wrdreg s17  }
0xb6: {  	[dreg:$0x4] =	wrdreg $0x39000  }
0xb7: {  	[dreg:$0x5] =	wrdreg $0x9  }
0xb8: {  	_ =	task.clear_ibuf [dreg:s8], $0x6FFFF;
	_ =	strace $0x90000046  }
0xb9: {  	s29 =	simm.s32 $0x9;
	_ =	strace $0x80000048  }
0xba: {  	_ =	swait.ge [sflag:s29], $0x1  }
0xbb: {  	[sflag:s29] =	ssyncadd.s32 $0xFFFFFFFF  }
0xbc: {  	_ =	strace $0x90000048  }
0xbd: {  	_ =	sfence  }
0xbe: {  	s30 =	sld [smem:$0x0];
	_ =	sdelay $0x2  }
0xbf: {  	s31 =	sshll.u32 s1, $0xD;
	s1 =	sshrl.u32 s1, $0x2  }
0xc0: {  	s3 =	sand.u32 $0x4000, s31;
	s1 =	sadd.s32 s1, s30  }
0xc1: {  	s0 =	sor.u32 s3, s0;
	s1 =	sshll.u32 s1, $0x11  }
0xc2: {  	s0 =	sor.u32 s1, s0  }
0xc3: {  	s0 =	sadd.s32 $0x8F2B, s0  }
0xc4: {  	[sflag:s0] =	ssyncadd.remote.s32 $0x1  }
0xc5: {  	_ =	sfence.sel $0xFFFF  }
0xc6: {  	[dreg:$0x0] =	wrdreg $0xFFFFFFFF;
	(pc) =	sbr.abs _section_cstart, $3  }
0xc7: {  	[dreg:$0x1] =	wrdreg $0xFFFFFFFF  }
0xc8: {  	_ =	task.clear_ibuf [dreg:s8], $0x2FFFF;
	_ =	strace $0x9FFFFFFF  }
0xc9: {  	(tm) =	ssettm $0x7FFFFFFF  }
tec
execute0_lowered:
.L_overlay_start_1:
0x0: {  	(tag) =	ssettag $0x1  }
0x1: {  	s8 =	rddreg [dreg:$0x0]  }
0x2: {  	s0 =	rddreg [dreg:$0x1]  }
0x3: {  	s2 =	rddreg [dreg:$0x2];
	s9 =	simm.s32 $0x0  }
0x4: {  	s1 =	srdreg.scid;
	s12 =	stileid.u32;
	s19 =	simm.s32 $0x1  }
0x5: {  	s15 =	simm.s32 $0x900;
	s14 =	simm.s32 $0xA00;
	s17 =	simm.s32 $0xB00  }
0x6: {  	s18 =	simm.s32 $0xB80;
	s28 =	simm.s32 $0x2;
	s29 =	simm.s32 $0x3  }
0x7: {  	s30 =	simm.s32 $0x4;
	[smem:$0x7FF] =	sst s9;
	s6 =	smul.u32 $0x6200, s12  }
0x8: {  	s1 =	sand.u32 $0x1, s1;
	s5 =	sshll.u32 s12, $0x1;
	s20 =	smul.u32 $0x3100, s12  }
0x9: {  	s24 =	sadd.s32 $0x30D00, s8;
	s26 =	sshll.u32 s12, $0x6;
	s12 =	simm.s32 $0x800  }
0xa: {  	_ =	strace $0x80000047;
	s3 =	ssub.s32 $0x2, s1;
	s13 =	sor.u32 s1, s5  }
0xb: {  	s7 =	sshll.u32 s1, $0x7;
	[dreg:$0x7] =	wrdreg s24;
	s31 =	sshll.u32 s1, $0x5  }
0xc: {  	[dreg:$0xb] =	wrdreg s26;
	s1 =	simm.s32 $0xC00;
	s24 =	simm.s32 $0xE80  }
0xd: {  	s4 =	sshrl.u32 s3, $0x1;
	s21 =	sshrl.u32 s6, $0x2;
	s22 =	sshll.u32 s13, $0x9  }
0xe: {  	s10 =	ssub.s32 $0x187, s13;
	s11 =	ssub.s32 $0x167, s13;
	[dreg:$0x4] =	wrdreg s13  }
0xf: {  	p0 =	sne.s32 s13, $0x0;
	s13 =	simm.s32 $0x880;
	s6 =	simm.s32 $0xA80  }
0x10: {  	s3 =	ssub.s32 s3, s4;
	s16 =	sadd.s32 s21, s2;
	s23 =	sadd.s32 s8, s22  }
0x11: {  	s4 =	sor.u32 s7, s20;
	s8 =	simm.s32 $0x5;
	s20 =	simm.s32 $0x80  }
0x12: {  	s21 =	simm.s32 $0x2000;
	s7 =	simm.s32 $0x980;
	s22 =	simm.s32 $0xD80  }
0x13: {  	[dreg:$0x6] =	wrdreg s23;
	s5 =	sadd.s32 $0x4000, s23;
	s4 =	sshrl.u32 s4, $0x3  }
.Ltmp0:
0x14: {  	s25 =	smax.u32 s3, $0x1;
	[dreg:$0x5] =	wrdreg s16;
	(pc) =	sbr.rel .LBB2_1-.Ltmp0, $4  }
0x15: {  	s3 =	simm.s32 $0xC80;
	s23 =	simm.s32 $0xE00;
	[dreg:$0x8] =	wrdreg s5  }
0x16: {  	s0 =	sadd.s32 s0, s4;
	[dreg:$0xa] =	wrdreg s25;
	s5 =	simm.s32 $0xD00  }
0x17: {  	s25 =	simm.s32 $0xF00;
	[dreg:$0x9] =	wrdreg s0;
	s0 =	sor.u32 s31, s26  }
0x18: {  	v0 =	vimm.f32 $1.000000000e+00;
	v1 =	vimm.f32 $0.0e+00;
	s4 =	simm.s32 $0x0;
	s26 =	simm.s32 $0xF80;
	[dreg:$0xc] =	wrdreg s0  }
.LBB2_9:
0x19: {  	[bflag:$0x0] =	sbarrier.arrive $0xFFFF  }
0x1a: {  	s0 =	rddreg [dreg:$0xb]  }
0x1b: {  	s31 =	simm.s32 $0x20;
	s12 =	simm.s32 $0x10;
	s16 =	rddreg [dreg:$0x5]  }
0x1c: {  	s8 =	rddreg [dreg:$0x9];
	s0 =	sor.u32 $0x1C05, s0;
	s4 =	sshrl.u32 s16, $0x3  }
0x1d: {  	[hbm:s8@s31], [sflag:s0] =	dma.strided [spmem:s4@s12], $0x310, s19, $0x10   }
0x1e: {  	s8 =	simm.s32 $0x5  }
0x1f: {  	_ =	swait.ge [sflag:s8], $0x310  }
0x20: {  	s0 =	rddreg [dreg:$0xd]  }
0x21: {  	s31 =	rddreg [dreg:$0xa];
	s4 =	sadd.s32 $0x1, s0  }
0x22: {  	p1 =	sne.s32 s4, s31  }
.Ltmp1:
0x23: {  	_ = 	snop;
	(pc) =	sbr.rel @!p1 .LBB2_10-.Ltmp1, $3  }
0x24: {  	_ =	sdelay $0x1  }
0x25: {  	[sflag:s8] =	ssyncset.done $0x0  }
0x26: {  	s12 =	simm.s32 $0x800;
	[sflag:s8] =	ssyncadd.s32 $0xFFFFFCF0  }
.LBB2_1:
0x27: {  	[tilespmem:$0x2000] =	vst v0  }
0x28: {  	[tilespmem:$0x2010] =	vst v0  }
0x29: {  	[tilespmem:$0x2020] =	vst v0  }
0x2a: {  	[tilespmem:$0x2030] =	vst v0  }
0x2b: {  	[tilespmem:$0x2040] =	vst v0  }
0x2c: {  	[tilespmem:$0x2050] =	vst v0  }
0x2d: {  	[tilespmem:$0x2060] =	vst v0  }
0x2e: {  	[dreg:$0xd] =	wrdreg s4;
	[tilespmem:$0x2070] =	vst v0;
	s0 =	simm.s32 $0x40;
	s4 =	simm.s32 $0x0  }
.LBB2_2:
0x2f: {  	p1 =	sne.s32 s0, $0x61C0;
	[tilespmem:s4+$0x2080] =	vst v1;
	s4 =	smov.u32 s0;
	s0 =	sadd.s32 $0x40, s0  }
.Ltmp2:
0x30: {  	(pc) =	sbr.rel @p1 .LBB2_2-.Ltmp2, $2  }
0x31: {  	_ =	sdelay $0x2  }
0x32: {  	s4 =	sshra.s32 s4, $0x2  }
0x33: {  	[tilespmem:s4+$0x2080] =	vst v1;
	s0 =	simm.s32 $0x2080  }
0x34: {  	[spmem:s16] =	stream.linear.scatter [tilespmem:s0], [sflag:$0x5], $0x1880, $0x38;
	[tilespmem:$0x5180] =	vst v63  }
0x35: {  	_ =	swait.ge [sflag:s8], $0x1880  }
0x36: {  	[sflag:s8] =	ssyncset.done $0x0  }
0x37: {  	[sflag:s8] =	ssyncadd.s32 $0xFFFFE780  }
0x38: {  	[bflag:$0x0] =	sbarrier.arrive $0xFFFF  }
0x39: {  	s0 =	simm.s32 @!p0 $0x0;
	s4 =	rddreg [dreg:$0x7]  }
0x3a: {  	[tilespmem:s0], [sflag:$0x5] =	stream.linear.gather @!p0 [hbm4b:s4+s0], $0x200, $0x38;
	[tilespmem:$0x5180] =	vst v63  }
0x3b: {  	s4 =	simm.s32 @!p0 $0x5  }
0x3c: {  	_ =	swait.ge @!p0 [sflag:s4], $0x200  }
0x3d: {  	[sflag:s4] =	ssyncset.done @!p0 $0x0  }
0x3e: {  	s31 =	simm.s32 @!p0 $0x80;
	s16 =	simm.s32 @!p0 $0x2000;
	[sflag:s4] =	ssyncadd.s32 @!p0 $0xFFFFFE00  }
0x3f: {  	[spmem:s2] =	stream.indirect.scatter.add.f32 @!p0 [tilespmem:s16], [sflag:$0x5], $0x1, s0, s31, $0xb8;
	[tilespmem:$0x5180] =	vst v63  }
0x40: {  	_ =	swait.ge @!p0 [sflag:s4], $0x80  }
0x41: {  	[sflag:s4] =	ssyncset.done @!p0 $0x0  }
0x42: {  	[sflag:s4] =	ssyncadd.s32 @!p0 $0xFFFFFF80  }
0x43: {  	[spmem:s2] =	stream.indirect.scatter.add.f32 @!p0 [tilespmem:s16], [sflag:$0x5], $0x1, s31, s31, $0xb8;
	[tilespmem:$0x5180] =	vst v63  }
0x44: {  	_ =	swait.ge @!p0 [sflag:s4], $0x80  }
0x45: {  	[sflag:s4] =	ssyncset.done @!p0 $0x0  }
0x46: {  	s0 =	simm.s32 @!p0 $0x100;
	[sflag:s4] =	ssyncadd.s32 @!p0 $0xFFFFFF80  }
0x47: {  	[spmem:s2] =	stream.indirect.scatter.add.f32 @!p0 [tilespmem:s16], [sflag:$0x5], $0x1, s0, s31, $0xb8;
	[tilespmem:$0x5180] =	vst v63  }
0x48: {  	_ =	swait.ge @!p0 [sflag:s4], $0x80  }
0x49: {  	[sflag:s4] =	ssyncset.done @!p0 $0x0  }
0x4a: {  	s0 =	simm.s32 @!p0 $0x180;
	[sflag:s4] =	ssyncadd.s32 @!p0 $0xFFFFFF80  }
0x4b: {  	[spmem:s2] =	stream.indirect.scatter.add.f32 @!p0 [tilespmem:s16], [sflag:$0x5], $0x1, s0, s31, $0xb8;
	[tilespmem:$0x5180] =	vst v63  }
0x4c: {  	_ =	swait.ge @!p0 [sflag:s4], $0x80  }
.Ltmp3:
0x4d: {  	[sflag:s4] =	ssyncset.done @!p0 $0x0;
	s8 =	rddreg [dreg:$0x8];
	(pc) =	sbr.rel .LBB2_4-.Ltmp3, $4  }
0x4e: {  	s31 =	simm.s32 $0x0;
	[sflag:s4] =	ssyncadd.s32 @!p0 $0xFFFFFF80;
	s4 =	rddreg [dreg:$0x6]  }
0x4f: {  	[tilespmem:s31], [sflag:$0x1] =	stream.linear.gather [hbm4b:s4+s31], $0x1000, $0x38;
	[tilespmem:$0x5180] =	vst v63  }
0x50: {  	s16 =	simm.s32 $0x1000;
	s0 =	rddreg [dreg:$0xc]  }
0x51: {  	[tilespmem:s16], [sflag:$0x2] =	stream.linear.gather [hbm4b:s8+s31], $0x1000, $0x38;
	[tilespmem:$0x5180] =	vst v63  }
.LBB2_7:
0x52: {  	_ =	swait.ge [sflag:s29], $0x80  }
0x53: {  	[sflag:s29] =	ssyncset.done $0x0  }
0x54: {  	[sflag:s29] =	ssyncadd.s32 $0xFFFFFF80  }
0x55: {  	_ =	swait.ge [sflag:s29], $0x80  }
0x56: {  	[sflag:s29] =	ssyncset.done $0x0  }
0x57: {  	[sflag:s29] =	ssyncadd.s32 $0xFFFFFF80  }
0x58: {  	_ =	swait.ge [sflag:s29], $0x80  }
0x59: {  	[sflag:s29] =	ssyncset.done $0x0  }
0x5a: {  	[sflag:s29] =	ssyncadd.s32 $0xFFFFFF80  }
0x5b: {  	_ =	swait.ge [sflag:s29], $0x80  }
0x5c: {  	[sflag:s29] =	ssyncset.done $0x0  }
0x5d: {  	[sflag:s29] =	ssyncadd.s32 $0xFFFFFF80  }
0x5e: {  	_ =	swait.ge [sflag:s29], $0x80  }
0x5f: {  	[sflag:s29] =	ssyncset.done $0x0  }
0x60: {  	[sflag:s29] =	ssyncadd.s32 $0xFFFFFF80  }
0x61: {  	_ =	swait.ge [sflag:s29], $0x80  }
0x62: {  	[sflag:s29] =	ssyncset.done $0x0  }
0x63: {  	[sflag:s29] =	ssyncadd.s32 $0xFFFFFF80  }
0x64: {  	_ =	swait.ge [sflag:s29], $0x80  }
0x65: {  	[sflag:s29] =	ssyncset.done $0x0  }
0x66: {  	[sflag:s29] =	ssyncadd.s32 $0xFFFFFF80  }
0x67: {  	_ =	swait.ge [sflag:s29], $0x80  }
0x68: {  	[sflag:s29] =	ssyncset.done $0x0  }
0x69: {  	[sflag:s29] =	ssyncadd.s32 $0xFFFFFF80  }
0x6a: {  	_ =	swait.ge [sflag:s29], $0x80  }
0x6b: {  	[sflag:s29] =	ssyncset.done $0x0  }
0x6c: {  	[sflag:s29] =	ssyncadd.s32 $0xFFFFFF80  }
0x6d: {  	_ =	swait.ge [sflag:s29], $0x80  }
0x6e: {  	[sflag:s29] =	ssyncset.done $0x0  }
0x6f: {  	[sflag:s29] =	ssyncadd.s32 $0xFFFFFF80  }
0x70: {  	_ =	swait.ge [sflag:s29], $0x80  }
0x71: {  	[sflag:s29] =	ssyncset.done $0x0  }
0x72: {  	[sflag:s29] =	ssyncadd.s32 $0xFFFFFF80  }
0x73: {  	_ =	swait.ge [sflag:s29], $0x80  }
0x74: {  	[sflag:s29] =	ssyncset.done $0x0  }
0x75: {  	[sflag:s29] =	ssyncadd.s32 $0xFFFFFF80  }
0x76: {  	_ =	swait.ge [sflag:s29], $0x80  }
0x77: {  	[sflag:s29] =	ssyncset.done $0x0  }
0x78: {  	[sflag:s29] =	ssyncadd.s32 $0xFFFFFF80  }
0x79: {  	_ =	swait.ge [sflag:s29], $0x80  }
0x7a: {  	[sflag:s29] =	ssyncset.done $0x0  }
0x7b: {  	[sflag:s29] =	ssyncadd.s32 $0xFFFFFF80  }
0x7c: {  	_ =	swait.ge [sflag:s29], $0x80  }
0x7d: {  	[sflag:s29] =	ssyncset.done $0x0  }
0x7e: {  	[sflag:s29] =	ssyncadd.s32 $0xFFFFFF80  }
0x7f: {  	_ =	swait.ge [sflag:s29], $0x80  }
0x80: {  	[sflag:s29] =	ssyncset.done $0x0  }
0x81: {  	[sflag:s29] =	ssyncadd.s32 $0xFFFFFF80  }
0x82: {  	_ =	swait.ge [sflag:s29], $0x80  }
0x83: {  	[sflag:s29] =	ssyncset.done $0x0  }
0x84: {  	[sflag:s29] =	ssyncadd.s32 $0xFFFFFF80  }
0x85: {  	_ =	swait.ge [sflag:s29], $0x80  }
0x86: {  	[sflag:s29] =	ssyncset.done $0x0  }
0x87: {  	[sflag:s29] =	ssyncadd.s32 $0xFFFFFF80  }
0x88: {  	_ =	swait.ge [sflag:s29], $0x80  }
0x89: {  	[sflag:s29] =	ssyncset.done $0x0  }
0x8a: {  	[sflag:s29] =	ssyncadd.s32 $0xFFFFFF80  }
0x8b: {  	_ =	swait.ge [sflag:s29], $0x80  }
0x8c: {  	[sflag:s29] =	ssyncset.done $0x0  }
0x8d: {  	[sflag:s29] =	ssyncadd.s32 $0xFFFFFF80  }
0x8e: {  	_ =	swait.ge [sflag:s29], $0x80  }
0x8f: {  	[sflag:s29] =	ssyncset.done $0x0  }
0x90: {  	[sflag:s29] =	ssyncadd.s32 $0xFFFFFF80  }
0x91: {  	_ =	swait.ge [sflag:s29], $0x80  }
0x92: {  	[sflag:s29] =	ssyncset.done $0x0  }
0x93: {  	[sflag:s29] =	ssyncadd.s32 $0xFFFFFF80  }
0x94: {  	_ =	swait.ge [sflag:s29], $0x80  }
0x95: {  	[sflag:s29] =	ssyncset.done $0x0  }
0x96: {  	[sflag:s29] =	ssyncadd.s32 $0xFFFFFF80  }
0x97: {  	_ =	swait.ge [sflag:s29], $0x80  }
0x98: {  	[sflag:s29] =	ssyncset.done $0x0  }
0x99: {  	[sflag:s29] =	ssyncadd.s32 $0xFFFFFF80  }
0x9a: {  	_ =	swait.ge [sflag:s29], $0x80  }
0x9b: {  	[sflag:s29] =	ssyncset.done $0x0  }
0x9c: {  	[sflag:s29] =	ssyncadd.s32 $0xFFFFFF80  }
0x9d: {  	_ =	swait.ge [sflag:s29], $0x80  }
0x9e: {  	[sflag:s29] =	ssyncset.done $0x0  }
0x9f: {  	[sflag:s29] =	ssyncadd.s32 $0xFFFFFF80  }
0xa0: {  	_ =	swait.ge [sflag:s29], $0x80  }
0xa1: {  	[sflag:s29] =	ssyncset.done $0x0  }
0xa2: {  	[sflag:s29] =	ssyncadd.s32 $0xFFFFFF80  }
0xa3: {  	_ =	swait.ge [sflag:s29], $0x80  }
0xa4: {  	[sflag:s29] =	ssyncset.done $0x0  }
0xa5: {  	[sflag:s29] =	ssyncadd.s32 $0xFFFFFF80  }
0xa6: {  	_ =	swait.ge [sflag:s29], $0x80  }
0xa7: {  	[sflag:s29] =	ssyncset.done $0x0  }
0xa8: {  	[sflag:s29] =	ssyncadd.s32 $0xFFFFFF80  }
0xa9: {  	_ =	swait.ge [sflag:s29], $0x80  }
0xaa: {  	[sflag:s29] =	ssyncset.done $0x0  }
0xab: {  	[sflag:s29] =	ssyncadd.s32 $0xFFFFFF80  }
0xac: {  	_ =	swait.ge [sflag:s29], $0x80  }
0xad: {  	[sflag:s29] =	ssyncset.done $0x0  }
0xae: {  	[sflag:s29] =	ssyncadd.s32 $0xFFFFFF80  }
0xaf: {  	_ =	swait.ge [sflag:s29], $0x80  }
0xb0: {  	[sflag:s29] =	ssyncset.done $0x0  }
0xb1: {  	[sflag:s29] =	ssyncadd.s32 $0xFFFFFF80  }
.LBB2_8:
0xb2: {  	s31 =	sadd.s32 $0x40, s31  }
0xb3: {  	p1 =	sne.s32 s31, $0x1C0  }
.Ltmp4:
0xb4: {  	_ = 	snop;
	(pc) =	sbr.rel @!p1 .LBB2_9-.Ltmp4, $2  }
0xb5: {  	_ =	sdelay $0x2  }
0xb6: {  	s0 =	sadd.s32 $0x800, s0  }
.LBB2_4:
0xb7: {  	p1 =	sge.u32 s31, s10  }
.Ltmp5:
0xb8: {  	_ = 	snop;
	(pc) =	sbr.rel @p1 .LBB2_8-.Ltmp5, $1  }
0xb9: {  	_ =	sdelay $0x3  }
0xba: {  	_ =	swait.ge [sflag:s19], $0x1000  }
0xbb: {  	[sflag:s19] =	ssyncset.done $0x0  }
0xbc: {  	[sflag:s19] =	ssyncadd.s32 $0xFFFFF000  }
0xbd: {  	[spmem:s2] =	stream.indirect.scatter.add.f32 [tilespmem:s21], [sflag:$0x3], $0x1, s9, s20, $0xb8;
	[tilespmem:$0x5180] =	vst v63  }
0xbe: {  	_ = 	snop  }
0xbf: {  	[spmem:s2] =	stream.indirect.scatter.add.f32 [tilespmem:s21], [sflag:$0x3], $0x1, s20, s20, $0xb8;
	[tilespmem:$0x5180] =	vst v63  }
0xc0: {  	s4 =	simm.s32 $0x100  }
0xc1: {  	[spmem:s2] =	stream.indirect.scatter.add.f32 [tilespmem:s21], [sflag:$0x3], $0x1, s4, s20, $0xb8;
	[tilespmem:$0x5180] =	vst v63  }
0xc2: {  	s16 =	simm.s32 $0x180  }
0xc3: {  	[spmem:s2] =	stream.indirect.scatter.add.f32 [tilespmem:s21], [sflag:$0x3], $0x1, s16, s20, $0xb8;
	[tilespmem:$0x5180] =	vst v63  }
0xc4: {  	s8 =	simm.s32 $0x200  }
0xc5: {  	[spmem:s2] =	stream.indirect.scatter.add.f32 [tilespmem:s21], [sflag:$0x3], $0x1, s8, s20, $0xb8;
	[tilespmem:$0x5180] =	vst v63  }
0xc6: {  	s16 =	simm.s32 $0x280  }
0xc7: {  	[spmem:s2] =	stream.indirect.scatter.add.f32 [tilespmem:s21], [sflag:$0x3], $0x1, s16, s20, $0xb8;
	[tilespmem:$0x5180] =	vst v63  }
0xc8: {  	s8 =	simm.s32 $0x300  }
0xc9: {  	[spmem:s2] =	stream.indirect.scatter.add.f32 [tilespmem:s21], [sflag:$0x3], $0x1, s8, s20, $0xb8;
	[tilespmem:$0x5180] =	vst v63  }
0xca: {  	s16 =	simm.s32 $0x380  }
0xcb: {  	[spmem:s2] =	stream.indirect.scatter.add.f32 [tilespmem:s21], [sflag:$0x3], $0x1, s16, s20, $0xb8;
	[tilespmem:$0x5180] =	vst v63  }
0xcc: {  	s8 =	simm.s32 $0x400  }
0xcd: {  	[spmem:s2] =	stream.indirect.scatter.add.f32 [tilespmem:s21], [sflag:$0x3], $0x1, s8, s20, $0xb8;
	[tilespmem:$0x5180] =	vst v63  }
0xce: {  	s16 =	simm.s32 $0x480  }
0xcf: {  	[spmem:s2] =	stream.indirect.scatter.add.f32 [tilespmem:s21], [sflag:$0x3], $0x1, s16, s20, $0xb8;
	[tilespmem:$0x5180] =	vst v63  }
0xd0: {  	s8 =	simm.s32 $0x500  }
0xd1: {  	[spmem:s2] =	stream.indirect.scatter.add.f32 [tilespmem:s21], [sflag:$0x3], $0x1, s8, s20, $0xb8;
	[tilespmem:$0x5180] =	vst v63  }
0xd2: {  	s16 =	simm.s32 $0x580  }
0xd3: {  	[spmem:s2] =	stream.indirect.scatter.add.f32 [tilespmem:s21], [sflag:$0x3], $0x1, s16, s20, $0xb8;
	[tilespmem:$0x5180] =	vst v63  }
0xd4: {  	s8 =	simm.s32 $0x600  }
0xd5: {  	[spmem:s2] =	stream.indirect.scatter.add.f32 [tilespmem:s21], [sflag:$0x3], $0x1, s8, s20, $0xb8;
	[tilespmem:$0x5180] =	vst v63  }
0xd6: {  	s16 =	simm.s32 $0x680  }
0xd7: {  	[spmem:s2] =	stream.indirect.scatter.add.f32 [tilespmem:s21], [sflag:$0x3], $0x1, s16, s20, $0xb8;
	[tilespmem:$0x5180] =	vst v63  }
0xd8: {  	s8 =	simm.s32 $0x700  }
0xd9: {  	[spmem:s2] =	stream.indirect.scatter.add.f32 [tilespmem:s21], [sflag:$0x3], $0x1, s8, s20, $0xb8;
	[tilespmem:$0x5180] =	vst v63  }
0xda: {  	s16 =	simm.s32 $0x780  }
0xdb: {  	[spmem:s2] =	stream.indirect.scatter.add.f32 [tilespmem:s21], [sflag:$0x3], $0x1, s16, s20, $0xb8;
	[tilespmem:$0x5180] =	vst v63  }
0xdc: {  	_ = 	snop  }
0xdd: {  	[spmem:s2] =	stream.indirect.scatter.add.f32 [tilespmem:s21], [sflag:$0x3], $0x1, s12, s20, $0xb8;
	[tilespmem:$0x5180] =	vst v63  }
0xde: {  	_ = 	snop  }
0xdf: {  	[spmem:s2] =	stream.indirect.scatter.add.f32 [tilespmem:s21], [sflag:$0x3], $0x1, s13, s20, $0xb8;
	[tilespmem:$0x5180] =	vst v63  }
0xe0: {  	_ = 	snop  }
0xe1: {  	[spmem:s2] =	stream.indirect.scatter.add.f32 [tilespmem:s21], [sflag:$0x3], $0x1, s15, s20, $0xb8;
	[tilespmem:$0x5180] =	vst v63  }
0xe2: {  	_ = 	snop  }
0xe3: {  	[spmem:s2] =	stream.indirect.scatter.add.f32 [tilespmem:s21], [sflag:$0x3], $0x1, s7, s20, $0xb8;
	[tilespmem:$0x5180] =	vst v63  }
0xe4: {  	_ = 	snop  }
0xe5: {  	[spmem:s2] =	stream.indirect.scatter.add.f32 [tilespmem:s21], [sflag:$0x3], $0x1, s14, s20, $0xb8;
	[tilespmem:$0x5180] =	vst v63  }
0xe6: {  	_ = 	snop  }
0xe7: {  	[spmem:s2] =	stream.indirect.scatter.add.f32 [tilespmem:s21], [sflag:$0x3], $0x1, s6, s20, $0xb8;
	[tilespmem:$0x5180] =	vst v63  }
0xe8: {  	_ = 	snop  }
0xe9: {  	[spmem:s2] =	stream.indirect.scatter.add.f32 [tilespmem:s21], [sflag:$0x3], $0x1, s17, s20, $0xb8;
	[tilespmem:$0x5180] =	vst v63  }
0xea: {  	_ = 	snop  }
0xeb: {  	[spmem:s2] =	stream.indirect.scatter.add.f32 [tilespmem:s21], [sflag:$0x3], $0x1, s18, s20, $0xb8;
	[tilespmem:$0x5180] =	vst v63  }
0xec: {  	_ = 	snop  }
0xed: {  	[spmem:s2] =	stream.indirect.scatter.add.f32 [tilespmem:s21], [sflag:$0x3], $0x1, s1, s20, $0xb8;
	[tilespmem:$0x5180] =	vst v63  }
0xee: {  	_ = 	snop  }
0xef: {  	[spmem:s2] =	stream.indirect.scatter.add.f32 [tilespmem:s21], [sflag:$0x3], $0x1, s3, s20, $0xb8;
	[tilespmem:$0x5180] =	vst v63  }
0xf0: {  	_ = 	snop  }
0xf1: {  	[spmem:s2] =	stream.indirect.scatter.add.f32 [tilespmem:s21], [sflag:$0x3], $0x1, s5, s20, $0xb8;
	[tilespmem:$0x5180] =	vst v63  }
0xf2: {  	_ = 	snop  }
0xf3: {  	[spmem:s2] =	stream.indirect.scatter.add.f32 [tilespmem:s21], [sflag:$0x3], $0x1, s22, s20, $0xb8;
	[tilespmem:$0x5180] =	vst v63  }
0xf4: {  	_ = 	snop  }
0xf5: {  	[spmem:s2] =	stream.indirect.scatter.add.f32 [tilespmem:s21], [sflag:$0x3], $0x1, s23, s20, $0xb8;
	[tilespmem:$0x5180] =	vst v63  }
0xf6: {  	p1 =	sge.u32 s31, s11  }
0xf7: {  	[spmem:s2] =	stream.indirect.scatter.add.f32 [tilespmem:s21], [sflag:$0x3], $0x1, s24, s20, $0xb8;
	[tilespmem:$0x5180] =	vst v63  }
.Ltmp6:
0xf8: {  	_ = 	snop;
	(pc) =	sbr.rel @p1 .LBB2_7-.Ltmp6, $4  }
0xf9: {  	_ = 	snop  }
0xfa: {  	[spmem:s2] =	stream.indirect.scatter.add.f32 [tilespmem:s21], [sflag:$0x3], $0x1, s25, s20, $0xb8;
	[tilespmem:$0x5180] =	vst v63  }
0xfb: {  	_ = 	snop  }
0xfc: {  	[spmem:s2] =	stream.indirect.scatter.add.f32 [tilespmem:s21], [sflag:$0x3], $0x1, s26, s20, $0xb8;
	[tilespmem:$0x5180] =	vst v63  }
0xfd: {  	_ =	swait.ge [sflag:s28], $0x1000  }
0xfe: {  	[sflag:s28] =	ssyncset.done $0x0  }
0xff: {  	s4 =	simm.s32 $0x1000;
	[sflag:s28] =	ssyncadd.s32 $0xFFFFF000  }
0x100: {  	[spmem:s2] =	stream.indirect.scatter.add.f32 [tilespmem:s21], [sflag:$0x4], $0x1, s4, s20, $0xb8;
	[tilespmem:$0x5180] =	vst v63  }
0x101: {  	s9 =	simm.s32 $0x1080  }
0x102: {  	[spmem:s2] =	stream.indirect.scatter.add.f32 [tilespmem:s21], [sflag:$0x4], $0x1, s9, s20, $0xb8;
	[tilespmem:$0x5180] =	vst v63  }
0x103: {  	s16 =	simm.s32 $0x1100  }
0x104: {  	[spmem:s2] =	stream.indirect.scatter.add.f32 [tilespmem:s21], [sflag:$0x4], $0x1, s16, s20, $0xb8;
	[tilespmem:$0x5180] =	vst v63  }
0x105: {  	s8 =	simm.s32 $0x1180  }
0x106: {  	[spmem:s2] =	stream.indirect.scatter.add.f32 [tilespmem:s21], [sflag:$0x4], $0x1, s8, s20, $0xb8;
	[tilespmem:$0x5180] =	vst v63  }
0x107: {  	s9 =	simm.s32 $0x1200  }
0x108: {  	[spmem:s2] =	stream.indirect.scatter.add.f32 [tilespmem:s21], [sflag:$0x4], $0x1, s9, s20, $0xb8;
	[tilespmem:$0x5180] =	vst v63  }
0x109: {  	s16 =	simm.s32 $0x1280  }
0x10a: {  	[spmem:s2] =	stream.indirect.scatter.add.f32 [tilespmem:s21], [sflag:$0x4], $0x1, s16, s20, $0xb8;
	[tilespmem:$0x5180] =	vst v63  }
0x10b: {  	s8 =	simm.s32 $0x1300  }
0x10c: {  	[spmem:s2] =	stream.indirect.scatter.add.f32 [tilespmem:s21], [sflag:$0x4], $0x1, s8, s20, $0xb8;
	[tilespmem:$0x5180] =	vst v63  }
0x10d: {  	s9 =	simm.s32 $0x1380  }
0x10e: {  	[spmem:s2] =	stream.indirect.scatter.add.f32 [tilespmem:s21], [sflag:$0x4], $0x1, s9, s20, $0xb8;
	[tilespmem:$0x5180] =	vst v63  }
0x10f: {  	s16 =	simm.s32 $0x1400  }
0x110: {  	[spmem:s2] =	stream.indirect.scatter.add.f32 [tilespmem:s21], [sflag:$0x4], $0x1, s16, s20, $0xb8;
	[tilespmem:$0x5180] =	vst v63  }
0x111: {  	s8 =	simm.s32 $0x1480  }
0x112: {  	[spmem:s2] =	stream.indirect.scatter.add.f32 [tilespmem:s21], [sflag:$0x4], $0x1, s8, s20, $0xb8;
	[tilespmem:$0x5180] =	vst v63  }
0x113: {  	s9 =	simm.s32 $0x1500  }
0x114: {  	[spmem:s2] =	stream.indirect.scatter.add.f32 [tilespmem:s21], [sflag:$0x4], $0x1, s9, s20, $0xb8;
	[tilespmem:$0x5180] =	vst v63  }
0x115: {  	s16 =	simm.s32 $0x1580  }
0x116: {  	[spmem:s2] =	stream.indirect.scatter.add.f32 [tilespmem:s21], [sflag:$0x4], $0x1, s16, s20, $0xb8;
	[tilespmem:$0x5180] =	vst v63  }
0x117: {  	s8 =	simm.s32 $0x1600  }
0x118: {  	[spmem:s2] =	stream.indirect.scatter.add.f32 [tilespmem:s21], [sflag:$0x4], $0x1, s8, s20, $0xb8;
	[tilespmem:$0x5180] =	vst v63  }
0x119: {  	s9 =	simm.s32 $0x1680  }
0x11a: {  	[spmem:s2] =	stream.indirect.scatter.add.f32 [tilespmem:s21], [sflag:$0x4], $0x1, s9, s20, $0xb8;
	[tilespmem:$0x5180] =	vst v63  }
0x11b: {  	s16 =	simm.s32 $0x1700  }
0x11c: {  	[spmem:s2] =	stream.indirect.scatter.add.f32 [tilespmem:s21], [sflag:$0x4], $0x1, s16, s20, $0xb8;
	[tilespmem:$0x5180] =	vst v63  }
0x11d: {  	s8 =	simm.s32 $0x1780  }
0x11e: {  	[spmem:s2] =	stream.indirect.scatter.add.f32 [tilespmem:s21], [sflag:$0x4], $0x1, s8, s20, $0xb8;
	[tilespmem:$0x5180] =	vst v63  }
0x11f: {  	s9 =	simm.s32 $0x1800  }
0x120: {  	[spmem:s2] =	stream.indirect.scatter.add.f32 [tilespmem:s21], [sflag:$0x4], $0x1, s9, s20, $0xb8;
	[tilespmem:$0x5180] =	vst v63  }
0x121: {  	s16 =	simm.s32 $0x1880  }
0x122: {  	[spmem:s2] =	stream.indirect.scatter.add.f32 [tilespmem:s21], [sflag:$0x4], $0x1, s16, s20, $0xb8;
	[tilespmem:$0x5180] =	vst v63  }
0x123: {  	s8 =	simm.s32 $0x1900  }
0x124: {  	[spmem:s2] =	stream.indirect.scatter.add.f32 [tilespmem:s21], [sflag:$0x4], $0x1, s8, s20, $0xb8;
	[tilespmem:$0x5180] =	vst v63  }
0x125: {  	s9 =	simm.s32 $0x1980  }
0x126: {  	[spmem:s2] =	stream.indirect.scatter.add.f32 [tilespmem:s21], [sflag:$0x4], $0x1, s9, s20, $0xb8;
	[tilespmem:$0x5180] =	vst v63  }
0x127: {  	s16 =	simm.s32 $0x1A00  }
0x128: {  	[spmem:s2] =	stream.indirect.scatter.add.f32 [tilespmem:s21], [sflag:$0x4], $0x1, s16, s20, $0xb8;
	[tilespmem:$0x5180] =	vst v63  }
0x129: {  	s8 =	simm.s32 $0x1A80  }
0x12a: {  	[spmem:s2] =	stream.indirect.scatter.add.f32 [tilespmem:s21], [sflag:$0x4], $0x1, s8, s20, $0xb8;
	[tilespmem:$0x5180] =	vst v63  }
0x12b: {  	s9 =	simm.s32 $0x1B00  }
0x12c: {  	[spmem:s2] =	stream.indirect.scatter.add.f32 [tilespmem:s21], [sflag:$0x4], $0x1, s9, s20, $0xb8;
	[tilespmem:$0x5180] =	vst v63  }
0x12d: {  	s16 =	simm.s32 $0x1B80  }
0x12e: {  	[spmem:s2] =	stream.indirect.scatter.add.f32 [tilespmem:s21], [sflag:$0x4], $0x1, s16, s20, $0xb8;
	[tilespmem:$0x5180] =	vst v63  }
0x12f: {  	s8 =	simm.s32 $0x1C00  }
0x130: {  	[spmem:s2] =	stream.indirect.scatter.add.f32 [tilespmem:s21], [sflag:$0x4], $0x1, s8, s20, $0xb8;
	[tilespmem:$0x5180] =	vst v63  }
0x131: {  	s9 =	simm.s32 $0x1C80  }
0x132: {  	[spmem:s2] =	stream.indirect.scatter.add.f32 [tilespmem:s21], [sflag:$0x4], $0x1, s9, s20, $0xb8;
	[tilespmem:$0x5180] =	vst v63  }
0x133: {  	s16 =	simm.s32 $0x1D00  }
0x134: {  	[spmem:s2] =	stream.indirect.scatter.add.f32 [tilespmem:s21], [sflag:$0x4], $0x1, s16, s20, $0xb8;
	[tilespmem:$0x5180] =	vst v63  }
0x135: {  	s8 =	simm.s32 $0x1D80  }
0x136: {  	[spmem:s2] =	stream.indirect.scatter.add.f32 [tilespmem:s21], [sflag:$0x4], $0x1, s8, s20, $0xb8;
	[tilespmem:$0x5180] =	vst v63  }
0x137: {  	s9 =	simm.s32 $0x1E00  }
0x138: {  	[spmem:s2] =	stream.indirect.scatter.add.f32 [tilespmem:s21], [sflag:$0x4], $0x1, s9, s20, $0xb8;
	[tilespmem:$0x5180] =	vst v63  }
0x139: {  	s16 =	simm.s32 $0x1E80  }
0x13a: {  	[spmem:s2] =	stream.indirect.scatter.add.f32 [tilespmem:s21], [sflag:$0x4], $0x1, s16, s20, $0xb8;
	[tilespmem:$0x5180] =	vst v63  }
0x13b: {  	s8 =	simm.s32 $0x1F00  }
0x13c: {  	[spmem:s2] =	stream.indirect.scatter.add.f32 [tilespmem:s21], [sflag:$0x4], $0x1, s8, s20, $0xb8;
	[tilespmem:$0x5180] =	vst v63  }
0x13d: {  	s9 =	simm.s32 $0x1F80  }
0x13e: {  	[spmem:s2] =	stream.indirect.scatter.add.f32 [tilespmem:s21], [sflag:$0x4], $0x1, s9, s20, $0xb8;
	[tilespmem:$0x5180] =	vst v63  }
0x13f: {  	_ =	swait.ge [sflag:s29], $0x80  }
0x140: {  	[sflag:s29] =	ssyncset.done $0x0  }
0x141: {  	[sflag:s29] =	ssyncadd.s32 $0xFFFFFF80  }
0x142: {  	_ =	swait.ge [sflag:s29], $0x80  }
0x143: {  	[sflag:s29] =	ssyncset.done $0x0  }
0x144: {  	[sflag:s29] =	ssyncadd.s32 $0xFFFFFF80  }
0x145: {  	_ =	swait.ge [sflag:s29], $0x80  }
0x146: {  	[sflag:s29] =	ssyncset.done $0x0  }
0x147: {  	[sflag:s29] =	ssyncadd.s32 $0xFFFFFF80  }
0x148: {  	_ =	swait.ge [sflag:s29], $0x80  }
0x149: {  	[sflag:s29] =	ssyncset.done $0x0  }
0x14a: {  	[sflag:s29] =	ssyncadd.s32 $0xFFFFFF80  }
0x14b: {  	_ =	swait.ge [sflag:s29], $0x80  }
0x14c: {  	[sflag:s29] =	ssyncset.done $0x0  }
0x14d: {  	[sflag:s29] =	ssyncadd.s32 $0xFFFFFF80  }
0x14e: {  	_ =	swait.ge [sflag:s29], $0x80  }
0x14f: {  	[sflag:s29] =	ssyncset.done $0x0  }
0x150: {  	[sflag:s29] =	ssyncadd.s32 $0xFFFFFF80  }
0x151: {  	_ =	swait.ge [sflag:s29], $0x80  }
0x152: {  	[sflag:s29] =	ssyncset.done $0x0  }
0x153: {  	[sflag:s29] =	ssyncadd.s32 $0xFFFFFF80  }
0x154: {  	_ =	swait.ge [sflag:s29], $0x80  }
0x155: {  	[sflag:s29] =	ssyncset.done $0x0  }
0x156: {  	[sflag:s29] =	ssyncadd.s32 $0xFFFFFF80  }
0x157: {  	_ =	swait.ge [sflag:s29], $0x80  }
0x158: {  	[sflag:s29] =	ssyncset.done $0x0  }
0x159: {  	[sflag:s29] =	ssyncadd.s32 $0xFFFFFF80  }
0x15a: {  	_ =	swait.ge [sflag:s29], $0x80  }
0x15b: {  	[sflag:s29] =	ssyncset.done $0x0  }
0x15c: {  	[sflag:s29] =	ssyncadd.s32 $0xFFFFFF80  }
0x15d: {  	_ =	swait.ge [sflag:s29], $0x80  }
0x15e: {  	[sflag:s29] =	ssyncset.done $0x0  }
0x15f: {  	[sflag:s29] =	ssyncadd.s32 $0xFFFFFF80  }
0x160: {  	_ =	swait.ge [sflag:s29], $0x80  }
0x161: {  	[sflag:s29] =	ssyncset.done $0x0  }
0x162: {  	[sflag:s29] =	ssyncadd.s32 $0xFFFFFF80  }
0x163: {  	_ =	swait.ge [sflag:s29], $0x80  }
0x164: {  	[sflag:s29] =	ssyncset.done $0x0  }
0x165: {  	[sflag:s29] =	ssyncadd.s32 $0xFFFFFF80  }
0x166: {  	_ =	swait.ge [sflag:s29], $0x80  }
0x167: {  	[sflag:s29] =	ssyncset.done $0x0  }
0x168: {  	[sflag:s29] =	ssyncadd.s32 $0xFFFFFF80  }
0x169: {  	_ =	swait.ge [sflag:s29], $0x80  }
0x16a: {  	[sflag:s29] =	ssyncset.done $0x0  }
0x16b: {  	[sflag:s29] =	ssyncadd.s32 $0xFFFFFF80  }
0x16c: {  	_ =	swait.ge [sflag:s29], $0x80  }
0x16d: {  	[sflag:s29] =	ssyncset.done $0x0  }
0x16e: {  	[sflag:s29] =	ssyncadd.s32 $0xFFFFFF80  }
0x16f: {  	_ =	swait.ge [sflag:s29], $0x80  }
0x170: {  	[sflag:s29] =	ssyncset.done $0x0  }
0x171: {  	[sflag:s29] =	ssyncadd.s32 $0xFFFFFF80  }
0x172: {  	_ =	swait.ge [sflag:s29], $0x80  }
0x173: {  	[sflag:s29] =	ssyncset.done $0x0  }
0x174: {  	[sflag:s29] =	ssyncadd.s32 $0xFFFFFF80  }
0x175: {  	_ =	swait.ge [sflag:s29], $0x80  }
0x176: {  	[sflag:s29] =	ssyncset.done $0x0  }
0x177: {  	[sflag:s29] =	ssyncadd.s32 $0xFFFFFF80  }
0x178: {  	_ =	swait.ge [sflag:s29], $0x80  }
0x179: {  	[sflag:s29] =	ssyncset.done $0x0  }
0x17a: {  	[sflag:s29] =	ssyncadd.s32 $0xFFFFFF80  }
0x17b: {  	_ =	swait.ge [sflag:s29], $0x80  }
0x17c: {  	[sflag:s29] =	ssyncset.done $0x0  }
0x17d: {  	[sflag:s29] =	ssyncadd.s32 $0xFFFFFF80  }
0x17e: {  	_ =	swait.ge [sflag:s29], $0x80  }
0x17f: {  	[sflag:s29] =	ssyncset.done $0x0  }
0x180: {  	[sflag:s29] =	ssyncadd.s32 $0xFFFFFF80  }
0x181: {  	_ =	swait.ge [sflag:s29], $0x80  }
0x182: {  	[sflag:s29] =	ssyncset.done $0x0  }
0x183: {  	[sflag:s29] =	ssyncadd.s32 $0xFFFFFF80  }
0x184: {  	_ =	swait.ge [sflag:s29], $0x80  }
0x185: {  	[sflag:s29] =	ssyncset.done $0x0  }
0x186: {  	[sflag:s29] =	ssyncadd.s32 $0xFFFFFF80  }
0x187: {  	_ =	swait.ge [sflag:s29], $0x80  }
0x188: {  	[sflag:s29] =	ssyncset.done $0x0  }
0x189: {  	[sflag:s29] =	ssyncadd.s32 $0xFFFFFF80  }
0x18a: {  	_ =	swait.ge [sflag:s29], $0x80  }
0x18b: {  	[sflag:s29] =	ssyncset.done $0x0  }
0x18c: {  	[sflag:s29] =	ssyncadd.s32 $0xFFFFFF80  }
0x18d: {  	_ =	swait.ge [sflag:s29], $0x80  }
0x18e: {  	[sflag:s29] =	ssyncset.done $0x0  }
0x18f: {  	[sflag:s29] =	ssyncadd.s32 $0xFFFFFF80  }
0x190: {  	_ =	swait.ge [sflag:s29], $0x80  }
0x191: {  	[sflag:s29] =	ssyncset.done $0x0  }
0x192: {  	[sflag:s29] =	ssyncadd.s32 $0xFFFFFF80  }
0x193: {  	_ =	swait.ge [sflag:s29], $0x80  }
0x194: {  	[sflag:s29] =	ssyncset.done $0x0  }
0x195: {  	[sflag:s29] =	ssyncadd.s32 $0xFFFFFF80  }
0x196: {  	_ =	swait.ge [sflag:s29], $0x80  }
0x197: {  	[sflag:s29] =	ssyncset.done $0x0  }
0x198: {  	[sflag:s29] =	ssyncadd.s32 $0xFFFFFF80  }
0x199: {  	s16 =	rddreg [dreg:$0x4];
	_ =	swait.ge [sflag:s29], $0x80  }
0x19a: {  	s4 =	sadd.s32 s31, s16;
	[sflag:s29] =	ssyncset.done $0x0  }
0x19b: {  	s16 =	sadd.s32 $0x40, s4;
	[sflag:s29] =	ssyncadd.s32 $0xFFFFFF80  }
0x19c: {  	p1 =	sgt.u32 s16, $0x186;
	_ =	swait.ge [sflag:s29], $0x80  }
0x19d: {  	s16 =	sadd.s32 @!p1 $0x800, s0;
	[sflag:s29] =	ssyncset.done $0x0  }
0x19e: {  	s16 =	smin.u32 @!p1 s16, $0x30B0;
	[sflag:s29] =	ssyncadd.s32 $0xFFFFFF80  }
0x19f: {  	s16 =	sshll.u32 @!p1 s16, $0x4;
	s9 =	rddreg [dreg:$0x0]  }
0x1a0: {  	s8 =	simm.s32 @!p1 $0x0;
	s16 =	sadd.s32 @!p1 s9, s16  }
0x1a1: {  	[tilespmem:s8], [sflag:$0x1] =	stream.linear.gather @!p1 [hbm4b:s16+s8], $0x1000, $0x38;
	[tilespmem:$0x5180] =	vst v63  }
0x1a2: {  	_ =	swait.ge [sflag:s30], $0x80  }
0x1a3: {  	[sflag:s30] =	ssyncset.done $0x0  }
0x1a4: {  	[sflag:s30] =	ssyncadd.s32 $0xFFFFFF80  }
0x1a5: {  	_ =	swait.ge [sflag:s30], $0x80  }
0x1a6: {  	[sflag:s30] =	ssyncset.done $0x0  }
0x1a7: {  	[sflag:s30] =	ssyncadd.s32 $0xFFFFFF80  }
0x1a8: {  	_ =	swait.ge [sflag:s30], $0x80  }
0x1a9: {  	[sflag:s30] =	ssyncset.done $0x0  }
0x1aa: {  	[sflag:s30] =	ssyncadd.s32 $0xFFFFFF80  }
0x1ab: {  	_ =	swait.ge [sflag:s30], $0x80  }
0x1ac: {  	[sflag:s30] =	ssyncset.done $0x0  }
0x1ad: {  	[sflag:s30] =	ssyncadd.s32 $0xFFFFFF80  }
0x1ae: {  	_ =	swait.ge [sflag:s30], $0x80  }
0x1af: {  	[sflag:s30] =	ssyncset.done $0x0  }
0x1b0: {  	[sflag:s30] =	ssyncadd.s32 $0xFFFFFF80  }
0x1b1: {  	_ =	swait.ge [sflag:s30], $0x80  }
0x1b2: {  	[sflag:s30] =	ssyncset.done $0x0  }
0x1b3: {  	[sflag:s30] =	ssyncadd.s32 $0xFFFFFF80  }
0x1b4: {  	_ =	swait.ge [sflag:s30], $0x80  }
0x1b5: {  	[sflag:s30] =	ssyncset.done $0x0  }
0x1b6: {  	[sflag:s30] =	ssyncadd.s32 $0xFFFFFF80  }
0x1b7: {  	_ =	swait.ge [sflag:s30], $0x80  }
0x1b8: {  	[sflag:s30] =	ssyncset.done $0x0  }
0x1b9: {  	[sflag:s30] =	ssyncadd.s32 $0xFFFFFF80  }
0x1ba: {  	_ =	swait.ge [sflag:s30], $0x80  }
0x1bb: {  	[sflag:s30] =	ssyncset.done $0x0  }
0x1bc: {  	[sflag:s30] =	ssyncadd.s32 $0xFFFFFF80  }
0x1bd: {  	_ =	swait.ge [sflag:s30], $0x80  }
0x1be: {  	[sflag:s30] =	ssyncset.done $0x0  }
0x1bf: {  	[sflag:s30] =	ssyncadd.s32 $0xFFFFFF80  }
0x1c0: {  	_ =	swait.ge [sflag:s30], $0x80  }
0x1c1: {  	[sflag:s30] =	ssyncset.done $0x0  }
0x1c2: {  	[sflag:s30] =	ssyncadd.s32 $0xFFFFFF80  }
0x1c3: {  	_ =	swait.ge [sflag:s30], $0x80  }
0x1c4: {  	[sflag:s30] =	ssyncset.done $0x0  }
0x1c5: {  	[sflag:s30] =	ssyncadd.s32 $0xFFFFFF80  }
0x1c6: {  	_ =	swait.ge [sflag:s30], $0x80  }
0x1c7: {  	[sflag:s30] =	ssyncset.done $0x0  }
0x1c8: {  	[sflag:s30] =	ssyncadd.s32 $0xFFFFFF80  }
0x1c9: {  	_ =	swait.ge [sflag:s30], $0x80  }
0x1ca: {  	[sflag:s30] =	ssyncset.done $0x0  }
0x1cb: {  	[sflag:s30] =	ssyncadd.s32 $0xFFFFFF80  }
0x1cc: {  	_ =	swait.ge [sflag:s30], $0x80  }
0x1cd: {  	[sflag:s30] =	ssyncset.done $0x0  }
0x1ce: {  	[sflag:s30] =	ssyncadd.s32 $0xFFFFFF80  }
0x1cf: {  	_ =	swait.ge [sflag:s30], $0x80  }
0x1d0: {  	[sflag:s30] =	ssyncset.done $0x0  }
0x1d1: {  	[sflag:s30] =	ssyncadd.s32 $0xFFFFFF80  }
0x1d2: {  	_ =	swait.ge [sflag:s30], $0x80  }
0x1d3: {  	[sflag:s30] =	ssyncset.done $0x0  }
0x1d4: {  	[sflag:s30] =	ssyncadd.s32 $0xFFFFFF80  }
0x1d5: {  	_ =	swait.ge [sflag:s30], $0x80  }
0x1d6: {  	[sflag:s30] =	ssyncset.done $0x0  }
0x1d7: {  	[sflag:s30] =	ssyncadd.s32 $0xFFFFFF80  }
0x1d8: {  	_ =	swait.ge [sflag:s30], $0x80  }
0x1d9: {  	[sflag:s30] =	ssyncset.done $0x0  }
0x1da: {  	[sflag:s30] =	ssyncadd.s32 $0xFFFFFF80  }
0x1db: {  	_ =	swait.ge [sflag:s30], $0x80  }
0x1dc: {  	[sflag:s30] =	ssyncset.done $0x0  }
0x1dd: {  	[sflag:s30] =	ssyncadd.s32 $0xFFFFFF80  }
0x1de: {  	_ =	swait.ge [sflag:s30], $0x80  }
0x1df: {  	[sflag:s30] =	ssyncset.done $0x0  }
0x1e0: {  	[sflag:s30] =	ssyncadd.s32 $0xFFFFFF80  }
0x1e1: {  	_ =	swait.ge [sflag:s30], $0x80  }
0x1e2: {  	[sflag:s30] =	ssyncset.done $0x0  }
0x1e3: {  	[sflag:s30] =	ssyncadd.s32 $0xFFFFFF80  }
0x1e4: {  	_ =	swait.ge [sflag:s30], $0x80  }
0x1e5: {  	[sflag:s30] =	ssyncset.done $0x0  }
0x1e6: {  	[sflag:s30] =	ssyncadd.s32 $0xFFFFFF80  }
0x1e7: {  	_ =	swait.ge [sflag:s30], $0x80  }
0x1e8: {  	[sflag:s30] =	ssyncset.done $0x0  }
0x1e9: {  	[sflag:s30] =	ssyncadd.s32 $0xFFFFFF80  }
0x1ea: {  	_ =	swait.ge [sflag:s30], $0x80  }
0x1eb: {  	[sflag:s30] =	ssyncset.done $0x0  }
0x1ec: {  	[sflag:s30] =	ssyncadd.s32 $0xFFFFFF80  }
0x1ed: {  	_ =	swait.ge [sflag:s30], $0x80  }
0x1ee: {  	[sflag:s30] =	ssyncset.done $0x0  }
0x1ef: {  	[sflag:s30] =	ssyncadd.s32 $0xFFFFFF80  }
0x1f0: {  	_ =	swait.ge [sflag:s30], $0x80  }
0x1f1: {  	[sflag:s30] =	ssyncset.done $0x0  }
0x1f2: {  	[sflag:s30] =	ssyncadd.s32 $0xFFFFFF80  }
0x1f3: {  	_ =	swait.ge [sflag:s30], $0x80  }
0x1f4: {  	[sflag:s30] =	ssyncset.done $0x0  }
0x1f5: {  	[sflag:s30] =	ssyncadd.s32 $0xFFFFFF80  }
0x1f6: {  	_ =	swait.ge [sflag:s30], $0x80  }
0x1f7: {  	[sflag:s30] =	ssyncset.done $0x0  }
0x1f8: {  	[sflag:s30] =	ssyncadd.s32 $0xFFFFFF80  }
0x1f9: {  	_ =	swait.ge [sflag:s30], $0x80  }
0x1fa: {  	[sflag:s30] =	ssyncset.done $0x0  }
0x1fb: {  	[sflag:s30] =	ssyncadd.s32 $0xFFFFFF80  }
0x1fc: {  	s4 =	sadd.s32 $0x60, s4;
	_ =	swait.ge [sflag:s30], $0x80  }
0x1fd: {  	p1 =	sgt.u32 s4, $0x186;
	[sflag:s30] =	ssyncset.done $0x0  }
.Ltmp7:
0x1fe: {  	s4 =	sadd.s32 @!p1 $0xC00, s0;
	[sflag:s30] =	ssyncadd.s32 $0xFFFFFF80;
	(pc) =	sbr.rel .LBB2_8-.Ltmp7, $4  }
0x1ff: {  	s8 =	simm.s32 @!p1 $0x0;
	s4 =	smin.u32 @!p1 s4, $0x30B0;
	_ =	swait.ge [sflag:s30], $0x80  }
0x200: {  	s16 =	simm.s32 @!p1 $0x1000;
	s4 =	sshll.u32 @!p1 s4, $0x4;
	[sflag:s30] =	ssyncset.done $0x0  }
0x201: {  	s4 =	sadd.s32 @!p1 s9, s4;
	s9 =	simm.s32 $0x0;
	[sflag:s30] =	ssyncadd.s32 $0xFFFFFF80  }
0x202: {  	[tilespmem:s16], [sflag:$0x2] =	stream.linear.gather @!p1 [hbm4b:s4+s8], $0x1000, $0x38;
	[tilespmem:$0x5180] =	vst v63  }
.LBB2_10:
0x203: {  	_ =	sfence.sel $0x180000  }
0x204: {  	[bflag:$0x0] =	sbarrier.arrive $0xFFFF  }
0x205: {  	_ =	strace $0x90000047  }
0x206: {  	s0 =	stileid.u32;
	[bflag:$0x2] =	sbarrier.arrive $0xFFFF  }
0x207: {  	p0 =	sne.s32 s0, $0x0;
	s0 =	rddreg [dreg:$0x3]  }
0x208: {  	s0 =	sadd.s32 @!p0 $0x100000, s0  }
0x209: {  	[sflag:s0] =	ssyncadd.tile.s32 @!p0 $0x1;
	_ =	shalt  }
.Lfunc_end2:
_tile_overlayer_lowered:
.L_overlay_start_2:
0x20a: {  	(tag) =	ssettag $0x2  }
0x20b: {  	s0 =	rddreg [dreg:$0x0];
	s2 =	stileid.u32  }
0x20c: {  	s1 =	rddreg [dreg:$0x1];
	p0 =	sne.s32 s2, $0x0  }
0x20d: {  	s3 =	rddreg [dreg:$0x2];
	[bflag:$0x3] =	sbarrier.arrive $0xFFFF;
	s2 =	simm.s32 @!p0 $0x1C05  }
0x20e: {  	[timem:s3], [sflag:s2] =	dma.local @!p0 [hbm:s0], s1  }
0x20f: {  	s0 =	simm.s32 @!p0 $0x5  }
0x210: {  	_ =	swait.ge @!p0 [sflag:s0], s1  }
0x211: {  	s1 =	ssub.s32 @!p0 $0x0, s1;
	[sflag:s0] =	ssyncset.done @!p0 $0x0  }
0x212: {  	[sflag:s0] =	ssyncadd.s32 @!p0 s1  }
0x213: {  	[bflag:$0x3] =	sbarrier.arrive $0xFFFF  }
0x214: {  	_ =	shalt  }

</sc_bundles>
